<compile_context>
chip_gen: v7x
topology: tpu7x:2x2x1
jax: 0.10.2.dev20260603
libtpu: 0.0.44.dev20260713+nightly
codegen_flags: <defaults>
</compile_context>

<pallas_src>
import functools

import jax
import jax.numpy as jnp
from jax import lax
from jax.experimental import pallas as pl
from jax.experimental.pallas import tpu as pltpu
from jax.experimental.pallas import tpu_sc as plsc

N = 10000
E = 320000
NC, NS = 2, 16
NW = NC * NS
EPW = E // NW
C = 80
NCHUNK = EPW // C
N2 = 10240
RPS = N2 // NS
DPS = N2 // NS


def _make_sc_agg(D, want_deg):
  out_type = [jax.ShapeDtypeStruct((2 * N2, D), jnp.float32)]
  scratch = [
      pltpu.VMEM((EPW,), jnp.int32),
      pltpu.VMEM((NCHUNK, C), jnp.int32),
      pltpu.VMEM((C, D), jnp.float32),
      pltpu.VMEM((C, D), jnp.float32),
      pltpu.VMEM_SHARED((N2, D), jnp.float32),
      pltpu.SemaphoreType.DMA,
      pltpu.SemaphoreType.DMA,
  ]
  if want_deg:
    out_type.append(jax.ShapeDtypeStruct((2 * N2,), jnp.float32))
    scratch += [
        pltpu.VMEM((C,), jnp.float32),
        pltpu.VMEM((C,), jnp.float32),
        pltpu.VMEM_SHARED((N2,), jnp.float32),
    ]

  mesh = plsc.VectorSubcoreMesh(core_axis_name="c", subcore_axis_name="s")
  params = (pltpu.CompilerParams(use_tc_tiling_on_sc=False)
            if D % 128 else None)

  @functools.partial(pl.kernel, out_type=out_type, mesh=mesh,
                     scratch_types=scratch, compiler_params=params)
  def sc_agg(p_hbm, src_hbm, dst_hbm, out_hbm, *rest):
    if want_deg:
      (deg_hbm, src_v, dst_v, rows_a, rows_b, acc, gsa, gsb,
       dzbuf, ones_v, dacc) = rest
    else:
      src_v, dst_v, rows_a, rows_b, acc, gsa, gsb = rest
    rows_v = rows_a
    c = lax.axis_index("c")
    s = lax.axis_index("s")
    w = c * NS + s

    pltpu.async_copy(src_hbm.at[w], src_v, gsa)
    pltpu.async_copy(dst_hbm.at[w], dst_v, gsb)

    z16 = jnp.zeros((16,), jnp.float32)

    def zrow(i, carry):
      for k in range(D // 16):
        rows_v[i, pl.ds(k * 16, 16)] = z16
      return carry

    lax.fori_loop(0, C, zrow, 0)
    for r in range(RPS // C):
      pltpu.sync_copy(rows_v, acc.at[pl.ds(s * RPS + r * C, C)])

    if want_deg:
      one16 = jnp.ones((16,), jnp.float32)
      for k in range(C // 16):
        dzbuf[pl.ds(k * 16, 16)] = z16
        ones_v[pl.ds(k * 16, 16)] = one16
      for r in range(DPS // C):
        pltpu.sync_copy(dzbuf, dacc.at[pl.ds(s * DPS + r * C, C)])

    pltpu.make_async_copy(src_hbm.at[w], src_v, gsa).wait()
    pltpu.make_async_copy(dst_hbm.at[w], dst_v, gsb).wait()
    plsc.subcore_barrier()

    def g_start(j, buf, sem):
      pltpu.async_copy(p_hbm.at[src_v.at[pl.ds(j * C, C)]], buf, sem)

    def g_wait(j, buf, sem):
      pltpu.make_async_copy(p_hbm.at[src_v.at[pl.ds(j * C, C)]],
                            buf, sem).wait()

    def consume(j, buf):
      pltpu.sync_copy(buf, acc.at[dst_v.at[j]], add=True)
      if want_deg:
        pltpu.sync_copy(ones_v, dacc.at[dst_v.at[j]], add=True)

    g_start(0, rows_a, gsa)
    g_start(1, rows_b, gsb)

    def pair(t, carry):
      ja = 2 * t
      jb = 2 * t + 1
      g_wait(ja, rows_a, gsa)
      consume(ja, rows_a)
      g_start(ja + 2, rows_a, gsa)
      g_wait(jb, rows_b, gsb)
      consume(jb, rows_b)

      @pl.when(t < (NCHUNK - 1) // 2 - 1)
      def _():
        g_start(jb + 2, rows_b, gsb)

      return carry

    lax.fori_loop(0, (NCHUNK - 1) // 2, pair, 0)
    jl = NCHUNK - 1
    g_wait(jl, rows_a, gsa)
    consume(jl, rows_a)
    plsc.subcore_barrier()

    pltpu.sync_copy(acc.at[pl.ds(s * RPS, RPS)],
                    out_hbm.at[pl.ds(c * N2 + s * RPS, RPS)])
    if want_deg:
      pltpu.sync_copy(dacc.at[pl.ds(s * DPS, DPS)],
                      deg_hbm.at[pl.ds(c * N2 + s * DPS, DPS)])

  return sc_agg


_sc_agg_deg = _make_sc_agg(128, True)
_sc_agg128 = _make_sc_agg(128, False)
_sc_agg64 = _make_sc_agg(64, False)

BM = 2000


def _proj_body(x_ref, w_ref, o_ref):
  o_ref[...] = jnp.dot(x_ref[...], w_ref[...],
                       preferred_element_type=jnp.float32)


def _tc_proj(x, w):
  din, dout = w.shape
  return pl.pallas_call(
      _proj_body,
      grid=(N // BM,),
      in_specs=[pl.BlockSpec((BM, din), lambda i: (i, 0)),
                pl.BlockSpec((din, dout), lambda i: (0, 0))],
      out_specs=pl.BlockSpec((BM, dout), lambda i: (i, 0)),
      out_shape=jax.ShapeDtypeStruct((N, dout), jnp.float32),
  )(x, w)


def _combine_body(relu, project, dl, h_ref, p0_ref, p1_ref, deg_ref, ws_ref,
                  b_ref, *rest):
  if project:
    wn_ref, hn_ref, pn_ref = rest
  else:
    hn_ref, = rest
  deg = deg_ref[...]
  tot = deg[:, 0:1] + deg[:, 1:2]
  scale = 1.0 / jnp.maximum(tot, 1.0)
  mean = (p0_ref[:, :dl] + p1_ref[:, :dl]) * scale
  hn = (jnp.dot(h_ref[...], ws_ref[...], preferred_element_type=jnp.float32)
        + mean + b_ref[...])
  if relu:
    hn = jnp.maximum(hn, 0.0)
  hn_ref[...] = hn
  if project:
    pn_ref[...] = jnp.dot(hn, wn_ref[...],
                          preferred_element_type=jnp.float32)


def _tc_combine(h, part0, part1, deg2, ws, b, wn=None, relu=True):
  din, dl = ws.shape
  pw = part0.shape[1]
  in_specs = [
      pl.BlockSpec((BM, din), lambda i: (i, 0)),
      pl.BlockSpec((BM, pw), lambda i: (i, 0)),
      pl.BlockSpec((BM, pw), lambda i: (i, 0)),
      pl.BlockSpec((BM, 2), lambda i: (i, 0)),
      pl.BlockSpec((din, dl), lambda i: (0, 0)),
      pl.BlockSpec((1, dl), lambda i: (0, 0)),
  ]
  out_shape = [jax.ShapeDtypeStruct((N, dl), jnp.float32)]
  out_specs = [pl.BlockSpec((BM, dl), lambda i: (i, 0))]
  args = [h, part0, part1, deg2, ws, b.reshape(1, dl)]
  project = wn is not None
  if project:
    dnext = wn.shape[1]
    in_specs.append(pl.BlockSpec((dl, dnext), lambda i: (0, 0)))
    out_shape.append(jax.ShapeDtypeStruct((N, dnext), jnp.float32))
    out_specs.append(pl.BlockSpec((BM, dnext), lambda i: (i, 0)))
    args.append(wn)
  outs = pl.pallas_call(
      functools.partial(_combine_body, relu, project, dl),
      grid=(N // BM,),
      in_specs=in_specs,
      out_specs=out_specs,
      out_shape=out_shape,
  )(*args)
  return outs if project else outs[0]


def kernel(x, edge_index, W_self0, W_neigh0, b0, W_self1, W_neigh1, b1,
           W_self2, W_neigh2, b2):
  src = edge_index[0].astype(jnp.int32).reshape(NW, EPW)
  dst = edge_index[1].astype(jnp.int32).reshape(NW, NCHUNK, C)

  p0 = _tc_proj(x, W_neigh0)
  agg0, deg_raw = _sc_agg_deg(p0, src, dst)
  deg2 = deg_raw.reshape(2, N2)[:, :N].T

  h1, p1 = _tc_combine(x, agg0[:N], agg0[N2:N2 + N], deg2, W_self0, b0,
                       wn=W_neigh1)
  agg1, = _sc_agg128(p1, src, dst)
  h2, p2 = _tc_combine(h1, agg1[:N], agg1[N2:N2 + N], deg2, W_self1, b1,
                       wn=W_neigh2)
  agg2, = _sc_agg64(p2, src, dst)
  out = _tc_combine(h2, agg2[:N], agg2[N2:N2 + N], deg2, W_self2, b2,
                    relu=False)
  return out

# --- scband reference (transcript-rebuilt; emitter-appended) ---
"""Pipeline reference for scband-sage-43396349559222 (READ-ONLY COPY).

The authoritative reference and input builder live on the scoring server;
editing this copy changes nothing except your own understanding.
"""

import jax, jax.numpy as jnp
import numpy as np

N_NODES = 10000
N_EDGES = 320000
IN_FEATS = 128
N_HIDDEN = 128
N_CLASSES = 64


def setup_inputs(seed: int = 0) -> dict:
    key = jax.random.key(seed)
    ks = jax.random.split(key, 16)
    x = jax.random.normal(ks[0], (N_NODES, IN_FEATS), dtype=jnp.float32)
    edge_index = jax.random.randint(ks[1], (2, N_EDGES), 0, N_NODES, dtype=jnp.int64)
    dims = [(IN_FEATS, N_HIDDEN), (N_HIDDEN, N_HIDDEN), (N_HIDDEN, N_CLASSES)]
    inp = {"x": x, "edge_index": edge_index}
    for l, (din, dout) in enumerate(dims):
        s = 1.0 / np.sqrt(din)
        inp[f"W_self{l}"] = jax.random.uniform(ks[2 + 3 * l], (din, dout), minval=-s, maxval=s, dtype=jnp.float32)
        inp[f"W_neigh{l}"] = jax.random.uniform(ks[3 + 3 * l], (din, dout), minval=-s, maxval=s, dtype=jnp.float32)
        inp[f"b{l}"] = jnp.zeros((dout,), dtype=jnp.float32)
    return inp


def _sage_conv(h, edge_index, W_self, W_neigh, b):
    src = edge_index[0]
    dst = edge_index[1]
    msg = jnp.take(h, src, axis=0)
    agg = jax.ops.segment_sum(msg, dst, num_segments=N_NODES)
    deg = jax.ops.segment_sum(jnp.ones((msg.shape[0],), dtype=h.dtype), dst, num_segments=N_NODES)
    mean = agg / jnp.maximum(deg, 1.0)[:, None]
    return h @ W_self + mean @ W_neigh + b


def reference(x, edge_index, W_self0, W_neigh0, b0, W_self1, W_neigh1, b1, W_self2, W_neigh2, b2):
    h = x
    params = [(W_self0, W_neigh0, b0), (W_self1, W_neigh1, b1), (W_self2, W_neigh2, b2)]
    for l, (Ws, Wn, b) in enumerate(params):
        h = _sage_conv(h, edge_index, Ws, Wn, b)
        if l != len(params) - 1:
            h = jax.nn.relu(h)
            # dropout p=0.0 -> identity
    return h

if __name__ == "__main__":
    import jax
    _d = setup_inputs()
    print(jax.jit(kernel)(*tuple(_d.values())))

</pallas_src>

<mosaic_0001>
#map = affine_map<(d0, d1) -> (0, 0)>
#map1 = affine_map<(d0, d1) -> (0, 0, 0)>
module attributes {stable_mosaic.version = 14 : i64} {
  func.func @sc_agg(%arg0: i32, %arg1: i32, %arg2: memref<10000x128xf32, #tpu.memory_space<hbm>>, %arg3: memref<32x10000xi32, #tpu.memory_space<hbm>>, %arg4: memref<32x125x80xi32, #tpu.memory_space<hbm>>, %arg5: memref<20480x128xf32, #tpu.memory_space<hbm>>, %arg6: memref<10000xi32, #tpu.memory_space<vmem>>, %arg7: memref<125x80xi32, #tpu.memory_space<vmem>>, %arg8: memref<80x128xf32, #tpu.memory_space<vmem>>, %arg9: memref<80x128xf32, #tpu.memory_space<vmem>>, %arg10: memref<10240x128xf32, #tpu.memory_space<vmem_shared>>, %arg11: memref<!tpu.dma_semaphore, #tpu.memory_space<semaphore_mem>>, %arg12: memref<!tpu.dma_semaphore, #tpu.memory_space<semaphore_mem>>) attributes {dimension_semantics = [#tpu.dimension_semantics<core_parallel>, #tpu.dimension_semantics<subcore_parallel>], iteration_bounds = array<i64: 2, 16>, scalar_prefetch = 0 : i64, scratch_operands = 7 : i64, tpu.core_type = #tpu.core_type<sc_vector_subcore>, window_params = [{transform_indices = #map}, {transform_indices = #map}, {transform_indices = #map1}, {transform_indices = #map}]} {
    %mul3A = arith.constant 16 : i32
    %mul3A_0 = arith.muli %arg0, %mul3A : i32
    %add3A = arith.addi %mul3A_0, %arg1 : i32
    %dma_start3A = arith.constant 0 : i32
    %dma_start3A_1 = tpu.memref_slice %arg3[%add3A, %dma_start3A] : memref<32x10000xi32, #tpu.memory_space<hbm>> -> memref<1x10000xi32, #tpu.memory_space<hbm>>
    %dma_start3A_2 = tpu.memref_squeeze %dma_start3A_1 : memref<1x10000xi32, #tpu.memory_space<hbm>> -> memref<10000xi32, #tpu.memory_space<hbm>>
    %dma_start3A_3 = arith.constant 0 : i32
    %dma_start3A_4 = tpu.memref_slice %arg3[%add3A, %dma_start3A_3] : memref<32x10000xi32, #tpu.memory_space<hbm>> -> memref<1x10000xi32, #tpu.memory_space<hbm>>
    %dma_start3A_5 = tpu.memref_squeeze %dma_start3A_4 : memref<1x10000xi32, #tpu.memory_space<hbm>> -> memref<10000xi32, #tpu.memory_space<hbm>>
    tpu.enqueue_dma source(%dma_start3A_5 : memref<10000xi32, #tpu.memory_space<hbm>>) target(%arg6 : memref<10000xi32, #tpu.memory_space<vmem>>) target_semaphore(%arg11 : memref<!tpu.dma_semaphore, #tpu.memory_space<semaphore_mem>>)
    %dma_start3A_6 = arith.constant 0 : i32
    %dma_start3A_7 = arith.constant 0 : i32
    %dma_start3A_8 = tpu.memref_slice %arg4[%add3A, %dma_start3A_6, %dma_start3A_7] : memref<32x125x80xi32, #tpu.memory_space<hbm>> -> memref<1x125x80xi32, #tpu.memory_space<hbm>>
    %dma_start3A_9 = tpu.memref_squeeze %dma_start3A_8 : memref<1x125x80xi32, #tpu.memory_space<hbm>> -> memref<125x80xi32, #tpu.memory_space<hbm>>
    %dma_start3A_10 = arith.constant 0 : i32
    %dma_start3A_11 = arith.constant 0 : i32
    %dma_start3A_12 = tpu.memref_slice %arg4[%add3A, %dma_start3A_10, %dma_start3A_11] : memref<32x125x80xi32, #tpu.memory_space<hbm>> -> memref<1x125x80xi32, #tpu.memory_space<hbm>>
    %dma_start3A_13 = tpu.memref_squeeze %dma_start3A_12 : memref<1x125x80xi32, #tpu.memory_space<hbm>> -> memref<125x80xi32, #tpu.memory_space<hbm>>
    tpu.enqueue_dma source(%dma_start3A_13 : memref<125x80xi32, #tpu.memory_space<hbm>>) target(%arg7 : memref<125x80xi32, #tpu.memory_space<vmem>>) target_semaphore(%arg12 : memref<!tpu.dma_semaphore, #tpu.memory_space<semaphore_mem>>)
    %broadcast_in_dim3A = arith.constant 0.000000e+00 : f32
    %broadcast_in_dim3A_14 = vector.broadcast %broadcast_in_dim3A : f32 to vector<16xf32>
    %scan3A = arith.constant 0 : i32
    %scan3A_15 = arith.constant 0 : i32
    %scan3A_16 = arith.constant 80 : i32
    %scan3A_17 = arith.addi %scan3A_15, %scan3A_16 : i32
    %scan3A_18 = arith.constant 1 : i32
    scf.for %scan3A_94 = %scan3A_15 to %scan3A_17 step %scan3A_18  : i32 {
      %swap3A = arith.index_cast %scan3A_94 : i32 to index
      %swap3A_95 = arith.constant 0 : index
      %swap3A_96 = tpu.vector_load %arg8[%swap3A, %swap3A_95] {strides = array<i32>} : memref<80x128xf32, #tpu.memory_space<vmem>>, vector<1x16xf32>,
      %swap3A_97 = vector.shape_cast %swap3A_96 : vector<1x16xf32> to vector<16xf32>
      %swap3A_98 = vector.shape_cast %broadcast_in_dim3A_14 : vector<16xf32> to vector<1x16xf32>
      tpu.vector_store %arg8[%swap3A, %swap3A_95], %swap3A_98 {strides = array<i32>} : memref<80x128xf32, #tpu.memory_space<vmem>>, vector<1x16xf32>,
      %swap3A_99 = arith.index_cast %scan3A_94 : i32 to index
      %swap3A_100 = arith.constant 16 : index
      %swap3A_101 = tpu.vector_load %arg8[%swap3A_99, %swap3A_100] {strides = array<i32>} : memref<80x128xf32, #tpu.memory_space<vmem>>, vector<1x16xf32>,
      %swap3A_102 = vector.shape_cast %swap3A_101 : vector<1x16xf32> to vector<16xf32>
      %swap3A_103 = vector.shape_cast %broadcast_in_dim3A_14 : vector<16xf32> to vector<1x16xf32>
      tpu.vector_store %arg8[%swap3A_99, %swap3A_100], %swap3A_103 {strides = array<i32>} : memref<80x128xf32, #tpu.memory_space<vmem>>, vector<1x16xf32>,
      %swap3A_104 = arith.index_cast %scan3A_94 : i32 to index
      %swap3A_105 = arith.constant 32 : index
      %swap3A_106 = tpu.vector_load %arg8[%swap3A_104, %swap3A_105] {strides = array<i32>} : memref<80x128xf32, #tpu.memory_space<vmem>>, vector<1x16xf32>,
      %swap3A_107 = vector.shape_cast %swap3A_106 : vector<1x16xf32> to vector<16xf32>
      %swap3A_108 = vector.shape_cast %broadcast_in_dim3A_14 : vector<16xf32> to vector<1x16xf32>
      tpu.vector_store %arg8[%swap3A_104, %swap3A_105], %swap3A_108 {strides = array<i32>} : memref<80x128xf32, #tpu.memory_space<vmem>>, vector<1x16xf32>,
      %swap3A_109 = arith.index_cast %scan3A_94 : i32 to index
      %swap3A_110 = arith.constant 48 : index
      %swap3A_111 = tpu.vector_load %arg8[%swap3A_109, %swap3A_110] {strides = array<i32>} : memref<80x128xf32, #tpu.memory_space<vmem>>, vector<1x16xf32>,
      %swap3A_112 = vector.shape_cast %swap3A_111 : vector<1x16xf32> to vector<16xf32>
      %swap3A_113 = vector.shape_cast %broadcast_in_dim3A_14 : vector<16xf32> to vector<1x16xf32>
      tpu.vector_store %arg8[%swap3A_109, %swap3A_110], %swap3A_113 {strides = array<i32>} : memref<80x128xf32, #tpu.memory_space<vmem>>, vector<1x16xf32>,
      %swap3A_114 = arith.index_cast %scan3A_94 : i32 to index
      %swap3A_115 = arith.constant 64 : index
      %swap3A_116 = tpu.vector_load %arg8[%swap3A_114, %swap3A_115] {strides = array<i32>} : memref<80x128xf32, #tpu.memory_space<vmem>>, vector<1x16xf32>,
      %swap3A_117 = vector.shape_cast %swap3A_116 : vector<1x16xf32> to vector<16xf32>
      %swap3A_118 = vector.shape_cast %broadcast_in_dim3A_14 : vector<16xf32> to vector<1x16xf32>
      tpu.vector_store %arg8[%swap3A_114, %swap3A_115], %swap3A_118 {strides = array<i32>} : memref<80x128xf32, #tpu.memory_space<vmem>>, vector<1x16xf32>,
      %swap3A_119 = arith.index_cast %scan3A_94 : i32 to index
      %swap3A_120 = arith.constant 80 : index
      %swap3A_121 = tpu.vector_load %arg8[%swap3A_119, %swap3A_120] {strides = array<i32>} : memref<80x128xf32, #tpu.memory_space<vmem>>, vector<1x16xf32>,
      %swap3A_122 = vector.shape_cast %swap3A_121 : vector<1x16xf32> to vector<16xf32>
      %swap3A_123 = vector.shape_cast %broadcast_in_dim3A_14 : vector<16xf32> to vector<1x16xf32>
      tpu.vector_store %arg8[%swap3A_119, %swap3A_120], %swap3A_123 {strides = array<i32>} : memref<80x128xf32, #tpu.memory_space<vmem>>, vector<1x16xf32>,
      %swap3A_124 = arith.index_cast %scan3A_94 : i32 to index
      %swap3A_125 = arith.constant 96 : index
      %swap3A_126 = tpu.vector_load %arg8[%swap3A_124, %swap3A_125] {strides = array<i32>} : memref<80x128xf32, #tpu.memory_space<vmem>>, vector<1x16xf32>,
      %swap3A_127 = vector.shape_cast %swap3A_126 : vector<1x16xf32> to vector<16xf32>
      %swap3A_128 = vector.shape_cast %broadcast_in_dim3A_14 : vector<16xf32> to vector<1x16xf32>
      tpu.vector_store %arg8[%swap3A_124, %swap3A_125], %swap3A_128 {strides = array<i32>} : memref<80x128xf32, #tpu.memory_space<vmem>>, vector<1x16xf32>,
      %swap3A_129 = arith.index_cast %scan3A_94 : i32 to index
      %swap3A_130 = arith.constant 112 : index
      %swap3A_131 = tpu.vector_load %arg8[%swap3A_129, %swap3A_130] {strides = array<i32>} : memref<80x128xf32, #tpu.memory_space<vmem>>, vector<1x16xf32>,
      %swap3A_132 = vector.shape_cast %swap3A_131 : vector<1x16xf32> to vector<16xf32>
      %swap3A_133 = vector.shape_cast %broadcast_in_dim3A_14 : vector<16xf32> to vector<1x16xf32>
      tpu.vector_store %arg8[%swap3A_129, %swap3A_130], %swap3A_133 {strides = array<i32>} : memref<80x128xf32, #tpu.memory_space<vmem>>, vector<1x16xf32>,
    }
    %scan3A_19 = arith.constant 80 : i32
    %mul3A_20 = arith.constant 640 : i32
    %mul3A_21 = arith.muli %arg1, %mul3A_20 : i32
    %add3A_22 = arith.constant 0 : i32
    %add3A_23 = arith.addi %mul3A_21, %add3A_22 : i32
    "tpu.region"() ({
      %run_scoped3A_94 = tpu.sem_alloc : memref<!tpu.dma_semaphore, #tpu.memory_space<semaphore_mem>>
      %dma_start3A_95 = arith.constant 0 : i32
      %dma_start3A_96 = tpu.memref_slice %arg10[%add3A_23, %dma_start3A_95] : memref<10240x128xf32, #tpu.memory_space<vmem_shared>> -> memref<80x128xf32, #tpu.memory_space<vmem_shared>>
      %dma_start3A_97 = arith.constant 0 : i32
      %dma_start3A_98 = tpu.memref_slice %arg10[%add3A_23, %dma_start3A_97] : memref<10240x128xf32, #tpu.memory_space<vmem_shared>> -> memref<80x128xf32, #tpu.memory_space<vmem_shared>>
      tpu.enqueue_dma source(%arg8 : memref<80x128xf32, #tpu.memory_space<vmem>>) target(%dma_start3A_98 : memref<80x128xf32, #tpu.memory_space<vmem_shared>>) target_semaphore(%run_scoped3A_94 : memref<!tpu.dma_semaphore, #tpu.memory_space<semaphore_mem>>)
      %dma_wait3A_99 = arith.constant 0 : i32
      %dma_wait3A_100 = tpu.memref_slice %arg10[%add3A_23, %dma_wait3A_99] : memref<10240x128xf32, #tpu.memory_space<vmem_shared>> -> memref<80x128xf32, #tpu.memory_space<vmem_shared>>
      %dma_wait3A_101 = arith.constant 0 : i32
      %dma_wait3A_102 = tpu.memref_slice %arg10[%add3A_23, %dma_wait3A_101] : memref<10240x128xf32, #tpu.memory_space<vmem_shared>> -> memref<80x128xf32, #tpu.memory_space<vmem_shared>>
      tpu.wait_dma2 semaphore(%run_scoped3A_94 : memref<!tpu.dma_semaphore, #tpu.memory_space<semaphore_mem>>) src(%arg8 : memref<80x128xf32, #tpu.memory_space<vmem>>) dst(%dma_wait3A_102 : memref<80x128xf32, #tpu.memory_space<vmem_shared>>)
      tpu.yield
    }) : () -> ()
    %mul3A_24 = arith.constant 640 : i32
    %mul3A_25 = arith.muli %arg1, %mul3A_24 : i32
    %add3A_26 = arith.constant 80 : i32
    %add3A_27 = arith.addi %mul3A_25, %add3A_26 : i32
    "tpu.region"() ({
      %run_scoped3A_94 = tpu.sem_alloc : memref<!tpu.dma_semaphore, #tpu.memory_space<semaphore_mem>>
      %dma_start3A_95 = arith.constant 0 : i32
      %dma_start3A_96 = tpu.memref_slice %arg10[%add3A_27, %dma_start3A_95] : memref<10240x128xf32, #tpu.memory_space<vmem_shared>> -> memref<80x128xf32, #tpu.memory_space<vmem_shared>>
      %dma_start3A_97 = arith.constant 0 : i32
      %dma_start3A_98 = tpu.memref_slice %arg10[%add3A_27, %dma_start3A_97] : memref<10240x128xf32, #tpu.memory_space<vmem_shared>> -> memref<80x128xf32, #tpu.memory_space<vmem_shared>>
      tpu.enqueue_dma source(%arg8 : memref<80x128xf32, #tpu.memory_space<vmem>>) target(%dma_start3A_98 : memref<80x128xf32, #tpu.memory_space<vmem_shared>>) target_semaphore(%run_scoped3A_94 : memref<!tpu.dma_semaphore, #tpu.memory_space<semaphore_mem>>)
      %dma_wait3A_99 = arith.constant 0 : i32
      %dma_wait3A_100 = tpu.memref_slice %arg10[%add3A_27, %dma_wait3A_99] : memref<10240x128xf32, #tpu.memory_space<vmem_shared>> -> memref<80x128xf32, #tpu.memory_space<vmem_shared>>
      %dma_wait3A_101 = arith.constant 0 : i32
      %dma_wait3A_102 = tpu.memref_slice %arg10[%add3A_27, %dma_wait3A_101] : memref<10240x128xf32, #tpu.memory_space<vmem_shared>> -> memref<80x128xf32, #tpu.memory_space<vmem_shared>>
      tpu.wait_dma2 semaphore(%run_scoped3A_94 : memref<!tpu.dma_semaphore, #tpu.memory_space<semaphore_mem>>) src(%arg8 : memref<80x128xf32, #tpu.memory_space<vmem>>) dst(%dma_wait3A_102 : memref<80x128xf32, #tpu.memory_space<vmem_shared>>)
      tpu.yield
    }) : () -> ()
    %mul3A_28 = arith.constant 640 : i32
    %mul3A_29 = arith.muli %arg1, %mul3A_28 : i32
    %add3A_30 = arith.constant 160 : i32
    %add3A_31 = arith.addi %mul3A_29, %add3A_30 : i32
    "tpu.region"() ({
      %run_scoped3A_94 = tpu.sem_alloc : memref<!tpu.dma_semaphore, #tpu.memory_space<semaphore_mem>>
      %dma_start3A_95 = arith.constant 0 : i32
      %dma_start3A_96 = tpu.memref_slice %arg10[%add3A_31, %dma_start3A_95] : memref<10240x128xf32, #tpu.memory_space<vmem_shared>> -> memref<80x128xf32, #tpu.memory_space<vmem_shared>>
      %dma_start3A_97 = arith.constant 0 : i32
      %dma_start3A_98 = tpu.memref_slice %arg10[%add3A_31, %dma_start3A_97] : memref<10240x128xf32, #tpu.memory_space<vmem_shared>> -> memref<80x128xf32, #tpu.memory_space<vmem_shared>>
      tpu.enqueue_dma source(%arg8 : memref<80x128xf32, #tpu.memory_space<vmem>>) target(%dma_start3A_98 : memref<80x128xf32, #tpu.memory_space<vmem_shared>>) target_semaphore(%run_scoped3A_94 : memref<!tpu.dma_semaphore, #tpu.memory_space<semaphore_mem>>)
      %dma_wait3A_99 = arith.constant 0 : i32
      %dma_wait3A_100 = tpu.memref_slice %arg10[%add3A_31, %dma_wait3A_99] : memref<10240x128xf32, #tpu.memory_space<vmem_shared>> -> memref<80x128xf32, #tpu.memory_space<vmem_shared>>
      %dma_wait3A_101 = arith.constant 0 : i32
      %dma_wait3A_102 = tpu.memref_slice %arg10[%add3A_31, %dma_wait3A_101] : memref<10240x128xf32, #tpu.memory_space<vmem_shared>> -> memref<80x128xf32, #tpu.memory_space<vmem_shared>>
      tpu.wait_dma2 semaphore(%run_scoped3A_94 : memref<!tpu.dma_semaphore, #tpu.memory_space<semaphore_mem>>) src(%arg8 : memref<80x128xf32, #tpu.memory_space<vmem>>) dst(%dma_wait3A_102 : memref<80x128xf32, #tpu.memory_space<vmem_shared>>)
      tpu.yield
    }) : () -> ()
    %mul3A_32 = arith.constant 640 : i32
    %mul3A_33 = arith.muli %arg1, %mul3A_32 : i32
    %add3A_34 = arith.constant 240 : i32
    %add3A_35 = arith.addi %mul3A_33, %add3A_34 : i32
    "tpu.region"() ({
      %run_scoped3A_94 = tpu.sem_alloc : memref<!tpu.dma_semaphore, #tpu.memory_space<semaphore_mem>>
      %dma_start3A_95 = arith.constant 0 : i32
      %dma_start3A_96 = tpu.memref_slice %arg10[%add3A_35, %dma_start3A_95] : memref<10240x128xf32, #tpu.memory_space<vmem_shared>> -> memref<80x128xf32, #tpu.memory_space<vmem_shared>>
      %dma_start3A_97 = arith.constant 0 : i32
      %dma_start3A_98 = tpu.memref_slice %arg10[%add3A_35, %dma_start3A_97] : memref<10240x128xf32, #tpu.memory_space<vmem_shared>> -> memref<80x128xf32, #tpu.memory_space<vmem_shared>>
      tpu.enqueue_dma source(%arg8 : memref<80x128xf32, #tpu.memory_space<vmem>>) target(%dma_start3A_98 : memref<80x128xf32, #tpu.memory_space<vmem_shared>>) target_semaphore(%run_scoped3A_94 : memref<!tpu.dma_semaphore, #tpu.memory_space<semaphore_mem>>)
      %dma_wait3A_99 = arith.constant 0 : i32
      %dma_wait3A_100 = tpu.memref_slice %arg10[%add3A_35, %dma_wait3A_99] : memref<10240x128xf32, #tpu.memory_space<vmem_shared>> -> memref<80x128xf32, #tpu.memory_space<vmem_shared>>
      %dma_wait3A_101 = arith.constant 0 : i32
      %dma_wait3A_102 = tpu.memref_slice %arg10[%add3A_35, %dma_wait3A_101] : memref<10240x128xf32, #tpu.memory_space<vmem_shared>> -> memref<80x128xf32, #tpu.memory_space<vmem_shared>>
      tpu.wait_dma2 semaphore(%run_scoped3A_94 : memref<!tpu.dma_semaphore, #tpu.memory_space<semaphore_mem>>) src(%arg8 : memref<80x128xf32, #tpu.memory_space<vmem>>) dst(%dma_wait3A_102 : memref<80x128xf32, #tpu.memory_space<vmem_shared>>)
      tpu.yield
    }) : () -> ()
    %mul3A_36 = arith.constant 640 : i32
    %mul3A_37 = arith.muli %arg1, %mul3A_36 : i32
    %add3A_38 = arith.constant 320 : i32
    %add3A_39 = arith.addi %mul3A_37, %add3A_38 : i32
    "tpu.region"() ({
      %run_scoped3A_94 = tpu.sem_alloc : memref<!tpu.dma_semaphore, #tpu.memory_space<semaphore_mem>>
      %dma_start3A_95 = arith.constant 0 : i32
      %dma_start3A_96 = tpu.memref_slice %arg10[%add3A_39, %dma_start3A_95] : memref<10240x128xf32, #tpu.memory_space<vmem_shared>> -> memref<80x128xf32, #tpu.memory_space<vmem_shared>>
      %dma_start3A_97 = arith.constant 0 : i32
      %dma_start3A_98 = tpu.memref_slice %arg10[%add3A_39, %dma_start3A_97] : memref<10240x128xf32, #tpu.memory_space<vmem_shared>> -> memref<80x128xf32, #tpu.memory_space<vmem_shared>>
      tpu.enqueue_dma source(%arg8 : memref<80x128xf32, #tpu.memory_space<vmem>>) target(%dma_start3A_98 : memref<80x128xf32, #tpu.memory_space<vmem_shared>>) target_semaphore(%run_scoped3A_94 : memref<!tpu.dma_semaphore, #tpu.memory_space<semaphore_mem>>)
      %dma_wait3A_99 = arith.constant 0 : i32
      %dma_wait3A_100 = tpu.memref_slice %arg10[%add3A_39, %dma_wait3A_99] : memref<10240x128xf32, #tpu.memory_space<vmem_shared>> -> memref<80x128xf32, #tpu.memory_space<vmem_shared>>
      %dma_wait3A_101 = arith.constant 0 : i32
      %dma_wait3A_102 = tpu.memref_slice %arg10[%add3A_39, %dma_wait3A_101] : memref<10240x128xf32, #tpu.memory_space<vmem_shared>> -> memref<80x128xf32, #tpu.memory_space<vmem_shared>>
      tpu.wait_dma2 semaphore(%run_scoped3A_94 : memref<!tpu.dma_semaphore, #tpu.memory_space<semaphore_mem>>) src(%arg8 : memref<80x128xf32, #tpu.memory_space<vmem>>) dst(%dma_wait3A_102 : memref<80x128xf32, #tpu.memory_space<vmem_shared>>)
      tpu.yield
    }) : () -> ()
    %mul3A_40 = arith.constant 640 : i32
    %mul3A_41 = arith.muli %arg1, %mul3A_40 : i32
    %add3A_42 = arith.constant 400 : i32
    %add3A_43 = arith.addi %mul3A_41, %add3A_42 : i32
    "tpu.region"() ({
      %run_scoped3A_94 = tpu.sem_alloc : memref<!tpu.dma_semaphore, #tpu.memory_space<semaphore_mem>>
      %dma_start3A_95 = arith.constant 0 : i32
      %dma_start3A_96 = tpu.memref_slice %arg10[%add3A_43, %dma_start3A_95] : memref<10240x128xf32, #tpu.memory_space<vmem_shared>> -> memref<80x128xf32, #tpu.memory_space<vmem_shared>>
      %dma_start3A_97 = arith.constant 0 : i32
      %dma_start3A_98 = tpu.memref_slice %arg10[%add3A_43, %dma_start3A_97] : memref<10240x128xf32, #tpu.memory_space<vmem_shared>> -> memref<80x128xf32, #tpu.memory_space<vmem_shared>>
      tpu.enqueue_dma source(%arg8 : memref<80x128xf32, #tpu.memory_space<vmem>>) target(%dma_start3A_98 : memref<80x128xf32, #tpu.memory_space<vmem_shared>>) target_semaphore(%run_scoped3A_94 : memref<!tpu.dma_semaphore, #tpu.memory_space<semaphore_mem>>)
      %dma_wait3A_99 = arith.constant 0 : i32
      %dma_wait3A_100 = tpu.memref_slice %arg10[%add3A_43, %dma_wait3A_99] : memref<10240x128xf32, #tpu.memory_space<vmem_shared>> -> memref<80x128xf32, #tpu.memory_space<vmem_shared>>
      %dma_wait3A_101 = arith.constant 0 : i32
      %dma_wait3A_102 = tpu.memref_slice %arg10[%add3A_43, %dma_wait3A_101] : memref<10240x128xf32, #tpu.memory_space<vmem_shared>> -> memref<80x128xf32, #tpu.memory_space<vmem_shared>>
      tpu.wait_dma2 semaphore(%run_scoped3A_94 : memref<!tpu.dma_semaphore, #tpu.memory_space<semaphore_mem>>) src(%arg8 : memref<80x128xf32, #tpu.memory_space<vmem>>) dst(%dma_wait3A_102 : memref<80x128xf32, #tpu.memory_space<vmem_shared>>)
      tpu.yield
    }) : () -> ()
    %mul3A_44 = arith.constant 640 : i32
    %mul3A_45 = arith.muli %arg1, %mul3A_44 : i32
    %add3A_46 = arith.constant 480 : i32
    %add3A_47 = arith.addi %mul3A_45, %add3A_46 : i32
    "tpu.region"() ({
      %run_scoped3A_94 = tpu.sem_alloc : memref<!tpu.dma_semaphore, #tpu.memory_space<semaphore_mem>>
      %dma_start3A_95 = arith.constant 0 : i32
      %dma_start3A_96 = tpu.memref_slice %arg10[%add3A_47, %dma_start3A_95] : memref<10240x128xf32, #tpu.memory_space<vmem_shared>> -> memref<80x128xf32, #tpu.memory_space<vmem_shared>>
      %dma_start3A_97 = arith.constant 0 : i32
      %dma_start3A_98 = tpu.memref_slice %arg10[%add3A_47, %dma_start3A_97] : memref<10240x128xf32, #tpu.memory_space<vmem_shared>> -> memref<80x128xf32, #tpu.memory_space<vmem_shared>>
      tpu.enqueue_dma source(%arg8 : memref<80x128xf32, #tpu.memory_space<vmem>>) target(%dma_start3A_98 : memref<80x128xf32, #tpu.memory_space<vmem_shared>>) target_semaphore(%run_scoped3A_94 : memref<!tpu.dma_semaphore, #tpu.memory_space<semaphore_mem>>)
      %dma_wait3A_99 = arith.constant 0 : i32
      %dma_wait3A_100 = tpu.memref_slice %arg10[%add3A_47, %dma_wait3A_99] : memref<10240x128xf32, #tpu.memory_space<vmem_shared>> -> memref<80x128xf32, #tpu.memory_space<vmem_shared>>
      %dma_wait3A_101 = arith.constant 0 : i32
      %dma_wait3A_102 = tpu.memref_slice %arg10[%add3A_47, %dma_wait3A_101] : memref<10240x128xf32, #tpu.memory_space<vmem_shared>> -> memref<80x128xf32, #tpu.memory_space<vmem_shared>>
      tpu.wait_dma2 semaphore(%run_scoped3A_94 : memref<!tpu.dma_semaphore, #tpu.memory_space<semaphore_mem>>) src(%arg8 : memref<80x128xf32, #tpu.memory_space<vmem>>) dst(%dma_wait3A_102 : memref<80x128xf32, #tpu.memory_space<vmem_shared>>)
      tpu.yield
    }) : () -> ()
    %mul3A_48 = arith.constant 640 : i32
    %mul3A_49 = arith.muli %arg1, %mul3A_48 : i32
    %add3A_50 = arith.constant 560 : i32
    %add3A_51 = arith.addi %mul3A_49, %add3A_50 : i32
    "tpu.region"() ({
      %run_scoped3A_94 = tpu.sem_alloc : memref<!tpu.dma_semaphore, #tpu.memory_space<semaphore_mem>>
      %dma_start3A_95 = arith.constant 0 : i32
      %dma_start3A_96 = tpu.memref_slice %arg10[%add3A_51, %dma_start3A_95] : memref<10240x128xf32, #tpu.memory_space<vmem_shared>> -> memref<80x128xf32, #tpu.memory_space<vmem_shared>>
      %dma_start3A_97 = arith.constant 0 : i32
      %dma_start3A_98 = tpu.memref_slice %arg10[%add3A_51, %dma_start3A_97] : memref<10240x128xf32, #tpu.memory_space<vmem_shared>> -> memref<80x128xf32, #tpu.memory_space<vmem_shared>>
      tpu.enqueue_dma source(%arg8 : memref<80x128xf32, #tpu.memory_space<vmem>>) target(%dma_start3A_98 : memref<80x128xf32, #tpu.memory_space<vmem_shared>>) target_semaphore(%run_scoped3A_94 : memref<!tpu.dma_semaphore, #tpu.memory_space<semaphore_mem>>)
      %dma_wait3A_99 = arith.constant 0 : i32
      %dma_wait3A_100 = tpu.memref_slice %arg10[%add3A_51, %dma_wait3A_99] : memref<10240x128xf32, #tpu.memory_space<vmem_shared>> -> memref<80x128xf32, #tpu.memory_space<vmem_shared>>
      %dma_wait3A_101 = arith.constant 0 : i32
      %dma_wait3A_102 = tpu.memref_slice %arg10[%add3A_51, %dma_wait3A_101] : memref<10240x128xf32, #tpu.memory_space<vmem_shared>> -> memref<80x128xf32, #tpu.memory_space<vmem_shared>>
      tpu.wait_dma2 semaphore(%run_scoped3A_94 : memref<!tpu.dma_semaphore, #tpu.memory_space<semaphore_mem>>) src(%arg8 : memref<80x128xf32, #tpu.memory_space<vmem>>) dst(%dma_wait3A_102 : memref<80x128xf32, #tpu.memory_space<vmem_shared>>)
      tpu.yield
    }) : () -> ()
    %dma_wait3A = arith.constant 0 : i32
    %dma_wait3A_52 = tpu.memref_slice %arg3[%add3A, %dma_wait3A] : memref<32x10000xi32, #tpu.memory_space<hbm>> -> memref<1x10000xi32, #tpu.memory_space<hbm>>
    %dma_wait3A_53 = tpu.memref_squeeze %dma_wait3A_52 : memref<1x10000xi32, #tpu.memory_space<hbm>> -> memref<10000xi32, #tpu.memory_space<hbm>>
    %dma_wait3A_54 = arith.constant 0 : i32
    %dma_wait3A_55 = tpu.memref_slice %arg3[%add3A, %dma_wait3A_54] : memref<32x10000xi32, #tpu.memory_space<hbm>> -> memref<1x10000xi32, #tpu.memory_space<hbm>>
    %dma_wait3A_56 = tpu.memref_squeeze %dma_wait3A_55 : memref<1x10000xi32, #tpu.memory_space<hbm>> -> memref<10000xi32, #tpu.memory_space<hbm>>
    tpu.wait_dma2 semaphore(%arg11 : memref<!tpu.dma_semaphore, #tpu.memory_space<semaphore_mem>>) src(%dma_wait3A_56 : memref<10000xi32, #tpu.memory_space<hbm>>) dst(%arg6 : memref<10000xi32, #tpu.memory_space<vmem>>)
    %dma_wait3A_57 = arith.constant 0 : i32
    %dma_wait3A_58 = arith.constant 0 : i32
    %dma_wait3A_59 = tpu.memref_slice %arg4[%add3A, %dma_wait3A_57, %dma_wait3A_58] : memref<32x125x80xi32, #tpu.memory_space<hbm>> -> memref<1x125x80xi32, #tpu.memory_space<hbm>>
    %dma_wait3A_60 = tpu.memref_squeeze %dma_wait3A_59 : memref<1x125x80xi32, #tpu.memory_space<hbm>> -> memref<125x80xi32, #tpu.memory_space<hbm>>
    %dma_wait3A_61 = arith.constant 0 : i32
    %dma_wait3A_62 = arith.constant 0 : i32
    %dma_wait3A_63 = tpu.memref_slice %arg4[%add3A, %dma_wait3A_61, %dma_wait3A_62] : memref<32x125x80xi32, #tpu.memory_space<hbm>> -> memref<1x125x80xi32, #tpu.memory_space<hbm>>
    %dma_wait3A_64 = tpu.memref_squeeze %dma_wait3A_63 : memref<1x125x80xi32, #tpu.memory_space<hbm>> -> memref<125x80xi32, #tpu.memory_space<hbm>>
    tpu.wait_dma2 semaphore(%arg12 : memref<!tpu.dma_semaphore, #tpu.memory_space<semaphore_mem>>) src(%dma_wait3A_64 : memref<125x80xi32, #tpu.memory_space<hbm>>) dst(%arg7 : memref<125x80xi32, #tpu.memory_space<vmem>>)
    %barrier3A = arith.constant 0 : index
    tpu.barrier barrier_id(%barrier3A)
    %dma_start3A_65 = arith.constant 0 : i32
    %dma_start3A_66 = tpu.memref_slice %arg6[%dma_start3A_65] : memref<10000xi32, #tpu.memory_space<vmem>> -> memref<80xi32, #tpu.memory_space<vmem>>
    %dma_start3A_67 = arith.constant 0 : i32
    %dma_start3A_68 = arith.constant 0 : i32
    %dma_start3A_69 = tpu.memref_slice %arg2[%dma_start3A_67, %dma_start3A_68] : memref<10000x128xf32, #tpu.memory_space<hbm>> -> memref<10000x128xf32, #tpu.memory_space<hbm>>
    tpu.enqueue_indirect_dma source(%dma_start3A_69 : memref<10000x128xf32, #tpu.memory_space<hbm>>) target(%arg8 : memref<80x128xf32, #tpu.memory_space<vmem>>) offsets(%dma_start3A_66 : memref<80xi32, #tpu.memory_space<vmem>>) semaphore(%arg11 : memref<!tpu.dma_semaphore, #tpu.memory_space<semaphore_mem>>)
    %dma_start3A_70 = arith.constant 80 : i32
    %dma_start3A_71 = tpu.memref_slice %arg6[%dma_start3A_70] : memref<10000xi32, #tpu.memory_space<vmem>> -> memref<80xi32, #tpu.memory_space<vmem>>
    %dma_start3A_72 = arith.constant 0 : i32
    %dma_start3A_73 = arith.constant 0 : i32
    %dma_start3A_74 = tpu.memref_slice %arg2[%dma_start3A_72, %dma_start3A_73] : memref<10000x128xf32, #tpu.memory_space<hbm>> -> memref<10000x128xf32, #tpu.memory_space<hbm>>
    tpu.enqueue_indirect_dma source(%dma_start3A_74 : memref<10000x128xf32, #tpu.memory_space<hbm>>) target(%arg9 : memref<80x128xf32, #tpu.memory_space<vmem>>) offsets(%dma_start3A_71 : memref<80xi32, #tpu.memory_space<vmem>>) semaphore(%arg12 : memref<!tpu.dma_semaphore, #tpu.memory_space<semaphore_mem>>)
    %scan3A_75 = arith.constant 0 : i32
    %scan3A_76 = arith.constant 0 : i32
    %scan3A_77 = arith.constant 62 : i32
    %scan3A_78 = arith.addi %scan3A_76, %scan3A_77 : i32
    %scan3A_79 = arith.constant 1 : i32
    scf.for %scan3A_94 = %scan3A_76 to %scan3A_78 step %scan3A_79  : i32 {
      %mul3A_95 = arith.constant 2 : i32
      %mul3A_96 = arith.muli %mul3A_95, %scan3A_94 : i32
      %mul3A_97 = arith.constant 2 : i32
      %mul3A_98 = arith.muli %mul3A_97, %scan3A_94 : i32
      %add3A_99 = arith.constant 1 : i32
      %add3A_100 = arith.addi %mul3A_98, %add3A_99 : i32
      %mul3A_101 = arith.constant 80 : i32
      %mul3A_102 = arith.muli %mul3A_96, %mul3A_101 : i32
      %dma_wait3A_103 = tpu.memref_slice %arg6[%mul3A_102] : memref<10000xi32, #tpu.memory_space<vmem>> -> memref<80xi32, #tpu.memory_space<vmem>>
      %dma_wait3A_104 = arith.constant 0 : i32
      %dma_wait3A_105 = arith.constant 0 : i32
      %dma_wait3A_106 = tpu.memref_slice %arg2[%dma_wait3A_104, %dma_wait3A_105] : memref<10000x128xf32, #tpu.memory_space<hbm>> -> memref<10000x128xf32, #tpu.memory_space<hbm>>
      tpu.wait_indirect_dma semaphore(%arg11 : memref<!tpu.dma_semaphore, #tpu.memory_space<semaphore_mem>>) src(%dma_wait3A_106 : memref<10000x128xf32, #tpu.memory_space<hbm>>) dst(%arg8 : memref<80x128xf32, #tpu.memory_space<vmem>>)
      "tpu.region"() ({
        %run_scoped3A_123 = tpu.sem_alloc : memref<!tpu.dma_semaphore, #tpu.memory_space<semaphore_mem>>
        %dma_start3A_124 = arith.constant 0 : i32
        %dma_start3A_125 = tpu.memref_slice %arg7[%mul3A_96, %dma_start3A_124] : memref<125x80xi32, #tpu.memory_space<vmem>> -> memref<1x80xi32, #tpu.memory_space<vmem>>
        %dma_start3A_126 = tpu.memref_squeeze %dma_start3A_125 : memref<1x80xi32, #tpu.memory_space<vmem>> -> memref<80xi32, #tpu.memory_space<vmem>>
        %dma_start3A_127 = arith.constant 0 : i32
        %dma_start3A_128 = arith.constant 0 : i32
        %dma_start3A_129 = tpu.memref_slice %arg10[%dma_start3A_127, %dma_start3A_128] : memref<10240x128xf32, #tpu.memory_space<vmem_shared>> -> memref<10240x128xf32, #tpu.memory_space<vmem_shared>>
        tpu.enqueue_indirect_dma source(%arg8 : memref<80x128xf32, #tpu.memory_space<vmem>>) target(%dma_start3A_129 : memref<10240x128xf32, #tpu.memory_space<vmem_shared>>) offsets(%dma_start3A_126 : memref<80xi32, #tpu.memory_space<vmem>>) semaphore(%run_scoped3A_123 : memref<!tpu.dma_semaphore, #tpu.memory_space<semaphore_mem>>) {add = true}
        %dma_wait3A_130 = arith.constant 0 : i32
        %dma_wait3A_131 = tpu.memref_slice %arg7[%mul3A_96, %dma_wait3A_130] : memref<125x80xi32, #tpu.memory_space<vmem>> -> memref<1x80xi32, #tpu.memory_space<vmem>>
        %dma_wait3A_132 = tpu.memref_squeeze %dma_wait3A_131 : memref<1x80xi32, #tpu.memory_space<vmem>> -> memref<80xi32, #tpu.memory_space<vmem>>
        %dma_wait3A_133 = arith.constant 0 : i32
        %dma_wait3A_134 = arith.constant 0 : i32
        %dma_wait3A_135 = tpu.memref_slice %arg10[%dma_wait3A_133, %dma_wait3A_134] : memref<10240x128xf32, #tpu.memory_space<vmem_shared>> -> memref<10240x128xf32, #tpu.memory_space<vmem_shared>>
        tpu.wait_indirect_dma semaphore(%run_scoped3A_123 : memref<!tpu.dma_semaphore, #tpu.memory_space<semaphore_mem>>) src(%arg8 : memref<80x128xf32, #tpu.memory_space<vmem>>) dst(%dma_wait3A_135 : memref<10240x128xf32, #tpu.memory_space<vmem_shared>>)
        tpu.yield
      }) : () -> ()
      %add3A_107 = arith.constant 2 : i32
      %add3A_108 = arith.addi %mul3A_96, %add3A_107 : i32
      %mul3A_109 = arith.constant 80 : i32
      %mul3A_110 = arith.muli %add3A_108, %mul3A_109 : i32
      %dma_start3A_111 = tpu.memref_slice %arg6[%mul3A_110] : memref<10000xi32, #tpu.memory_space<vmem>> -> memref<80xi32, #tpu.memory_space<vmem>>
      %dma_start3A_112 = arith.constant 0 : i32
      %dma_start3A_113 = arith.constant 0 : i32
      %dma_start3A_114 = tpu.memref_slice %arg2[%dma_start3A_112, %dma_start3A_113] : memref<10000x128xf32, #tpu.memory_space<hbm>> -> memref<10000x128xf32, #tpu.memory_space<hbm>>
      tpu.enqueue_indirect_dma source(%dma_start3A_114 : memref<10000x128xf32, #tpu.memory_space<hbm>>) target(%arg8 : memref<80x128xf32, #tpu.memory_space<vmem>>) offsets(%dma_start3A_111 : memref<80xi32, #tpu.memory_space<vmem>>) semaphore(%arg11 : memref<!tpu.dma_semaphore, #tpu.memory_space<semaphore_mem>>)
      %mul3A_115 = arith.constant 80 : i32
      %mul3A_116 = arith.muli %add3A_100, %mul3A_115 : i32
      %dma_wait3A_117 = tpu.memref_slice %arg6[%mul3A_116] : memref<10000xi32, #tpu.memory_space<vmem>> -> memref<80xi32, #tpu.memory_space<vmem>>
      %dma_wait3A_118 = arith.constant 0 : i32
      %dma_wait3A_119 = arith.constant 0 : i32
      %dma_wait3A_120 = tpu.memref_slice %arg2[%dma_wait3A_118, %dma_wait3A_119] : memref<10000x128xf32, #tpu.memory_space<hbm>> -> memref<10000x128xf32, #tpu.memory_space<hbm>>
      tpu.wait_indirect_dma semaphore(%arg12 : memref<!tpu.dma_semaphore, #tpu.memory_space<semaphore_mem>>) src(%dma_wait3A_120 : memref<10000x128xf32, #tpu.memory_space<hbm>>) dst(%arg9 : memref<80x128xf32, #tpu.memory_space<vmem>>)
      "tpu.region"() ({
        %run_scoped3A_123 = tpu.sem_alloc : memref<!tpu.dma_semaphore, #tpu.memory_space<semaphore_mem>>
        %dma_start3A_124 = arith.constant 0 : i32
        %dma_start3A_125 = tpu.memref_slice %arg7[%add3A_100, %dma_start3A_124] : memref<125x80xi32, #tpu.memory_space<vmem>> -> memref<1x80xi32, #tpu.memory_space<vmem>>
        %dma_start3A_126 = tpu.memref_squeeze %dma_start3A_125 : memref<1x80xi32, #tpu.memory_space<vmem>> -> memref<80xi32, #tpu.memory_space<vmem>>
        %dma_start3A_127 = arith.constant 0 : i32
        %dma_start3A_128 = arith.constant 0 : i32
        %dma_start3A_129 = tpu.memref_slice %arg10[%dma_start3A_127, %dma_start3A_128] : memref<10240x128xf32, #tpu.memory_space<vmem_shared>> -> memref<10240x128xf32, #tpu.memory_space<vmem_shared>>
        tpu.enqueue_indirect_dma source(%arg9 : memref<80x128xf32, #tpu.memory_space<vmem>>) target(%dma_start3A_129 : memref<10240x128xf32, #tpu.memory_space<vmem_shared>>) offsets(%dma_start3A_126 : memref<80xi32, #tpu.memory_space<vmem>>) semaphore(%run_scoped3A_123 : memref<!tpu.dma_semaphore, #tpu.memory_space<semaphore_mem>>) {add = true}
        %dma_wait3A_130 = arith.constant 0 : i32
        %dma_wait3A_131 = tpu.memref_slice %arg7[%add3A_100, %dma_wait3A_130] : memref<125x80xi32, #tpu.memory_space<vmem>> -> memref<1x80xi32, #tpu.memory_space<vmem>>
        %dma_wait3A_132 = tpu.memref_squeeze %dma_wait3A_131 : memref<1x80xi32, #tpu.memory_space<vmem>> -> memref<80xi32, #tpu.memory_space<vmem>>
        %dma_wait3A_133 = arith.constant 0 : i32
        %dma_wait3A_134 = arith.constant 0 : i32
        %dma_wait3A_135 = tpu.memref_slice %arg10[%dma_wait3A_133, %dma_wait3A_134] : memref<10240x128xf32, #tpu.memory_space<vmem_shared>> -> memref<10240x128xf32, #tpu.memory_space<vmem_shared>>
        tpu.wait_indirect_dma semaphore(%run_scoped3A_123 : memref<!tpu.dma_semaphore, #tpu.memory_space<semaphore_mem>>) src(%arg9 : memref<80x128xf32, #tpu.memory_space<vmem>>) dst(%dma_wait3A_135 : memref<10240x128xf32, #tpu.memory_space<vmem_shared>>)
        tpu.yield
      }) : () -> ()
      %lt3A = arith.constant 61 : i32
      %lt3A_121 = arith.cmpi slt, %scan3A_94, %lt3A : i32
      %convert_element_type3A = arith.extui %lt3A_121 : i1 to i32
      %cond3A = arith.constant 0 : i32
      %cond3A_122 = arith.cmpi ne, %convert_element_type3A, %cond3A : i32
      scf.if %cond3A_122 {
        %add3A_123 = arith.constant 2 : i32
        %add3A_124 = arith.addi %add3A_100, %add3A_123 : i32
        %mul3A_125 = arith.constant 80 : i32
        %mul3A_126 = arith.muli %add3A_124, %mul3A_125 : i32
        %dma_start3A_127 = tpu.memref_slice %arg6[%mul3A_126] : memref<10000xi32, #tpu.memory_space<vmem>> -> memref<80xi32, #tpu.memory_space<vmem>>
        %dma_start3A_128 = arith.constant 0 : i32
        %dma_start3A_129 = arith.constant 0 : i32
        %dma_start3A_130 = tpu.memref_slice %arg2[%dma_start3A_128, %dma_start3A_129] : memref<10000x128xf32, #tpu.memory_space<hbm>> -> memref<10000x128xf32, #tpu.memory_space<hbm>>
        tpu.enqueue_indirect_dma source(%dma_start3A_130 : memref<10000x128xf32, #tpu.memory_space<hbm>>) target(%arg9 : memref<80x128xf32, #tpu.memory_space<vmem>>) offsets(%dma_start3A_127 : memref<80xi32, #tpu.memory_space<vmem>>) semaphore(%arg12 : memref<!tpu.dma_semaphore, #tpu.memory_space<semaphore_mem>>)
      } else {
      }
    }
    %scan3A_80 = arith.constant 62 : i32
    %dma_wait3A_81 = arith.constant 9920 : i32
    %dma_wait3A_82 = tpu.memref_slice %arg6[%dma_wait3A_81] : memref<10000xi32, #tpu.memory_space<vmem>> -> memref<80xi32, #tpu.memory_space<vmem>>
    %dma_wait3A_83 = arith.constant 0 : i32
    %dma_wait3A_84 = arith.constant 0 : i32
    %dma_wait3A_85 = tpu.memref_slice %arg2[%dma_wait3A_83, %dma_wait3A_84] : memref<10000x128xf32, #tpu.memory_space<hbm>> -> memref<10000x128xf32, #tpu.memory_space<hbm>>
    tpu.wait_indirect_dma semaphore(%arg11 : memref<!tpu.dma_semaphore, #tpu.memory_space<semaphore_mem>>) src(%dma_wait3A_85 : memref<10000x128xf32, #tpu.memory_space<hbm>>) dst(%arg8 : memref<80x128xf32, #tpu.memory_space<vmem>>)
    %run_scoped3A = arith.constant 124 : i32
    "tpu.region"() ({
      %run_scoped3A_94 = tpu.sem_alloc : memref<!tpu.dma_semaphore, #tpu.memory_space<semaphore_mem>>
      %dma_start3A_95 = arith.constant 0 : i32
      %dma_start3A_96 = tpu.memref_slice %arg7[%run_scoped3A, %dma_start3A_95] : memref<125x80xi32, #tpu.memory_space<vmem>> -> memref<1x80xi32, #tpu.memory_space<vmem>>
      %dma_start3A_97 = tpu.memref_squeeze %dma_start3A_96 : memref<1x80xi32, #tpu.memory_space<vmem>> -> memref<80xi32, #tpu.memory_space<vmem>>
      %dma_start3A_98 = arith.constant 0 : i32
      %dma_start3A_99 = arith.constant 0 : i32
      %dma_start3A_100 = tpu.memref_slice %arg10[%dma_start3A_98, %dma_start3A_99] : memref<10240x128xf32, #tpu.memory_space<vmem_shared>> -> memref<10240x128xf32, #tpu.memory_space<vmem_shared>>
      tpu.enqueue_indirect_dma source(%arg8 : memref<80x128xf32, #tpu.memory_space<vmem>>) target(%dma_start3A_100 : memref<10240x128xf32, #tpu.memory_space<vmem_shared>>) offsets(%dma_start3A_97 : memref<80xi32, #tpu.memory_space<vmem>>) semaphore(%run_scoped3A_94 : memref<!tpu.dma_semaphore, #tpu.memory_space<semaphore_mem>>) {add = true}
      %dma_wait3A_101 = arith.constant 0 : i32
      %dma_wait3A_102 = tpu.memref_slice %arg7[%run_scoped3A, %dma_wait3A_101] : memref<125x80xi32, #tpu.memory_space<vmem>> -> memref<1x80xi32, #tpu.memory_space<vmem>>
      %dma_wait3A_103 = tpu.memref_squeeze %dma_wait3A_102 : memref<1x80xi32, #tpu.memory_space<vmem>> -> memref<80xi32, #tpu.memory_space<vmem>>
      %dma_wait3A_104 = arith.constant 0 : i32
      %dma_wait3A_105 = arith.constant 0 : i32
      %dma_wait3A_106 = tpu.memref_slice %arg10[%dma_wait3A_104, %dma_wait3A_105] : memref<10240x128xf32, #tpu.memory_space<vmem_shared>> -> memref<10240x128xf32, #tpu.memory_space<vmem_shared>>
      tpu.wait_indirect_dma semaphore(%run_scoped3A_94 : memref<!tpu.dma_semaphore, #tpu.memory_space<semaphore_mem>>) src(%arg8 : memref<80x128xf32, #tpu.memory_space<vmem>>) dst(%dma_wait3A_106 : memref<10240x128xf32, #tpu.memory_space<vmem_shared>>)
      tpu.yield
    }) : () -> ()
    %barrier3A_86 = arith.constant 0 : index
    tpu.barrier barrier_id(%barrier3A_86)
    %mul3A_87 = arith.constant 640 : i32
    %mul3A_88 = arith.muli %arg1, %mul3A_87 : i32
    %mul3A_89 = arith.constant 10240 : i32
    %mul3A_90 = arith.muli %arg0, %mul3A_89 : i32
    %mul3A_91 = arith.constant 640 : i32
    %mul3A_92 = arith.muli %arg1, %mul3A_91 : i32
    %add3A_93 = arith.addi %mul3A_90, %mul3A_92 : i32
    "tpu.region"() ({
      %run_scoped3A_94 = tpu.sem_alloc : memref<!tpu.dma_semaphore, #tpu.memory_space<semaphore_mem>>
      %dma_start3A_95 = arith.constant 0 : i32
      %dma_start3A_96 = tpu.memref_slice %arg5[%add3A_93, %dma_start3A_95] : memref<20480x128xf32, #tpu.memory_space<hbm>> -> memref<640x128xf32, #tpu.memory_space<hbm>>
      %dma_start3A_97 = arith.constant 0 : i32
      %dma_start3A_98 = tpu.memref_slice %arg10[%mul3A_88, %dma_start3A_97] : memref<10240x128xf32, #tpu.memory_space<vmem_shared>> -> memref<640x128xf32, #tpu.memory_space<vmem_shared>>
      tpu.enqueue_dma source(%dma_start3A_98 : memref<640x128xf32, #tpu.memory_space<vmem_shared>>) target(%dma_start3A_96 : memref<640x128xf32, #tpu.memory_space<hbm>>) target_semaphore(%run_scoped3A_94 : memref<!tpu.dma_semaphore, #tpu.memory_space<semaphore_mem>>)
      %dma_wait3A_99 = arith.constant 0 : i32
      %dma_wait3A_100 = tpu.memref_slice %arg5[%add3A_93, %dma_wait3A_99] : memref<20480x128xf32, #tpu.memory_space<hbm>> -> memref<640x128xf32, #tpu.memory_space<hbm>>
      %dma_wait3A_101 = arith.constant 0 : i32
      %dma_wait3A_102 = tpu.memref_slice %arg10[%mul3A_88, %dma_wait3A_101] : memref<10240x128xf32, #tpu.memory_space<vmem_shared>> -> memref<640x128xf32, #tpu.memory_space<vmem_shared>>
      tpu.wait_dma2 semaphore(%run_scoped3A_94 : memref<!tpu.dma_semaphore, #tpu.memory_space<semaphore_mem>>) src(%dma_wait3A_102 : memref<640x128xf32, #tpu.memory_space<vmem_shared>>) dst(%dma_wait3A_100 : memref<640x128xf32, #tpu.memory_space<hbm>>)
      tpu.yield
    }) : () -> ()
    return
  }
}

#map = affine_map<(d0, d1) -> (0, 0)>
#map1 = affine_map<(d0, d1) -> (0, 0, 0)>
module attributes {stable_mosaic.version = 14 : i64} {
  func.func @sc_agg(%arg0: i32, %arg1: i32, %arg2: memref<10000x64xf32, #tpu.memory_space<hbm>>, %arg3: memref<32x10000xi32, #tpu.memory_space<hbm>>, %arg4: memref<32x125x80xi32, #tpu.memory_space<hbm>>, %arg5: memref<20480x64xf32, #tpu.memory_space<hbm>>, %arg6: memref<10000xi32, #tpu.memory_space<vmem>>, %arg7: memref<125x80xi32, #tpu.memory_space<vmem>>, %arg8: memref<80x64xf32, #tpu.memory_space<vmem>>, %arg9: memref<80x64xf32, #tpu.memory_space<vmem>>, %arg10: memref<10240x64xf32, #tpu.memory_space<vmem_shared>>, %arg11: memref<!tpu.dma_semaphore, #tpu.memory_space<semaphore_mem>>, %arg12: memref<!tpu.dma_semaphore, #tpu.memory_space<semaphore_mem>>) attributes {dimension_semantics = [#tpu.dimension_semantics<core_parallel>, #tpu.dimension_semantics<subcore_parallel>], iteration_bounds = array<i64: 2, 16>, scalar_prefetch = 0 : i64, scratch_operands = 7 : i64, tpu.core_type = #tpu.core_type<sc_vector_subcore>, window_params = [{transform_indices = #map}, {transform_indices = #map}, {transform_indices = #map1}, {transform_indices = #map}]} {
    %mul3A = arith.constant 16 : i32
    %mul3A_0 = arith.muli %arg0, %mul3A : i32
    %add3A = arith.addi %mul3A_0, %arg1 : i32
    %dma_start3A = arith.constant 0 : i32
    %dma_start3A_1 = tpu.memref_slice %arg3[%add3A, %dma_start3A] : memref<32x10000xi32, #tpu.memory_space<hbm>> -> memref<1x10000xi32, #tpu.memory_space<hbm>>
    %dma_start3A_2 = tpu.memref_squeeze %dma_start3A_1 : memref<1x10000xi32, #tpu.memory_space<hbm>> -> memref<10000xi32, #tpu.memory_space<hbm>>
    %dma_start3A_3 = arith.constant 0 : i32
    %dma_start3A_4 = tpu.memref_slice %arg3[%add3A, %dma_start3A_3] : memref<32x10000xi32, #tpu.memory_space<hbm>> -> memref<1x10000xi32, #tpu.memory_space<hbm>>
    %dma_start3A_5 = tpu.memref_squeeze %dma_start3A_4 : memref<1x10000xi32, #tpu.memory_space<hbm>> -> memref<10000xi32, #tpu.memory_space<hbm>>
    tpu.enqueue_dma source(%dma_start3A_5 : memref<10000xi32, #tpu.memory_space<hbm>>) target(%arg6 : memref<10000xi32, #tpu.memory_space<vmem>>) target_semaphore(%arg11 : memref<!tpu.dma_semaphore, #tpu.memory_space<semaphore_mem>>)
    %dma_start3A_6 = arith.constant 0 : i32
    %dma_start3A_7 = arith.constant 0 : i32
    %dma_start3A_8 = tpu.memref_slice %arg4[%add3A, %dma_start3A_6, %dma_start3A_7] : memref<32x125x80xi32, #tpu.memory_space<hbm>> -> memref<1x125x80xi32, #tpu.memory_space<hbm>>
    %dma_start3A_9 = tpu.memref_squeeze %dma_start3A_8 : memref<1x125x80xi32, #tpu.memory_space<hbm>> -> memref<125x80xi32, #tpu.memory_space<hbm>>
    %dma_start3A_10 = arith.constant 0 : i32
    %dma_start3A_11 = arith.constant 0 : i32
    %dma_start3A_12 = tpu.memref_slice %arg4[%add3A, %dma_start3A_10, %dma_start3A_11] : memref<32x125x80xi32, #tpu.memory_space<hbm>> -> memref<1x125x80xi32, #tpu.memory_space<hbm>>
    %dma_start3A_13 = tpu.memref_squeeze %dma_start3A_12 : memref<1x125x80xi32, #tpu.memory_space<hbm>> -> memref<125x80xi32, #tpu.memory_space<hbm>>
    tpu.enqueue_dma source(%dma_start3A_13 : memref<125x80xi32, #tpu.memory_space<hbm>>) target(%arg7 : memref<125x80xi32, #tpu.memory_space<vmem>>) target_semaphore(%arg12 : memref<!tpu.dma_semaphore, #tpu.memory_space<semaphore_mem>>)
    %broadcast_in_dim3A = arith.constant 0.000000e+00 : f32
    %broadcast_in_dim3A_14 = vector.broadcast %broadcast_in_dim3A : f32 to vector<16xf32>
    %scan3A = arith.constant 0 : i32
    %scan3A_15 = arith.constant 0 : i32
    %scan3A_16 = arith.constant 80 : i32
    %scan3A_17 = arith.addi %scan3A_15, %scan3A_16 : i32
    %scan3A_18 = arith.constant 1 : i32
    scf.for %scan3A_94 = %scan3A_15 to %scan3A_17 step %scan3A_18  : i32 {
      %swap3A = arith.index_cast %scan3A_94 : i32 to index
      %swap3A_95 = arith.constant 0 : index
      %swap3A_96 = tpu.vector_load %arg8[%swap3A, %swap3A_95] {strides = array<i32>} : memref<80x64xf32, #tpu.memory_space<vmem>>, vector<1x16xf32>,
      %swap3A_97 = vector.shape_cast %swap3A_96 : vector<1x16xf32> to vector<16xf32>
      %swap3A_98 = vector.shape_cast %broadcast_in_dim3A_14 : vector<16xf32> to vector<1x16xf32>
      tpu.vector_store %arg8[%swap3A, %swap3A_95], %swap3A_98 {strides = array<i32>} : memref<80x64xf32, #tpu.memory_space<vmem>>, vector<1x16xf32>,
      %swap3A_99 = arith.index_cast %scan3A_94 : i32 to index
      %swap3A_100 = arith.constant 16 : index
      %swap3A_101 = tpu.vector_load %arg8[%swap3A_99, %swap3A_100] {strides = array<i32>} : memref<80x64xf32, #tpu.memory_space<vmem>>, vector<1x16xf32>,
      %swap3A_102 = vector.shape_cast %swap3A_101 : vector<1x16xf32> to vector<16xf32>
      %swap3A_103 = vector.shape_cast %broadcast_in_dim3A_14 : vector<16xf32> to vector<1x16xf32>
      tpu.vector_store %arg8[%swap3A_99, %swap3A_100], %swap3A_103 {strides = array<i32>} : memref<80x64xf32, #tpu.memory_space<vmem>>, vector<1x16xf32>,
      %swap3A_104 = arith.index_cast %scan3A_94 : i32 to index
      %swap3A_105 = arith.constant 32 : index
      %swap3A_106 = tpu.vector_load %arg8[%swap3A_104, %swap3A_105] {strides = array<i32>} : memref<80x64xf32, #tpu.memory_space<vmem>>, vector<1x16xf32>,
      %swap3A_107 = vector.shape_cast %swap3A_106 : vector<1x16xf32> to vector<16xf32>
      %swap3A_108 = vector.shape_cast %broadcast_in_dim3A_14 : vector<16xf32> to vector<1x16xf32>
      tpu.vector_store %arg8[%swap3A_104, %swap3A_105], %swap3A_108 {strides = array<i32>} : memref<80x64xf32, #tpu.memory_space<vmem>>, vector<1x16xf32>,
      %swap3A_109 = arith.index_cast %scan3A_94 : i32 to index
      %swap3A_110 = arith.constant 48 : index
      %swap3A_111 = tpu.vector_load %arg8[%swap3A_109, %swap3A_110] {strides = array<i32>} : memref<80x64xf32, #tpu.memory_space<vmem>>, vector<1x16xf32>,
      %swap3A_112 = vector.shape_cast %swap3A_111 : vector<1x16xf32> to vector<16xf32>
      %swap3A_113 = vector.shape_cast %broadcast_in_dim3A_14 : vector<16xf32> to vector<1x16xf32>
      tpu.vector_store %arg8[%swap3A_109, %swap3A_110], %swap3A_113 {strides = array<i32>} : memref<80x64xf32, #tpu.memory_space<vmem>>, vector<1x16xf32>,
    }
    %scan3A_19 = arith.constant 80 : i32
    %mul3A_20 = arith.constant 640 : i32
    %mul3A_21 = arith.muli %arg1, %mul3A_20 : i32
    %add3A_22 = arith.constant 0 : i32
    %add3A_23 = arith.addi %mul3A_21, %add3A_22 : i32
    "tpu.region"() ({
      %run_scoped3A_94 = tpu.sem_alloc : memref<!tpu.dma_semaphore, #tpu.memory_space<semaphore_mem>>
      %dma_start3A_95 = arith.constant 0 : i32
      %dma_start3A_96 = tpu.memref_slice %arg10[%add3A_23, %dma_start3A_95] : memref<10240x64xf32, #tpu.memory_space<vmem_shared>> -> memref<80x64xf32, #tpu.memory_space<vmem_shared>>
      %dma_start3A_97 = arith.constant 0 : i32
      %dma_start3A_98 = tpu.memref_slice %arg10[%add3A_23, %dma_start3A_97] : memref<10240x64xf32, #tpu.memory_space<vmem_shared>> -> memref<80x64xf32, #tpu.memory_space<vmem_shared>>
      tpu.enqueue_dma source(%arg8 : memref<80x64xf32, #tpu.memory_space<vmem>>) target(%dma_start3A_98 : memref<80x64xf32, #tpu.memory_space<vmem_shared>>) target_semaphore(%run_scoped3A_94 : memref<!tpu.dma_semaphore, #tpu.memory_space<semaphore_mem>>)
      %dma_wait3A_99 = arith.constant 0 : i32
      %dma_wait3A_100 = tpu.memref_slice %arg10[%add3A_23, %dma_wait3A_99] : memref<10240x64xf32, #tpu.memory_space<vmem_shared>> -> memref<80x64xf32, #tpu.memory_space<vmem_shared>>
      %dma_wait3A_101 = arith.constant 0 : i32
      %dma_wait3A_102 = tpu.memref_slice %arg10[%add3A_23, %dma_wait3A_101] : memref<10240x64xf32, #tpu.memory_space<vmem_shared>> -> memref<80x64xf32, #tpu.memory_space<vmem_shared>>
      tpu.wait_dma2 semaphore(%run_scoped3A_94 : memref<!tpu.dma_semaphore, #tpu.memory_space<semaphore_mem>>) src(%arg8 : memref<80x64xf32, #tpu.memory_space<vmem>>) dst(%dma_wait3A_102 : memref<80x64xf32, #tpu.memory_space<vmem_shared>>)
      tpu.yield
    }) : () -> ()
    %mul3A_24 = arith.constant 640 : i32
    %mul3A_25 = arith.muli %arg1, %mul3A_24 : i32
    %add3A_26 = arith.constant 80 : i32
    %add3A_27 = arith.addi %mul3A_25, %add3A_26 : i32
    "tpu.region"() ({
      %run_scoped3A_94 = tpu.sem_alloc : memref<!tpu.dma_semaphore, #tpu.memory_space<semaphore_mem>>
      %dma_start3A_95 = arith.constant 0 : i32
      %dma_start3A_96 = tpu.memref_slice %arg10[%add3A_27, %dma_start3A_95] : memref<10240x64xf32, #tpu.memory_space<vmem_shared>> -> memref<80x64xf32, #tpu.memory_space<vmem_shared>>
      %dma_start3A_97 = arith.constant 0 : i32
      %dma_start3A_98 = tpu.memref_slice %arg10[%add3A_27, %dma_start3A_97] : memref<10240x64xf32, #tpu.memory_space<vmem_shared>> -> memref<80x64xf32, #tpu.memory_space<vmem_shared>>
      tpu.enqueue_dma source(%arg8 : memref<80x64xf32, #tpu.memory_space<vmem>>) target(%dma_start3A_98 : memref<80x64xf32, #tpu.memory_space<vmem_shared>>) target_semaphore(%run_scoped3A_94 : memref<!tpu.dma_semaphore, #tpu.memory_space<semaphore_mem>>)
      %dma_wait3A_99 = arith.constant 0 : i32
      %dma_wait3A_100 = tpu.memref_slice %arg10[%add3A_27, %dma_wait3A_99] : memref<10240x64xf32, #tpu.memory_space<vmem_shared>> -> memref<80x64xf32, #tpu.memory_space<vmem_shared>>
      %dma_wait3A_101 = arith.constant 0 : i32
      %dma_wait3A_102 = tpu.memref_slice %arg10[%add3A_27, %dma_wait3A_101] : memref<10240x64xf32, #tpu.memory_space<vmem_shared>> -> memref<80x64xf32, #tpu.memory_space<vmem_shared>>
      tpu.wait_dma2 semaphore(%run_scoped3A_94 : memref<!tpu.dma_semaphore, #tpu.memory_space<semaphore_mem>>) src(%arg8 : memref<80x64xf32, #tpu.memory_space<vmem>>) dst(%dma_wait3A_102 : memref<80x64xf32, #tpu.memory_space<vmem_shared>>)
      tpu.yield
    }) : () -> ()
    %mul3A_28 = arith.constant 640 : i32
    %mul3A_29 = arith.muli %arg1, %mul3A_28 : i32
    %add3A_30 = arith.constant 160 : i32
    %add3A_31 = arith.addi %mul3A_29, %add3A_30 : i32
    "tpu.region"() ({
      %run_scoped3A_94 = tpu.sem_alloc : memref<!tpu.dma_semaphore, #tpu.memory_space<semaphore_mem>>
      %dma_start3A_95 = arith.constant 0 : i32
      %dma_start3A_96 = tpu.memref_slice %arg10[%add3A_31, %dma_start3A_95] : memref<10240x64xf32, #tpu.memory_space<vmem_shared>> -> memref<80x64xf32, #tpu.memory_space<vmem_shared>>
      %dma_start3A_97 = arith.constant 0 : i32
      %dma_start3A_98 = tpu.memref_slice %arg10[%add3A_31, %dma_start3A_97] : memref<10240x64xf32, #tpu.memory_space<vmem_shared>> -> memref<80x64xf32, #tpu.memory_space<vmem_shared>>
      tpu.enqueue_dma source(%arg8 : memref<80x64xf32, #tpu.memory_space<vmem>>) target(%dma_start3A_98 : memref<80x64xf32, #tpu.memory_space<vmem_shared>>) target_semaphore(%run_scoped3A_94 : memref<!tpu.dma_semaphore, #tpu.memory_space<semaphore_mem>>)
      %dma_wait3A_99 = arith.constant 0 : i32
      %dma_wait3A_100 = tpu.memref_slice %arg10[%add3A_31, %dma_wait3A_99] : memref<10240x64xf32, #tpu.memory_space<vmem_shared>> -> memref<80x64xf32, #tpu.memory_space<vmem_shared>>
      %dma_wait3A_101 = arith.constant 0 : i32
      %dma_wait3A_102 = tpu.memref_slice %arg10[%add3A_31, %dma_wait3A_101] : memref<10240x64xf32, #tpu.memory_space<vmem_shared>> -> memref<80x64xf32, #tpu.memory_space<vmem_shared>>
      tpu.wait_dma2 semaphore(%run_scoped3A_94 : memref<!tpu.dma_semaphore, #tpu.memory_space<semaphore_mem>>) src(%arg8 : memref<80x64xf32, #tpu.memory_space<vmem>>) dst(%dma_wait3A_102 : memref<80x64xf32, #tpu.memory_space<vmem_shared>>)
      tpu.yield
    }) : () -> ()
    %mul3A_32 = arith.constant 640 : i32
    %mul3A_33 = arith.muli %arg1, %mul3A_32 : i32
    %add3A_34 = arith.constant 240 : i32
    %add3A_35 = arith.addi %mul3A_33, %add3A_34 : i32
    "tpu.region"() ({
      %run_scoped3A_94 = tpu.sem_alloc : memref<!tpu.dma_semaphore, #tpu.memory_space<semaphore_mem>>
      %dma_start3A_95 = arith.constant 0 : i32
      %dma_start3A_96 = tpu.memref_slice %arg10[%add3A_35, %dma_start3A_95] : memref<10240x64xf32, #tpu.memory_space<vmem_shared>> -> memref<80x64xf32, #tpu.memory_space<vmem_shared>>
      %dma_start3A_97 = arith.constant 0 : i32
      %dma_start3A_98 = tpu.memref_slice %arg10[%add3A_35, %dma_start3A_97] : memref<10240x64xf32, #tpu.memory_space<vmem_shared>> -> memref<80x64xf32, #tpu.memory_space<vmem_shared>>
      tpu.enqueue_dma source(%arg8 : memref<80x64xf32, #tpu.memory_space<vmem>>) target(%dma_start3A_98 : memref<80x64xf32, #tpu.memory_space<vmem_shared>>) target_semaphore(%run_scoped3A_94 : memref<!tpu.dma_semaphore, #tpu.memory_space<semaphore_mem>>)
      %dma_wait3A_99 = arith.constant 0 : i32
      %dma_wait3A_100 = tpu.memref_slice %arg10[%add3A_35, %dma_wait3A_99] : memref<10240x64xf32, #tpu.memory_space<vmem_shared>> -> memref<80x64xf32, #tpu.memory_space<vmem_shared>>
      %dma_wait3A_101 = arith.constant 0 : i32
      %dma_wait3A_102 = tpu.memref_slice %arg10[%add3A_35, %dma_wait3A_101] : memref<10240x64xf32, #tpu.memory_space<vmem_shared>> -> memref<80x64xf32, #tpu.memory_space<vmem_shared>>
      tpu.wait_dma2 semaphore(%run_scoped3A_94 : memref<!tpu.dma_semaphore, #tpu.memory_space<semaphore_mem>>) src(%arg8 : memref<80x64xf32, #tpu.memory_space<vmem>>) dst(%dma_wait3A_102 : memref<80x64xf32, #tpu.memory_space<vmem_shared>>)
      tpu.yield
    }) : () -> ()
    %mul3A_36 = arith.constant 640 : i32
    %mul3A_37 = arith.muli %arg1, %mul3A_36 : i32
    %add3A_38 = arith.constant 320 : i32
    %add3A_39 = arith.addi %mul3A_37, %add3A_38 : i32
    "tpu.region"() ({
      %run_scoped3A_94 = tpu.sem_alloc : memref<!tpu.dma_semaphore, #tpu.memory_space<semaphore_mem>>
      %dma_start3A_95 = arith.constant 0 : i32
      %dma_start3A_96 = tpu.memref_slice %arg10[%add3A_39, %dma_start3A_95] : memref<10240x64xf32, #tpu.memory_space<vmem_shared>> -> memref<80x64xf32, #tpu.memory_space<vmem_shared>>
      %dma_start3A_97 = arith.constant 0 : i32
      %dma_start3A_98 = tpu.memref_slice %arg10[%add3A_39, %dma_start3A_97] : memref<10240x64xf32, #tpu.memory_space<vmem_shared>> -> memref<80x64xf32, #tpu.memory_space<vmem_shared>>
      tpu.enqueue_dma source(%arg8 : memref<80x64xf32, #tpu.memory_space<vmem>>) target(%dma_start3A_98 : memref<80x64xf32, #tpu.memory_space<vmem_shared>>) target_semaphore(%run_scoped3A_94 : memref<!tpu.dma_semaphore, #tpu.memory_space<semaphore_mem>>)
      %dma_wait3A_99 = arith.constant 0 : i32
      %dma_wait3A_100 = tpu.memref_slice %arg10[%add3A_39, %dma_wait3A_99] : memref<10240x64xf32, #tpu.memory_space<vmem_shared>> -> memref<80x64xf32, #tpu.memory_space<vmem_shared>>
      %dma_wait3A_101 = arith.constant 0 : i32
      %dma_wait3A_102 = tpu.memref_slice %arg10[%add3A_39, %dma_wait3A_101] : memref<10240x64xf32, #tpu.memory_space<vmem_shared>> -> memref<80x64xf32, #tpu.memory_space<vmem_shared>>
      tpu.wait_dma2 semaphore(%run_scoped3A_94 : memref<!tpu.dma_semaphore, #tpu.memory_space<semaphore_mem>>) src(%arg8 : memref<80x64xf32, #tpu.memory_space<vmem>>) dst(%dma_wait3A_102 : memref<80x64xf32, #tpu.memory_space<vmem_shared>>)
      tpu.yield
    }) : () -> ()
    %mul3A_40 = arith.constant 640 : i32
    %mul3A_41 = arith.muli %arg1, %mul3A_40 : i32
    %add3A_42 = arith.constant 400 : i32
    %add3A_43 = arith.addi %mul3A_41, %add3A_42 : i32
    "tpu.region"() ({
      %run_scoped3A_94 = tpu.sem_alloc : memref<!tpu.dma_semaphore, #tpu.memory_space<semaphore_mem>>
      %dma_start3A_95 = arith.constant 0 : i32
      %dma_start3A_96 = tpu.memref_slice %arg10[%add3A_43, %dma_start3A_95] : memref<10240x64xf32, #tpu.memory_space<vmem_shared>> -> memref<80x64xf32, #tpu.memory_space<vmem_shared>>
      %dma_start3A_97 = arith.constant 0 : i32
      %dma_start3A_98 = tpu.memref_slice %arg10[%add3A_43, %dma_start3A_97] : memref<10240x64xf32, #tpu.memory_space<vmem_shared>> -> memref<80x64xf32, #tpu.memory_space<vmem_shared>>
      tpu.enqueue_dma source(%arg8 : memref<80x64xf32, #tpu.memory_space<vmem>>) target(%dma_start3A_98 : memref<80x64xf32, #tpu.memory_space<vmem_shared>>) target_semaphore(%run_scoped3A_94 : memref<!tpu.dma_semaphore, #tpu.memory_space<semaphore_mem>>)
      %dma_wait3A_99 = arith.constant 0 : i32
      %dma_wait3A_100 = tpu.memref_slice %arg10[%add3A_43, %dma_wait3A_99] : memref<10240x64xf32, #tpu.memory_space<vmem_shared>> -> memref<80x64xf32, #tpu.memory_space<vmem_shared>>
      %dma_wait3A_101 = arith.constant 0 : i32
      %dma_wait3A_102 = tpu.memref_slice %arg10[%add3A_43, %dma_wait3A_101] : memref<10240x64xf32, #tpu.memory_space<vmem_shared>> -> memref<80x64xf32, #tpu.memory_space<vmem_shared>>
      tpu.wait_dma2 semaphore(%run_scoped3A_94 : memref<!tpu.dma_semaphore, #tpu.memory_space<semaphore_mem>>) src(%arg8 : memref<80x64xf32, #tpu.memory_space<vmem>>) dst(%dma_wait3A_102 : memref<80x64xf32, #tpu.memory_space<vmem_shared>>)
      tpu.yield
    }) : () -> ()
    %mul3A_44 = arith.constant 640 : i32
    %mul3A_45 = arith.muli %arg1, %mul3A_44 : i32
    %add3A_46 = arith.constant 480 : i32
    %add3A_47 = arith.addi %mul3A_45, %add3A_46 : i32
    "tpu.region"() ({
      %run_scoped3A_94 = tpu.sem_alloc : memref<!tpu.dma_semaphore, #tpu.memory_space<semaphore_mem>>
      %dma_start3A_95 = arith.constant 0 : i32
      %dma_start3A_96 = tpu.memref_slice %arg10[%add3A_47, %dma_start3A_95] : memref<10240x64xf32, #tpu.memory_space<vmem_shared>> -> memref<80x64xf32, #tpu.memory_space<vmem_shared>>
      %dma_start3A_97 = arith.constant 0 : i32
      %dma_start3A_98 = tpu.memref_slice %arg10[%add3A_47, %dma_start3A_97] : memref<10240x64xf32, #tpu.memory_space<vmem_shared>> -> memref<80x64xf32, #tpu.memory_space<vmem_shared>>
      tpu.enqueue_dma source(%arg8 : memref<80x64xf32, #tpu.memory_space<vmem>>) target(%dma_start3A_98 : memref<80x64xf32, #tpu.memory_space<vmem_shared>>) target_semaphore(%run_scoped3A_94 : memref<!tpu.dma_semaphore, #tpu.memory_space<semaphore_mem>>)
      %dma_wait3A_99 = arith.constant 0 : i32
      %dma_wait3A_100 = tpu.memref_slice %arg10[%add3A_47, %dma_wait3A_99] : memref<10240x64xf32, #tpu.memory_space<vmem_shared>> -> memref<80x64xf32, #tpu.memory_space<vmem_shared>>
      %dma_wait3A_101 = arith.constant 0 : i32
      %dma_wait3A_102 = tpu.memref_slice %arg10[%add3A_47, %dma_wait3A_101] : memref<10240x64xf32, #tpu.memory_space<vmem_shared>> -> memref<80x64xf32, #tpu.memory_space<vmem_shared>>
      tpu.wait_dma2 semaphore(%run_scoped3A_94 : memref<!tpu.dma_semaphore, #tpu.memory_space<semaphore_mem>>) src(%arg8 : memref<80x64xf32, #tpu.memory_space<vmem>>) dst(%dma_wait3A_102 : memref<80x64xf32, #tpu.memory_space<vmem_shared>>)
      tpu.yield
    }) : () -> ()
    %mul3A_48 = arith.constant 640 : i32
    %mul3A_49 = arith.muli %arg1, %mul3A_48 : i32
    %add3A_50 = arith.constant 560 : i32
    %add3A_51 = arith.addi %mul3A_49, %add3A_50 : i32
    "tpu.region"() ({
      %run_scoped3A_94 = tpu.sem_alloc : memref<!tpu.dma_semaphore, #tpu.memory_space<semaphore_mem>>
      %dma_start3A_95 = arith.constant 0 : i32
      %dma_start3A_96 = tpu.memref_slice %arg10[%add3A_51, %dma_start3A_95] : memref<10240x64xf32, #tpu.memory_space<vmem_shared>> -> memref<80x64xf32, #tpu.memory_space<vmem_shared>>
      %dma_start3A_97 = arith.constant 0 : i32
      %dma_start3A_98 = tpu.memref_slice %arg10[%add3A_51, %dma_start3A_97] : memref<10240x64xf32, #tpu.memory_space<vmem_shared>> -> memref<80x64xf32, #tpu.memory_space<vmem_shared>>
      tpu.enqueue_dma source(%arg8 : memref<80x64xf32, #tpu.memory_space<vmem>>) target(%dma_start3A_98 : memref<80x64xf32, #tpu.memory_space<vmem_shared>>) target_semaphore(%run_scoped3A_94 : memref<!tpu.dma_semaphore, #tpu.memory_space<semaphore_mem>>)
      %dma_wait3A_99 = arith.constant 0 : i32
      %dma_wait3A_100 = tpu.memref_slice %arg10[%add3A_51, %dma_wait3A_99] : memref<10240x64xf32, #tpu.memory_space<vmem_shared>> -> memref<80x64xf32, #tpu.memory_space<vmem_shared>>
      %dma_wait3A_101 = arith.constant 0 : i32
      %dma_wait3A_102 = tpu.memref_slice %arg10[%add3A_51, %dma_wait3A_101] : memref<10240x64xf32, #tpu.memory_space<vmem_shared>> -> memref<80x64xf32, #tpu.memory_space<vmem_shared>>
      tpu.wait_dma2 semaphore(%run_scoped3A_94 : memref<!tpu.dma_semaphore, #tpu.memory_space<semaphore_mem>>) src(%arg8 : memref<80x64xf32, #tpu.memory_space<vmem>>) dst(%dma_wait3A_102 : memref<80x64xf32, #tpu.memory_space<vmem_shared>>)
      tpu.yield
    }) : () -> ()
    %dma_wait3A = arith.constant 0 : i32
    %dma_wait3A_52 = tpu.memref_slice %arg3[%add3A, %dma_wait3A] : memref<32x10000xi32, #tpu.memory_space<hbm>> -> memref<1x10000xi32, #tpu.memory_space<hbm>>
    %dma_wait3A_53 = tpu.memref_squeeze %dma_wait3A_52 : memref<1x10000xi32, #tpu.memory_space<hbm>> -> memref<10000xi32, #tpu.memory_space<hbm>>
    %dma_wait3A_54 = arith.constant 0 : i32
    %dma_wait3A_55 = tpu.memref_slice %arg3[%add3A, %dma_wait3A_54] : memref<32x10000xi32, #tpu.memory_space<hbm>> -> memref<1x10000xi32, #tpu.memory_space<hbm>>
    %dma_wait3A_56 = tpu.memref_squeeze %dma_wait3A_55 : memref<1x10000xi32, #tpu.memory_space<hbm>> -> memref<10000xi32, #tpu.memory_space<hbm>>
    tpu.wait_dma2 semaphore(%arg11 : memref<!tpu.dma_semaphore, #tpu.memory_space<semaphore_mem>>) src(%dma_wait3A_56 : memref<10000xi32, #tpu.memory_space<hbm>>) dst(%arg6 : memref<10000xi32, #tpu.memory_space<vmem>>)
    %dma_wait3A_57 = arith.constant 0 : i32
    %dma_wait3A_58 = arith.constant 0 : i32
    %dma_wait3A_59 = tpu.memref_slice %arg4[%add3A, %dma_wait3A_57, %dma_wait3A_58] : memref<32x125x80xi32, #tpu.memory_space<hbm>> -> memref<1x125x80xi32, #tpu.memory_space<hbm>>
    %dma_wait3A_60 = tpu.memref_squeeze %dma_wait3A_59 : memref<1x125x80xi32, #tpu.memory_space<hbm>> -> memref<125x80xi32, #tpu.memory_space<hbm>>
    %dma_wait3A_61 = arith.constant 0 : i32
    %dma_wait3A_62 = arith.constant 0 : i32
    %dma_wait3A_63 = tpu.memref_slice %arg4[%add3A, %dma_wait3A_61, %dma_wait3A_62] : memref<32x125x80xi32, #tpu.memory_space<hbm>> -> memref<1x125x80xi32, #tpu.memory_space<hbm>>
    %dma_wait3A_64 = tpu.memref_squeeze %dma_wait3A_63 : memref<1x125x80xi32, #tpu.memory_space<hbm>> -> memref<125x80xi32, #tpu.memory_space<hbm>>
    tpu.wait_dma2 semaphore(%arg12 : memref<!tpu.dma_semaphore, #tpu.memory_space<semaphore_mem>>) src(%dma_wait3A_64 : memref<125x80xi32, #tpu.memory_space<hbm>>) dst(%arg7 : memref<125x80xi32, #tpu.memory_space<vmem>>)
    %barrier3A = arith.constant 0 : index
    tpu.barrier barrier_id(%barrier3A)
    %dma_start3A_65 = arith.constant 0 : i32
    %dma_start3A_66 = tpu.memref_slice %arg6[%dma_start3A_65] : memref<10000xi32, #tpu.memory_space<vmem>> -> memref<80xi32, #tpu.memory_space<vmem>>
    %dma_start3A_67 = arith.constant 0 : i32
    %dma_start3A_68 = arith.constant 0 : i32
    %dma_start3A_69 = tpu.memref_slice %arg2[%dma_start3A_67, %dma_start3A_68] : memref<10000x64xf32, #tpu.memory_space<hbm>> -> memref<10000x64xf32, #tpu.memory_space<hbm>>
    tpu.enqueue_indirect_dma source(%dma_start3A_69 : memref<10000x64xf32, #tpu.memory_space<hbm>>) target(%arg8 : memref<80x64xf32, #tpu.memory_space<vmem>>) offsets(%dma_start3A_66 : memref<80xi32, #tpu.memory_space<vmem>>) semaphore(%arg11 : memref<!tpu.dma_semaphore, #tpu.memory_space<semaphore_mem>>)
    %dma_start3A_70 = arith.constant 80 : i32
    %dma_start3A_71 = tpu.memref_slice %arg6[%dma_start3A_70] : memref<10000xi32, #tpu.memory_space<vmem>> -> memref<80xi32, #tpu.memory_space<vmem>>
    %dma_start3A_72 = arith.constant 0 : i32
    %dma_start3A_73 = arith.constant 0 : i32
    %dma_start3A_74 = tpu.memref_slice %arg2[%dma_start3A_72, %dma_start3A_73] : memref<10000x64xf32, #tpu.memory_space<hbm>> -> memref<10000x64xf32, #tpu.memory_space<hbm>>
    tpu.enqueue_indirect_dma source(%dma_start3A_74 : memref<10000x64xf32, #tpu.memory_space<hbm>>) target(%arg9 : memref<80x64xf32, #tpu.memory_space<vmem>>) offsets(%dma_start3A_71 : memref<80xi32, #tpu.memory_space<vmem>>) semaphore(%arg12 : memref<!tpu.dma_semaphore, #tpu.memory_space<semaphore_mem>>)
    %scan3A_75 = arith.constant 0 : i32
    %scan3A_76 = arith.constant 0 : i32
    %scan3A_77 = arith.constant 62 : i32
    %scan3A_78 = arith.addi %scan3A_76, %scan3A_77 : i32
    %scan3A_79 = arith.constant 1 : i32
    scf.for %scan3A_94 = %scan3A_76 to %scan3A_78 step %scan3A_79  : i32 {
      %mul3A_95 = arith.constant 2 : i32
      %mul3A_96 = arith.muli %mul3A_95, %scan3A_94 : i32
      %mul3A_97 = arith.constant 2 : i32
      %mul3A_98 = arith.muli %mul3A_97, %scan3A_94 : i32
      %add3A_99 = arith.constant 1 : i32
      %add3A_100 = arith.addi %mul3A_98, %add3A_99 : i32
      %mul3A_101 = arith.constant 80 : i32
      %mul3A_102 = arith.muli %mul3A_96, %mul3A_101 : i32
      %dma_wait3A_103 = tpu.memref_slice %arg6[%mul3A_102] : memref<10000xi32, #tpu.memory_space<vmem>> -> memref<80xi32, #tpu.memory_space<vmem>>
      %dma_wait3A_104 = arith.constant 0 : i32
      %dma_wait3A_105 = arith.constant 0 : i32
      %dma_wait3A_106 = tpu.memref_slice %arg2[%dma_wait3A_104, %dma_wait3A_105] : memref<10000x64xf32, #tpu.memory_space<hbm>> -> memref<10000x64xf32, #tpu.memory_space<hbm>>
      tpu.wait_indirect_dma semaphore(%arg11 : memref<!tpu.dma_semaphore, #tpu.memory_space<semaphore_mem>>) src(%dma_wait3A_106 : memref<10000x64xf32, #tpu.memory_space<hbm>>) dst(%arg8 : memref<80x64xf32, #tpu.memory_space<vmem>>)
      "tpu.region"() ({
        %run_scoped3A_123 = tpu.sem_alloc : memref<!tpu.dma_semaphore, #tpu.memory_space<semaphore_mem>>
        %dma_start3A_124 = arith.constant 0 : i32
        %dma_start3A_125 = tpu.memref_slice %arg7[%mul3A_96, %dma_start3A_124] : memref<125x80xi32, #tpu.memory_space<vmem>> -> memref<1x80xi32, #tpu.memory_space<vmem>>
        %dma_start3A_126 = tpu.memref_squeeze %dma_start3A_125 : memref<1x80xi32, #tpu.memory_space<vmem>> -> memref<80xi32, #tpu.memory_space<vmem>>
        %dma_start3A_127 = arith.constant 0 : i32
        %dma_start3A_128 = arith.constant 0 : i32
        %dma_start3A_129 = tpu.memref_slice %arg10[%dma_start3A_127, %dma_start3A_128] : memref<10240x64xf32, #tpu.memory_space<vmem_shared>> -> memref<10240x64xf32, #tpu.memory_space<vmem_shared>>
        tpu.enqueue_indirect_dma source(%arg8 : memref<80x64xf32, #tpu.memory_space<vmem>>) target(%dma_start3A_129 : memref<10240x64xf32, #tpu.memory_space<vmem_shared>>) offsets(%dma_start3A_126 : memref<80xi32, #tpu.memory_space<vmem>>) semaphore(%run_scoped3A_123 : memref<!tpu.dma_semaphore, #tpu.memory_space<semaphore_mem>>) {add = true}
        %dma_wait3A_130 = arith.constant 0 : i32
        %dma_wait3A_131 = tpu.memref_slice %arg7[%mul3A_96, %dma_wait3A_130] : memref<125x80xi32, #tpu.memory_space<vmem>> -> memref<1x80xi32, #tpu.memory_space<vmem>>
        %dma_wait3A_132 = tpu.memref_squeeze %dma_wait3A_131 : memref<1x80xi32, #tpu.memory_space<vmem>> -> memref<80xi32, #tpu.memory_space<vmem>>
        %dma_wait3A_133 = arith.constant 0 : i32
        %dma_wait3A_134 = arith.constant 0 : i32
        %dma_wait3A_135 = tpu.memref_slice %arg10[%dma_wait3A_133, %dma_wait3A_134] : memref<10240x64xf32, #tpu.memory_space<vmem_shared>> -> memref<10240x64xf32, #tpu.memory_space<vmem_shared>>
        tpu.wait_indirect_dma semaphore(%run_scoped3A_123 : memref<!tpu.dma_semaphore, #tpu.memory_space<semaphore_mem>>) src(%arg8 : memref<80x64xf32, #tpu.memory_space<vmem>>) dst(%dma_wait3A_135 : memref<10240x64xf32, #tpu.memory_space<vmem_shared>>)
        tpu.yield
      }) : () -> ()
      %add3A_107 = arith.constant 2 : i32
      %add3A_108 = arith.addi %mul3A_96, %add3A_107 : i32
      %mul3A_109 = arith.constant 80 : i32
      %mul3A_110 = arith.muli %add3A_108, %mul3A_109 : i32
      %dma_start3A_111 = tpu.memref_slice %arg6[%mul3A_110] : memref<10000xi32, #tpu.memory_space<vmem>> -> memref<80xi32, #tpu.memory_space<vmem>>
      %dma_start3A_112 = arith.constant 0 : i32
      %dma_start3A_113 = arith.constant 0 : i32
      %dma_start3A_114 = tpu.memref_slice %arg2[%dma_start3A_112, %dma_start3A_113] : memref<10000x64xf32, #tpu.memory_space<hbm>> -> memref<10000x64xf32, #tpu.memory_space<hbm>>
      tpu.enqueue_indirect_dma source(%dma_start3A_114 : memref<10000x64xf32, #tpu.memory_space<hbm>>) target(%arg8 : memref<80x64xf32, #tpu.memory_space<vmem>>) offsets(%dma_start3A_111 : memref<80xi32, #tpu.memory_space<vmem>>) semaphore(%arg11 : memref<!tpu.dma_semaphore, #tpu.memory_space<semaphore_mem>>)
      %mul3A_115 = arith.constant 80 : i32
      %mul3A_116 = arith.muli %add3A_100, %mul3A_115 : i32
      %dma_wait3A_117 = tpu.memref_slice %arg6[%mul3A_116] : memref<10000xi32, #tpu.memory_space<vmem>> -> memref<80xi32, #tpu.memory_space<vmem>>
      %dma_wait3A_118 = arith.constant 0 : i32
      %dma_wait3A_119 = arith.constant 0 : i32
      %dma_wait3A_120 = tpu.memref_slice %arg2[%dma_wait3A_118, %dma_wait3A_119] : memref<10000x64xf32, #tpu.memory_space<hbm>> -> memref<10000x64xf32, #tpu.memory_space<hbm>>
      tpu.wait_indirect_dma semaphore(%arg12 : memref<!tpu.dma_semaphore, #tpu.memory_space<semaphore_mem>>) src(%dma_wait3A_120 : memref<10000x64xf32, #tpu.memory_space<hbm>>) dst(%arg9 : memref<80x64xf32, #tpu.memory_space<vmem>>)
      "tpu.region"() ({
        %run_scoped3A_123 = tpu.sem_alloc : memref<!tpu.dma_semaphore, #tpu.memory_space<semaphore_mem>>
        %dma_start3A_124 = arith.constant 0 : i32
        %dma_start3A_125 = tpu.memref_slice %arg7[%add3A_100, %dma_start3A_124] : memref<125x80xi32, #tpu.memory_space<vmem>> -> memref<1x80xi32, #tpu.memory_space<vmem>>
        %dma_start3A_126 = tpu.memref_squeeze %dma_start3A_125 : memref<1x80xi32, #tpu.memory_space<vmem>> -> memref<80xi32, #tpu.memory_space<vmem>>
        %dma_start3A_127 = arith.constant 0 : i32
        %dma_start3A_128 = arith.constant 0 : i32
        %dma_start3A_129 = tpu.memref_slice %arg10[%dma_start3A_127, %dma_start3A_128] : memref<10240x64xf32, #tpu.memory_space<vmem_shared>> -> memref<10240x64xf32, #tpu.memory_space<vmem_shared>>
        tpu.enqueue_indirect_dma source(%arg9 : memref<80x64xf32, #tpu.memory_space<vmem>>) target(%dma_start3A_129 : memref<10240x64xf32, #tpu.memory_space<vmem_shared>>) offsets(%dma_start3A_126 : memref<80xi32, #tpu.memory_space<vmem>>) semaphore(%run_scoped3A_123 : memref<!tpu.dma_semaphore, #tpu.memory_space<semaphore_mem>>) {add = true}
        %dma_wait3A_130 = arith.constant 0 : i32
        %dma_wait3A_131 = tpu.memref_slice %arg7[%add3A_100, %dma_wait3A_130] : memref<125x80xi32, #tpu.memory_space<vmem>> -> memref<1x80xi32, #tpu.memory_space<vmem>>
        %dma_wait3A_132 = tpu.memref_squeeze %dma_wait3A_131 : memref<1x80xi32, #tpu.memory_space<vmem>> -> memref<80xi32, #tpu.memory_space<vmem>>
        %dma_wait3A_133 = arith.constant 0 : i32
        %dma_wait3A_134 = arith.constant 0 : i32
        %dma_wait3A_135 = tpu.memref_slice %arg10[%dma_wait3A_133, %dma_wait3A_134] : memref<10240x64xf32, #tpu.memory_space<vmem_shared>> -> memref<10240x64xf32, #tpu.memory_space<vmem_shared>>
        tpu.wait_indirect_dma semaphore(%run_scoped3A_123 : memref<!tpu.dma_semaphore, #tpu.memory_space<semaphore_mem>>) src(%arg9 : memref<80x64xf32, #tpu.memory_space<vmem>>) dst(%dma_wait3A_135 : memref<10240x64xf32, #tpu.memory_space<vmem_shared>>)
        tpu.yield
      }) : () -> ()
      %lt3A = arith.constant 61 : i32
      %lt3A_121 = arith.cmpi slt, %scan3A_94, %lt3A : i32
      %convert_element_type3A = arith.extui %lt3A_121 : i1 to i32
      %cond3A = arith.constant 0 : i32
      %cond3A_122 = arith.cmpi ne, %convert_element_type3A, %cond3A : i32
      scf.if %cond3A_122 {
        %add3A_123 = arith.constant 2 : i32
        %add3A_124 = arith.addi %add3A_100, %add3A_123 : i32
        %mul3A_125 = arith.constant 80 : i32
        %mul3A_126 = arith.muli %add3A_124, %mul3A_125 : i32
        %dma_start3A_127 = tpu.memref_slice %arg6[%mul3A_126] : memref<10000xi32, #tpu.memory_space<vmem>> -> memref<80xi32, #tpu.memory_space<vmem>>
        %dma_start3A_128 = arith.constant 0 : i32
        %dma_start3A_129 = arith.constant 0 : i32
        %dma_start3A_130 = tpu.memref_slice %arg2[%dma_start3A_128, %dma_start3A_129] : memref<10000x64xf32, #tpu.memory_space<hbm>> -> memref<10000x64xf32, #tpu.memory_space<hbm>>
        tpu.enqueue_indirect_dma source(%dma_start3A_130 : memref<10000x64xf32, #tpu.memory_space<hbm>>) target(%arg9 : memref<80x64xf32, #tpu.memory_space<vmem>>) offsets(%dma_start3A_127 : memref<80xi32, #tpu.memory_space<vmem>>) semaphore(%arg12 : memref<!tpu.dma_semaphore, #tpu.memory_space<semaphore_mem>>)
      } else {
      }
    }
    %scan3A_80 = arith.constant 62 : i32
    %dma_wait3A_81 = arith.constant 9920 : i32
    %dma_wait3A_82 = tpu.memref_slice %arg6[%dma_wait3A_81] : memref<10000xi32, #tpu.memory_space<vmem>> -> memref<80xi32, #tpu.memory_space<vmem>>
    %dma_wait3A_83 = arith.constant 0 : i32
    %dma_wait3A_84 = arith.constant 0 : i32
    %dma_wait3A_85 = tpu.memref_slice %arg2[%dma_wait3A_83, %dma_wait3A_84] : memref<10000x64xf32, #tpu.memory_space<hbm>> -> memref<10000x64xf32, #tpu.memory_space<hbm>>
    tpu.wait_indirect_dma semaphore(%arg11 : memref<!tpu.dma_semaphore, #tpu.memory_space<semaphore_mem>>) src(%dma_wait3A_85 : memref<10000x64xf32, #tpu.memory_space<hbm>>) dst(%arg8 : memref<80x64xf32, #tpu.memory_space<vmem>>)
    %run_scoped3A = arith.constant 124 : i32
    "tpu.region"() ({
      %run_scoped3A_94 = tpu.sem_alloc : memref<!tpu.dma_semaphore, #tpu.memory_space<semaphore_mem>>
      %dma_start3A_95 = arith.constant 0 : i32
      %dma_start3A_96 = tpu.memref_slice %arg7[%run_scoped3A, %dma_start3A_95] : memref<125x80xi32, #tpu.memory_space<vmem>> -> memref<1x80xi32, #tpu.memory_space<vmem>>
      %dma_start3A_97 = tpu.memref_squeeze %dma_start3A_96 : memref<1x80xi32, #tpu.memory_space<vmem>> -> memref<80xi32, #tpu.memory_space<vmem>>
      %dma_start3A_98 = arith.constant 0 : i32
      %dma_start3A_99 = arith.constant 0 : i32
      %dma_start3A_100 = tpu.memref_slice %arg10[%dma_start3A_98, %dma_start3A_99] : memref<10240x64xf32, #tpu.memory_space<vmem_shared>> -> memref<10240x64xf32, #tpu.memory_space<vmem_shared>>
      tpu.enqueue_indirect_dma source(%arg8 : memref<80x64xf32, #tpu.memory_space<vmem>>) target(%dma_start3A_100 : memref<10240x64xf32, #tpu.memory_space<vmem_shared>>) offsets(%dma_start3A_97 : memref<80xi32, #tpu.memory_space<vmem>>) semaphore(%run_scoped3A_94 : memref<!tpu.dma_semaphore, #tpu.memory_space<semaphore_mem>>) {add = true}
      %dma_wait3A_101 = arith.constant 0 : i32
      %dma_wait3A_102 = tpu.memref_slice %arg7[%run_scoped3A, %dma_wait3A_101] : memref<125x80xi32, #tpu.memory_space<vmem>> -> memref<1x80xi32, #tpu.memory_space<vmem>>
      %dma_wait3A_103 = tpu.memref_squeeze %dma_wait3A_102 : memref<1x80xi32, #tpu.memory_space<vmem>> -> memref<80xi32, #tpu.memory_space<vmem>>
      %dma_wait3A_104 = arith.constant 0 : i32
      %dma_wait3A_105 = arith.constant 0 : i32
      %dma_wait3A_106 = tpu.memref_slice %arg10[%dma_wait3A_104, %dma_wait3A_105] : memref<10240x64xf32, #tpu.memory_space<vmem_shared>> -> memref<10240x64xf32, #tpu.memory_space<vmem_shared>>
      tpu.wait_indirect_dma semaphore(%run_scoped3A_94 : memref<!tpu.dma_semaphore, #tpu.memory_space<semaphore_mem>>) src(%arg8 : memref<80x64xf32, #tpu.memory_space<vmem>>) dst(%dma_wait3A_106 : memref<10240x64xf32, #tpu.memory_space<vmem_shared>>)
      tpu.yield
    }) : () -> ()
    %barrier3A_86 = arith.constant 0 : index
    tpu.barrier barrier_id(%barrier3A_86)
    %mul3A_87 = arith.constant 640 : i32
    %mul3A_88 = arith.muli %arg1, %mul3A_87 : i32
    %mul3A_89 = arith.constant 10240 : i32
    %mul3A_90 = arith.muli %arg0, %mul3A_89 : i32
    %mul3A_91 = arith.constant 640 : i32
    %mul3A_92 = arith.muli %arg1, %mul3A_91 : i32
    %add3A_93 = arith.addi %mul3A_90, %mul3A_92 : i32
    "tpu.region"() ({
      %run_scoped3A_94 = tpu.sem_alloc : memref<!tpu.dma_semaphore, #tpu.memory_space<semaphore_mem>>
      %dma_start3A_95 = arith.constant 0 : i32
      %dma_start3A_96 = tpu.memref_slice %arg5[%add3A_93, %dma_start3A_95] : memref<20480x64xf32, #tpu.memory_space<hbm>> -> memref<640x64xf32, #tpu.memory_space<hbm>>
      %dma_start3A_97 = arith.constant 0 : i32
      %dma_start3A_98 = tpu.memref_slice %arg10[%mul3A_88, %dma_start3A_97] : memref<10240x64xf32, #tpu.memory_space<vmem_shared>> -> memref<640x64xf32, #tpu.memory_space<vmem_shared>>
      tpu.enqueue_dma source(%dma_start3A_98 : memref<640x64xf32, #tpu.memory_space<vmem_shared>>) target(%dma_start3A_96 : memref<640x64xf32, #tpu.memory_space<hbm>>) target_semaphore(%run_scoped3A_94 : memref<!tpu.dma_semaphore, #tpu.memory_space<semaphore_mem>>)
      %dma_wait3A_99 = arith.constant 0 : i32
      %dma_wait3A_100 = tpu.memref_slice %arg5[%add3A_93, %dma_wait3A_99] : memref<20480x64xf32, #tpu.memory_space<hbm>> -> memref<640x64xf32, #tpu.memory_space<hbm>>
      %dma_wait3A_101 = arith.constant 0 : i32
      %dma_wait3A_102 = tpu.memref_slice %arg10[%mul3A_88, %dma_wait3A_101] : memref<10240x64xf32, #tpu.memory_space<vmem_shared>> -> memref<640x64xf32, #tpu.memory_space<vmem_shared>>
      tpu.wait_dma2 semaphore(%run_scoped3A_94 : memref<!tpu.dma_semaphore, #tpu.memory_space<semaphore_mem>>) src(%dma_wait3A_102 : memref<640x64xf32, #tpu.memory_space<vmem_shared>>) dst(%dma_wait3A_100 : memref<640x64xf32, #tpu.memory_space<hbm>>)
      tpu.yield
    }) : () -> ()
    return
  }
}

#map = affine_map<(d0, d1) -> (0, 0)>
#map1 = affine_map<(d0, d1) -> (0, 0, 0)>
#map2 = affine_map<(d0, d1) -> (0)>
module attributes {stable_mosaic.version = 14 : i64} {
  func.func @sc_agg(%arg0: i32, %arg1: i32, %arg2: memref<10000x128xf32, #tpu.memory_space<hbm>>, %arg3: memref<32x10000xi32, #tpu.memory_space<hbm>>, %arg4: memref<32x125x80xi32, #tpu.memory_space<hbm>>, %arg5: memref<20480x128xf32, #tpu.memory_space<hbm>>, %arg6: memref<20480xf32, #tpu.memory_space<hbm>>, %arg7: memref<10000xi32, #tpu.memory_space<vmem>>, %arg8: memref<125x80xi32, #tpu.memory_space<vmem>>, %arg9: memref<80x128xf32, #tpu.memory_space<vmem>>, %arg10: memref<80x128xf32, #tpu.memory_space<vmem>>, %arg11: memref<10240x128xf32, #tpu.memory_space<vmem_shared>>, %arg12: memref<!tpu.dma_semaphore, #tpu.memory_space<semaphore_mem>>, %arg13: memref<!tpu.dma_semaphore, #tpu.memory_space<semaphore_mem>>, %arg14: memref<80xf32, #tpu.memory_space<vmem>>, %arg15: memref<80xf32, #tpu.memory_space<vmem>>, %arg16: memref<10240xf32, #tpu.memory_space<vmem_shared>>) attributes {dimension_semantics = [#tpu.dimension_semantics<core_parallel>, #tpu.dimension_semantics<subcore_parallel>], iteration_bounds = array<i64: 2, 16>, scalar_prefetch = 0 : i64, scratch_operands = 10 : i64, tpu.core_type = #tpu.core_type<sc_vector_subcore>, window_params = [{transform_indices = #map}, {transform_indices = #map}, {transform_indices = #map1}, {transform_indices = #map}, {transform_indices = #map2}]} {
    %mul3A = arith.constant 16 : i32
    %mul3A_0 = arith.muli %arg0, %mul3A : i32
    %add3A = arith.addi %mul3A_0, %arg1 : i32
    %dma_start3A = arith.constant 0 : i32
    %dma_start3A_1 = tpu.memref_slice %arg3[%add3A, %dma_start3A] : memref<32x10000xi32, #tpu.memory_space<hbm>> -> memref<1x10000xi32, #tpu.memory_space<hbm>>
    %dma_start3A_2 = tpu.memref_squeeze %dma_start3A_1 : memref<1x10000xi32, #tpu.memory_space<hbm>> -> memref<10000xi32, #tpu.memory_space<hbm>>
    %dma_start3A_3 = arith.constant 0 : i32
    %dma_start3A_4 = tpu.memref_slice %arg3[%add3A, %dma_start3A_3] : memref<32x10000xi32, #tpu.memory_space<hbm>> -> memref<1x10000xi32, #tpu.memory_space<hbm>>
    %dma_start3A_5 = tpu.memref_squeeze %dma_start3A_4 : memref<1x10000xi32, #tpu.memory_space<hbm>> -> memref<10000xi32, #tpu.memory_space<hbm>>
    tpu.enqueue_dma source(%dma_start3A_5 : memref<10000xi32, #tpu.memory_space<hbm>>) target(%arg7 : memref<10000xi32, #tpu.memory_space<vmem>>) target_semaphore(%arg12 : memref<!tpu.dma_semaphore, #tpu.memory_space<semaphore_mem>>)
    %dma_start3A_6 = arith.constant 0 : i32
    %dma_start3A_7 = arith.constant 0 : i32
    %dma_start3A_8 = tpu.memref_slice %arg4[%add3A, %dma_start3A_6, %dma_start3A_7] : memref<32x125x80xi32, #tpu.memory_space<hbm>> -> memref<1x125x80xi32, #tpu.memory_space<hbm>>
    %dma_start3A_9 = tpu.memref_squeeze %dma_start3A_8 : memref<1x125x80xi32, #tpu.memory_space<hbm>> -> memref<125x80xi32, #tpu.memory_space<hbm>>
    %dma_start3A_10 = arith.constant 0 : i32
    %dma_start3A_11 = arith.constant 0 : i32
    %dma_start3A_12 = tpu.memref_slice %arg4[%add3A, %dma_start3A_10, %dma_start3A_11] : memref<32x125x80xi32, #tpu.memory_space<hbm>> -> memref<1x125x80xi32, #tpu.memory_space<hbm>>
    %dma_start3A_13 = tpu.memref_squeeze %dma_start3A_12 : memref<1x125x80xi32, #tpu.memory_space<hbm>> -> memref<125x80xi32, #tpu.memory_space<hbm>>
    tpu.enqueue_dma source(%dma_start3A_13 : memref<125x80xi32, #tpu.memory_space<hbm>>) target(%arg8 : memref<125x80xi32, #tpu.memory_space<vmem>>) target_semaphore(%arg13 : memref<!tpu.dma_semaphore, #tpu.memory_space<semaphore_mem>>)
    %broadcast_in_dim3A = arith.constant 0.000000e+00 : f32
    %broadcast_in_dim3A_14 = vector.broadcast %broadcast_in_dim3A : f32 to vector<16xf32>
    %scan3A = arith.constant 0 : i32
    %scan3A_15 = arith.constant 0 : i32
    %scan3A_16 = arith.constant 80 : i32
    %scan3A_17 = arith.addi %scan3A_15, %scan3A_16 : i32
    %scan3A_18 = arith.constant 1 : i32
    scf.for %scan3A_175 = %scan3A_15 to %scan3A_17 step %scan3A_18  : i32 {
      %swap3A_176 = arith.index_cast %scan3A_175 : i32 to index
      %swap3A_177 = arith.constant 0 : index
      %swap3A_178 = tpu.vector_load %arg9[%swap3A_176, %swap3A_177] {strides = array<i32>} : memref<80x128xf32, #tpu.memory_space<vmem>>, vector<1x16xf32>,
      %swap3A_179 = vector.shape_cast %swap3A_178 : vector<1x16xf32> to vector<16xf32>
      %swap3A_180 = vector.shape_cast %broadcast_in_dim3A_14 : vector<16xf32> to vector<1x16xf32>
      tpu.vector_store %arg9[%swap3A_176, %swap3A_177], %swap3A_180 {strides = array<i32>} : memref<80x128xf32, #tpu.memory_space<vmem>>, vector<1x16xf32>,
      %swap3A_181 = arith.index_cast %scan3A_175 : i32 to index
      %swap3A_182 = arith.constant 16 : index
      %swap3A_183 = tpu.vector_load %arg9[%swap3A_181, %swap3A_182] {strides = array<i32>} : memref<80x128xf32, #tpu.memory_space<vmem>>, vector<1x16xf32>,
      %swap3A_184 = vector.shape_cast %swap3A_183 : vector<1x16xf32> to vector<16xf32>
      %swap3A_185 = vector.shape_cast %broadcast_in_dim3A_14 : vector<16xf32> to vector<1x16xf32>
      tpu.vector_store %arg9[%swap3A_181, %swap3A_182], %swap3A_185 {strides = array<i32>} : memref<80x128xf32, #tpu.memory_space<vmem>>, vector<1x16xf32>,
      %swap3A_186 = arith.index_cast %scan3A_175 : i32 to index
      %swap3A_187 = arith.constant 32 : index
      %swap3A_188 = tpu.vector_load %arg9[%swap3A_186, %swap3A_187] {strides = array<i32>} : memref<80x128xf32, #tpu.memory_space<vmem>>, vector<1x16xf32>,
      %swap3A_189 = vector.shape_cast %swap3A_188 : vector<1x16xf32> to vector<16xf32>
      %swap3A_190 = vector.shape_cast %broadcast_in_dim3A_14 : vector<16xf32> to vector<1x16xf32>
      tpu.vector_store %arg9[%swap3A_186, %swap3A_187], %swap3A_190 {strides = array<i32>} : memref<80x128xf32, #tpu.memory_space<vmem>>, vector<1x16xf32>,
      %swap3A_191 = arith.index_cast %scan3A_175 : i32 to index
      %swap3A_192 = arith.constant 48 : index
      %swap3A_193 = tpu.vector_load %arg9[%swap3A_191, %swap3A_192] {strides = array<i32>} : memref<80x128xf32, #tpu.memory_space<vmem>>, vector<1x16xf32>,
      %swap3A_194 = vector.shape_cast %swap3A_193 : vector<1x16xf32> to vector<16xf32>
      %swap3A_195 = vector.shape_cast %broadcast_in_dim3A_14 : vector<16xf32> to vector<1x16xf32>
      tpu.vector_store %arg9[%swap3A_191, %swap3A_192], %swap3A_195 {strides = array<i32>} : memref<80x128xf32, #tpu.memory_space<vmem>>, vector<1x16xf32>,
      %swap3A_196 = arith.index_cast %scan3A_175 : i32 to index
      %swap3A_197 = arith.constant 64 : index
      %swap3A_198 = tpu.vector_load %arg9[%swap3A_196, %swap3A_197] {strides = array<i32>} : memref<80x128xf32, #tpu.memory_space<vmem>>, vector<1x16xf32>,
      %swap3A_199 = vector.shape_cast %swap3A_198 : vector<1x16xf32> to vector<16xf32>
      %swap3A_200 = vector.shape_cast %broadcast_in_dim3A_14 : vector<16xf32> to vector<1x16xf32>
      tpu.vector_store %arg9[%swap3A_196, %swap3A_197], %swap3A_200 {strides = array<i32>} : memref<80x128xf32, #tpu.memory_space<vmem>>, vector<1x16xf32>,
      %swap3A_201 = arith.index_cast %scan3A_175 : i32 to index
      %swap3A_202 = arith.constant 80 : index
      %swap3A_203 = tpu.vector_load %arg9[%swap3A_201, %swap3A_202] {strides = array<i32>} : memref<80x128xf32, #tpu.memory_space<vmem>>, vector<1x16xf32>,
      %swap3A_204 = vector.shape_cast %swap3A_203 : vector<1x16xf32> to vector<16xf32>
      %swap3A_205 = vector.shape_cast %broadcast_in_dim3A_14 : vector<16xf32> to vector<1x16xf32>
      tpu.vector_store %arg9[%swap3A_201, %swap3A_202], %swap3A_205 {strides = array<i32>} : memref<80x128xf32, #tpu.memory_space<vmem>>, vector<1x16xf32>,
      %swap3A_206 = arith.index_cast %scan3A_175 : i32 to index
      %swap3A_207 = arith.constant 96 : index
      %swap3A_208 = tpu.vector_load %arg9[%swap3A_206, %swap3A_207] {strides = array<i32>} : memref<80x128xf32, #tpu.memory_space<vmem>>, vector<1x16xf32>,
      %swap3A_209 = vector.shape_cast %swap3A_208 : vector<1x16xf32> to vector<16xf32>
      %swap3A_210 = vector.shape_cast %broadcast_in_dim3A_14 : vector<16xf32> to vector<1x16xf32>
      tpu.vector_store %arg9[%swap3A_206, %swap3A_207], %swap3A_210 {strides = array<i32>} : memref<80x128xf32, #tpu.memory_space<vmem>>, vector<1x16xf32>,
      %swap3A_211 = arith.index_cast %scan3A_175 : i32 to index
      %swap3A_212 = arith.constant 112 : index
      %swap3A_213 = tpu.vector_load %arg9[%swap3A_211, %swap3A_212] {strides = array<i32>} : memref<80x128xf32, #tpu.memory_space<vmem>>, vector<1x16xf32>,
      %swap3A_214 = vector.shape_cast %swap3A_213 : vector<1x16xf32> to vector<16xf32>
      %swap3A_215 = vector.shape_cast %broadcast_in_dim3A_14 : vector<16xf32> to vector<1x16xf32>
      tpu.vector_store %arg9[%swap3A_211, %swap3A_212], %swap3A_215 {strides = array<i32>} : memref<80x128xf32, #tpu.memory_space<vmem>>, vector<1x16xf32>,
    }
    %scan3A_19 = arith.constant 80 : i32
    %mul3A_20 = arith.constant 640 : i32
    %mul3A_21 = arith.muli %arg1, %mul3A_20 : i32
    %add3A_22 = arith.constant 0 : i32
    %add3A_23 = arith.addi %mul3A_21, %add3A_22 : i32
    "tpu.region"() ({
      %run_scoped3A_175 = tpu.sem_alloc : memref<!tpu.dma_semaphore, #tpu.memory_space<semaphore_mem>>
      %dma_start3A_176 = arith.constant 0 : i32
      %dma_start3A_177 = tpu.memref_slice %arg11[%add3A_23, %dma_start3A_176] : memref<10240x128xf32, #tpu.memory_space<vmem_shared>> -> memref<80x128xf32, #tpu.memory_space<vmem_shared>>
      %dma_start3A_178 = arith.constant 0 : i32
      %dma_start3A_179 = tpu.memref_slice %arg11[%add3A_23, %dma_start3A_178] : memref<10240x128xf32, #tpu.memory_space<vmem_shared>> -> memref<80x128xf32, #tpu.memory_space<vmem_shared>>
      tpu.enqueue_dma source(%arg9 : memref<80x128xf32, #tpu.memory_space<vmem>>) target(%dma_start3A_179 : memref<80x128xf32, #tpu.memory_space<vmem_shared>>) target_semaphore(%run_scoped3A_175 : memref<!tpu.dma_semaphore, #tpu.memory_space<semaphore_mem>>)
      %dma_wait3A_180 = arith.constant 0 : i32
      %dma_wait3A_181 = tpu.memref_slice %arg11[%add3A_23, %dma_wait3A_180] : memref<10240x128xf32, #tpu.memory_space<vmem_shared>> -> memref<80x128xf32, #tpu.memory_space<vmem_shared>>
      %dma_wait3A_182 = arith.constant 0 : i32
      %dma_wait3A_183 = tpu.memref_slice %arg11[%add3A_23, %dma_wait3A_182] : memref<10240x128xf32, #tpu.memory_space<vmem_shared>> -> memref<80x128xf32, #tpu.memory_space<vmem_shared>>
      tpu.wait_dma2 semaphore(%run_scoped3A_175 : memref<!tpu.dma_semaphore, #tpu.memory_space<semaphore_mem>>) src(%arg9 : memref<80x128xf32, #tpu.memory_space<vmem>>) dst(%dma_wait3A_183 : memref<80x128xf32, #tpu.memory_space<vmem_shared>>)
      tpu.yield
    }) : () -> ()
    %mul3A_24 = arith.constant 640 : i32
    %mul3A_25 = arith.muli %arg1, %mul3A_24 : i32
    %add3A_26 = arith.constant 80 : i32
    %add3A_27 = arith.addi %mul3A_25, %add3A_26 : i32
    "tpu.region"() ({
      %run_scoped3A_175 = tpu.sem_alloc : memref<!tpu.dma_semaphore, #tpu.memory_space<semaphore_mem>>
      %dma_start3A_176 = arith.constant 0 : i32
      %dma_start3A_177 = tpu.memref_slice %arg11[%add3A_27, %dma_start3A_176] : memref<10240x128xf32, #tpu.memory_space<vmem_shared>> -> memref<80x128xf32, #tpu.memory_space<vmem_shared>>
      %dma_start3A_178 = arith.constant 0 : i32
      %dma_start3A_179 = tpu.memref_slice %arg11[%add3A_27, %dma_start3A_178] : memref<10240x128xf32, #tpu.memory_space<vmem_shared>> -> memref<80x128xf32, #tpu.memory_space<vmem_shared>>
      tpu.enqueue_dma source(%arg9 : memref<80x128xf32, #tpu.memory_space<vmem>>) target(%dma_start3A_179 : memref<80x128xf32, #tpu.memory_space<vmem_shared>>) target_semaphore(%run_scoped3A_175 : memref<!tpu.dma_semaphore, #tpu.memory_space<semaphore_mem>>)
      %dma_wait3A_180 = arith.constant 0 : i32
      %dma_wait3A_181 = tpu.memref_slice %arg11[%add3A_27, %dma_wait3A_180] : memref<10240x128xf32, #tpu.memory_space<vmem_shared>> -> memref<80x128xf32, #tpu.memory_space<vmem_shared>>
      %dma_wait3A_182 = arith.constant 0 : i32
      %dma_wait3A_183 = tpu.memref_slice %arg11[%add3A_27, %dma_wait3A_182] : memref<10240x128xf32, #tpu.memory_space<vmem_shared>> -> memref<80x128xf32, #tpu.memory_space<vmem_shared>>
      tpu.wait_dma2 semaphore(%run_scoped3A_175 : memref<!tpu.dma_semaphore, #tpu.memory_space<semaphore_mem>>) src(%arg9 : memref<80x128xf32, #tpu.memory_space<vmem>>) dst(%dma_wait3A_183 : memref<80x128xf32, #tpu.memory_space<vmem_shared>>)
      tpu.yield
    }) : () -> ()
    %mul3A_28 = arith.constant 640 : i32
    %mul3A_29 = arith.muli %arg1, %mul3A_28 : i32
    %add3A_30 = arith.constant 160 : i32
    %add3A_31 = arith.addi %mul3A_29, %add3A_30 : i32
    "tpu.region"() ({
      %run_scoped3A_175 = tpu.sem_alloc : memref<!tpu.dma_semaphore, #tpu.memory_space<semaphore_mem>>
      %dma_start3A_176 = arith.constant 0 : i32
      %dma_start3A_177 = tpu.memref_slice %arg11[%add3A_31, %dma_start3A_176] : memref<10240x128xf32, #tpu.memory_space<vmem_shared>> -> memref<80x128xf32, #tpu.memory_space<vmem_shared>>
      %dma_start3A_178 = arith.constant 0 : i32
      %dma_start3A_179 = tpu.memref_slice %arg11[%add3A_31, %dma_start3A_178] : memref<10240x128xf32, #tpu.memory_space<vmem_shared>> -> memref<80x128xf32, #tpu.memory_space<vmem_shared>>
      tpu.enqueue_dma source(%arg9 : memref<80x128xf32, #tpu.memory_space<vmem>>) target(%dma_start3A_179 : memref<80x128xf32, #tpu.memory_space<vmem_shared>>) target_semaphore(%run_scoped3A_175 : memref<!tpu.dma_semaphore, #tpu.memory_space<semaphore_mem>>)
      %dma_wait3A_180 = arith.constant 0 : i32
      %dma_wait3A_181 = tpu.memref_slice %arg11[%add3A_31, %dma_wait3A_180] : memref<10240x128xf32, #tpu.memory_space<vmem_shared>> -> memref<80x128xf32, #tpu.memory_space<vmem_shared>>
      %dma_wait3A_182 = arith.constant 0 : i32
      %dma_wait3A_183 = tpu.memref_slice %arg11[%add3A_31, %dma_wait3A_182] : memref<10240x128xf32, #tpu.memory_space<vmem_shared>> -> memref<80x128xf32, #tpu.memory_space<vmem_shared>>
      tpu.wait_dma2 semaphore(%run_scoped3A_175 : memref<!tpu.dma_semaphore, #tpu.memory_space<semaphore_mem>>) src(%arg9 : memref<80x128xf32, #tpu.memory_space<vmem>>) dst(%dma_wait3A_183 : memref<80x128xf32, #tpu.memory_space<vmem_shared>>)
      tpu.yield
    }) : () -> ()
    %mul3A_32 = arith.constant 640 : i32
    %mul3A_33 = arith.muli %arg1, %mul3A_32 : i32
    %add3A_34 = arith.constant 240 : i32
    %add3A_35 = arith.addi %mul3A_33, %add3A_34 : i32
    "tpu.region"() ({
      %run_scoped3A_175 = tpu.sem_alloc : memref<!tpu.dma_semaphore, #tpu.memory_space<semaphore_mem>>
      %dma_start3A_176 = arith.constant 0 : i32
      %dma_start3A_177 = tpu.memref_slice %arg11[%add3A_35, %dma_start3A_176] : memref<10240x128xf32, #tpu.memory_space<vmem_shared>> -> memref<80x128xf32, #tpu.memory_space<vmem_shared>>
      %dma_start3A_178 = arith.constant 0 : i32
      %dma_start3A_179 = tpu.memref_slice %arg11[%add3A_35, %dma_start3A_178] : memref<10240x128xf32, #tpu.memory_space<vmem_shared>> -> memref<80x128xf32, #tpu.memory_space<vmem_shared>>
      tpu.enqueue_dma source(%arg9 : memref<80x128xf32, #tpu.memory_space<vmem>>) target(%dma_start3A_179 : memref<80x128xf32, #tpu.memory_space<vmem_shared>>) target_semaphore(%run_scoped3A_175 : memref<!tpu.dma_semaphore, #tpu.memory_space<semaphore_mem>>)
      %dma_wait3A_180 = arith.constant 0 : i32
      %dma_wait3A_181 = tpu.memref_slice %arg11[%add3A_35, %dma_wait3A_180] : memref<10240x128xf32, #tpu.memory_space<vmem_shared>> -> memref<80x128xf32, #tpu.memory_space<vmem_shared>>
      %dma_wait3A_182 = arith.constant 0 : i32
      %dma_wait3A_183 = tpu.memref_slice %arg11[%add3A_35, %dma_wait3A_182] : memref<10240x128xf32, #tpu.memory_space<vmem_shared>> -> memref<80x128xf32, #tpu.memory_space<vmem_shared>>
      tpu.wait_dma2 semaphore(%run_scoped3A_175 : memref<!tpu.dma_semaphore, #tpu.memory_space<semaphore_mem>>) src(%arg9 : memref<80x128xf32, #tpu.memory_space<vmem>>) dst(%dma_wait3A_183 : memref<80x128xf32, #tpu.memory_space<vmem_shared>>)
      tpu.yield
    }) : () -> ()
    %mul3A_36 = arith.constant 640 : i32
    %mul3A_37 = arith.muli %arg1, %mul3A_36 : i32
    %add3A_38 = arith.constant 320 : i32
    %add3A_39 = arith.addi %mul3A_37, %add3A_38 : i32
    "tpu.region"() ({
      %run_scoped3A_175 = tpu.sem_alloc : memref<!tpu.dma_semaphore, #tpu.memory_space<semaphore_mem>>
      %dma_start3A_176 = arith.constant 0 : i32
      %dma_start3A_177 = tpu.memref_slice %arg11[%add3A_39, %dma_start3A_176] : memref<10240x128xf32, #tpu.memory_space<vmem_shared>> -> memref<80x128xf32, #tpu.memory_space<vmem_shared>>
      %dma_start3A_178 = arith.constant 0 : i32
      %dma_start3A_179 = tpu.memref_slice %arg11[%add3A_39, %dma_start3A_178] : memref<10240x128xf32, #tpu.memory_space<vmem_shared>> -> memref<80x128xf32, #tpu.memory_space<vmem_shared>>
      tpu.enqueue_dma source(%arg9 : memref<80x128xf32, #tpu.memory_space<vmem>>) target(%dma_start3A_179 : memref<80x128xf32, #tpu.memory_space<vmem_shared>>) target_semaphore(%run_scoped3A_175 : memref<!tpu.dma_semaphore, #tpu.memory_space<semaphore_mem>>)
      %dma_wait3A_180 = arith.constant 0 : i32
      %dma_wait3A_181 = tpu.memref_slice %arg11[%add3A_39, %dma_wait3A_180] : memref<10240x128xf32, #tpu.memory_space<vmem_shared>> -> memref<80x128xf32, #tpu.memory_space<vmem_shared>>
      %dma_wait3A_182 = arith.constant 0 : i32
      %dma_wait3A_183 = tpu.memref_slice %arg11[%add3A_39, %dma_wait3A_182] : memref<10240x128xf32, #tpu.memory_space<vmem_shared>> -> memref<80x128xf32, #tpu.memory_space<vmem_shared>>
      tpu.wait_dma2 semaphore(%run_scoped3A_175 : memref<!tpu.dma_semaphore, #tpu.memory_space<semaphore_mem>>) src(%arg9 : memref<80x128xf32, #tpu.memory_space<vmem>>) dst(%dma_wait3A_183 : memref<80x128xf32, #tpu.memory_space<vmem_shared>>)
      tpu.yield
    }) : () -> ()
    %mul3A_40 = arith.constant 640 : i32
    %mul3A_41 = arith.muli %arg1, %mul3A_40 : i32
    %add3A_42 = arith.constant 400 : i32
    %add3A_43 = arith.addi %mul3A_41, %add3A_42 : i32
    "tpu.region"() ({
      %run_scoped3A_175 = tpu.sem_alloc : memref<!tpu.dma_semaphore, #tpu.memory_space<semaphore_mem>>
      %dma_start3A_176 = arith.constant 0 : i32
      %dma_start3A_177 = tpu.memref_slice %arg11[%add3A_43, %dma_start3A_176] : memref<10240x128xf32, #tpu.memory_space<vmem_shared>> -> memref<80x128xf32, #tpu.memory_space<vmem_shared>>
      %dma_start3A_178 = arith.constant 0 : i32
      %dma_start3A_179 = tpu.memref_slice %arg11[%add3A_43, %dma_start3A_178] : memref<10240x128xf32, #tpu.memory_space<vmem_shared>> -> memref<80x128xf32, #tpu.memory_space<vmem_shared>>
      tpu.enqueue_dma source(%arg9 : memref<80x128xf32, #tpu.memory_space<vmem>>) target(%dma_start3A_179 : memref<80x128xf32, #tpu.memory_space<vmem_shared>>) target_semaphore(%run_scoped3A_175 : memref<!tpu.dma_semaphore, #tpu.memory_space<semaphore_mem>>)
      %dma_wait3A_180 = arith.constant 0 : i32
      %dma_wait3A_181 = tpu.memref_slice %arg11[%add3A_43, %dma_wait3A_180] : memref<10240x128xf32, #tpu.memory_space<vmem_shared>> -> memref<80x128xf32, #tpu.memory_space<vmem_shared>>
      %dma_wait3A_182 = arith.constant 0 : i32
      %dma_wait3A_183 = tpu.memref_slice %arg11[%add3A_43, %dma_wait3A_182] : memref<10240x128xf32, #tpu.memory_space<vmem_shared>> -> memref<80x128xf32, #tpu.memory_space<vmem_shared>>
      tpu.wait_dma2 semaphore(%run_scoped3A_175 : memref<!tpu.dma_semaphore, #tpu.memory_space<semaphore_mem>>) src(%arg9 : memref<80x128xf32, #tpu.memory_space<vmem>>) dst(%dma_wait3A_183 : memref<80x128xf32, #tpu.memory_space<vmem_shared>>)
      tpu.yield
    }) : () -> ()
    %mul3A_44 = arith.constant 640 : i32
    %mul3A_45 = arith.muli %arg1, %mul3A_44 : i32
    %add3A_46 = arith.constant 480 : i32
    %add3A_47 = arith.addi %mul3A_45, %add3A_46 : i32
    "tpu.region"() ({
      %run_scoped3A_175 = tpu.sem_alloc : memref<!tpu.dma_semaphore, #tpu.memory_space<semaphore_mem>>
      %dma_start3A_176 = arith.constant 0 : i32
      %dma_start3A_177 = tpu.memref_slice %arg11[%add3A_47, %dma_start3A_176] : memref<10240x128xf32, #tpu.memory_space<vmem_shared>> -> memref<80x128xf32, #tpu.memory_space<vmem_shared>>
      %dma_start3A_178 = arith.constant 0 : i32
      %dma_start3A_179 = tpu.memref_slice %arg11[%add3A_47, %dma_start3A_178] : memref<10240x128xf32, #tpu.memory_space<vmem_shared>> -> memref<80x128xf32, #tpu.memory_space<vmem_shared>>
      tpu.enqueue_dma source(%arg9 : memref<80x128xf32, #tpu.memory_space<vmem>>) target(%dma_start3A_179 : memref<80x128xf32, #tpu.memory_space<vmem_shared>>) target_semaphore(%run_scoped3A_175 : memref<!tpu.dma_semaphore, #tpu.memory_space<semaphore_mem>>)
      %dma_wait3A_180 = arith.constant 0 : i32
      %dma_wait3A_181 = tpu.memref_slice %arg11[%add3A_47, %dma_wait3A_180] : memref<10240x128xf32, #tpu.memory_space<vmem_shared>> -> memref<80x128xf32, #tpu.memory_space<vmem_shared>>
      %dma_wait3A_182 = arith.constant 0 : i32
      %dma_wait3A_183 = tpu.memref_slice %arg11[%add3A_47, %dma_wait3A_182] : memref<10240x128xf32, #tpu.memory_space<vmem_shared>> -> memref<80x128xf32, #tpu.memory_space<vmem_shared>>
      tpu.wait_dma2 semaphore(%run_scoped3A_175 : memref<!tpu.dma_semaphore, #tpu.memory_space<semaphore_mem>>) src(%arg9 : memref<80x128xf32, #tpu.memory_space<vmem>>) dst(%dma_wait3A_183 : memref<80x128xf32, #tpu.memory_space<vmem_shared>>)
      tpu.yield
    }) : () -> ()
    %mul3A_48 = arith.constant 640 : i32
    %mul3A_49 = arith.muli %arg1, %mul3A_48 : i32
    %add3A_50 = arith.constant 560 : i32
    %add3A_51 = arith.addi %mul3A_49, %add3A_50 : i32
    "tpu.region"() ({
      %run_scoped3A_175 = tpu.sem_alloc : memref<!tpu.dma_semaphore, #tpu.memory_space<semaphore_mem>>
      %dma_start3A_176 = arith.constant 0 : i32
      %dma_start3A_177 = tpu.memref_slice %arg11[%add3A_51, %dma_start3A_176] : memref<10240x128xf32, #tpu.memory_space<vmem_shared>> -> memref<80x128xf32, #tpu.memory_space<vmem_shared>>
      %dma_start3A_178 = arith.constant 0 : i32
      %dma_start3A_179 = tpu.memref_slice %arg11[%add3A_51, %dma_start3A_178] : memref<10240x128xf32, #tpu.memory_space<vmem_shared>> -> memref<80x128xf32, #tpu.memory_space<vmem_shared>>
      tpu.enqueue_dma source(%arg9 : memref<80x128xf32, #tpu.memory_space<vmem>>) target(%dma_start3A_179 : memref<80x128xf32, #tpu.memory_space<vmem_shared>>) target_semaphore(%run_scoped3A_175 : memref<!tpu.dma_semaphore, #tpu.memory_space<semaphore_mem>>)
      %dma_wait3A_180 = arith.constant 0 : i32
      %dma_wait3A_181 = tpu.memref_slice %arg11[%add3A_51, %dma_wait3A_180] : memref<10240x128xf32, #tpu.memory_space<vmem_shared>> -> memref<80x128xf32, #tpu.memory_space<vmem_shared>>
      %dma_wait3A_182 = arith.constant 0 : i32
      %dma_wait3A_183 = tpu.memref_slice %arg11[%add3A_51, %dma_wait3A_182] : memref<10240x128xf32, #tpu.memory_space<vmem_shared>> -> memref<80x128xf32, #tpu.memory_space<vmem_shared>>
      tpu.wait_dma2 semaphore(%run_scoped3A_175 : memref<!tpu.dma_semaphore, #tpu.memory_space<semaphore_mem>>) src(%arg9 : memref<80x128xf32, #tpu.memory_space<vmem>>) dst(%dma_wait3A_183 : memref<80x128xf32, #tpu.memory_space<vmem_shared>>)
      tpu.yield
    }) : () -> ()
    %broadcast_in_dim3A_52 = arith.constant 1.000000e+00 : f32
    %broadcast_in_dim3A_53 = vector.broadcast %broadcast_in_dim3A_52 : f32 to vector<16xf32>
    %swap3A = arith.constant 0 : index
    %swap3A_54 = tpu.vector_load %arg14[%swap3A] {strides = array<i32>} : memref<80xf32, #tpu.memory_space<vmem>>, vector<16xf32>,
    %swap3A_55 = vector.shape_cast %swap3A_54 : vector<16xf32> to vector<16xf32>
    %swap3A_56 = vector.shape_cast %broadcast_in_dim3A_14 : vector<16xf32> to vector<16xf32>
    tpu.vector_store %arg14[%swap3A], %swap3A_56 {strides = array<i32>} : memref<80xf32, #tpu.memory_space<vmem>>, vector<16xf32>,
    %swap3A_57 = arith.constant 0 : index
    %swap3A_58 = tpu.vector_load %arg15[%swap3A_57] {strides = array<i32>} : memref<80xf32, #tpu.memory_space<vmem>>, vector<16xf32>,
    %swap3A_59 = vector.shape_cast %swap3A_58 : vector<16xf32> to vector<16xf32>
    %swap3A_60 = vector.shape_cast %broadcast_in_dim3A_53 : vector<16xf32> to vector<16xf32>
    tpu.vector_store %arg15[%swap3A_57], %swap3A_60 {strides = array<i32>} : memref<80xf32, #tpu.memory_space<vmem>>, vector<16xf32>,
    %swap3A_61 = arith.constant 16 : index
    %swap3A_62 = tpu.vector_load %arg14[%swap3A_61] {strides = array<i32>} : memref<80xf32, #tpu.memory_space<vmem>>, vector<16xf32>,
    %swap3A_63 = vector.shape_cast %swap3A_62 : vector<16xf32> to vector<16xf32>
    %swap3A_64 = vector.shape_cast %broadcast_in_dim3A_14 : vector<16xf32> to vector<16xf32>
    tpu.vector_store %arg14[%swap3A_61], %swap3A_64 {strides = array<i32>} : memref<80xf32, #tpu.memory_space<vmem>>, vector<16xf32>,
    %swap3A_65 = arith.constant 16 : index
    %swap3A_66 = tpu.vector_load %arg15[%swap3A_65] {strides = array<i32>} : memref<80xf32, #tpu.memory_space<vmem>>, vector<16xf32>,
    %swap3A_67 = vector.shape_cast %swap3A_66 : vector<16xf32> to vector<16xf32>
    %swap3A_68 = vector.shape_cast %broadcast_in_dim3A_53 : vector<16xf32> to vector<16xf32>
    tpu.vector_store %arg15[%swap3A_65], %swap3A_68 {strides = array<i32>} : memref<80xf32, #tpu.memory_space<vmem>>, vector<16xf32>,
    %swap3A_69 = arith.constant 32 : index
    %swap3A_70 = tpu.vector_load %arg14[%swap3A_69] {strides = array<i32>} : memref<80xf32, #tpu.memory_space<vmem>>, vector<16xf32>,
    %swap3A_71 = vector.shape_cast %swap3A_70 : vector<16xf32> to vector<16xf32>
    %swap3A_72 = vector.shape_cast %broadcast_in_dim3A_14 : vector<16xf32> to vector<16xf32>
    tpu.vector_store %arg14[%swap3A_69], %swap3A_72 {strides = array<i32>} : memref<80xf32, #tpu.memory_space<vmem>>, vector<16xf32>,
    %swap3A_73 = arith.constant 32 : index
    %swap3A_74 = tpu.vector_load %arg15[%swap3A_73] {strides = array<i32>} : memref<80xf32, #tpu.memory_space<vmem>>, vector<16xf32>,
    %swap3A_75 = vector.shape_cast %swap3A_74 : vector<16xf32> to vector<16xf32>
    %swap3A_76 = vector.shape_cast %broadcast_in_dim3A_53 : vector<16xf32> to vector<16xf32>
    tpu.vector_store %arg15[%swap3A_73], %swap3A_76 {strides = array<i32>} : memref<80xf32, #tpu.memory_space<vmem>>, vector<16xf32>,
    %swap3A_77 = arith.constant 48 : index
    %swap3A_78 = tpu.vector_load %arg14[%swap3A_77] {strides = array<i32>} : memref<80xf32, #tpu.memory_space<vmem>>, vector<16xf32>,
    %swap3A_79 = vector.shape_cast %swap3A_78 : vector<16xf32> to vector<16xf32>
    %swap3A_80 = vector.shape_cast %broadcast_in_dim3A_14 : vector<16xf32> to vector<16xf32>
    tpu.vector_store %arg14[%swap3A_77], %swap3A_80 {strides = array<i32>} : memref<80xf32, #tpu.memory_space<vmem>>, vector<16xf32>,
    %swap3A_81 = arith.constant 48 : index
    %swap3A_82 = tpu.vector_load %arg15[%swap3A_81] {strides = array<i32>} : memref<80xf32, #tpu.memory_space<vmem>>, vector<16xf32>,
    %swap3A_83 = vector.shape_cast %swap3A_82 : vector<16xf32> to vector<16xf32>
    %swap3A_84 = vector.shape_cast %broadcast_in_dim3A_53 : vector<16xf32> to vector<16xf32>
    tpu.vector_store %arg15[%swap3A_81], %swap3A_84 {strides = array<i32>} : memref<80xf32, #tpu.memory_space<vmem>>, vector<16xf32>,
    %swap3A_85 = arith.constant 64 : index
    %swap3A_86 = tpu.vector_load %arg14[%swap3A_85] {strides = array<i32>} : memref<80xf32, #tpu.memory_space<vmem>>, vector<16xf32>,
    %swap3A_87 = vector.shape_cast %swap3A_86 : vector<16xf32> to vector<16xf32>
    %swap3A_88 = vector.shape_cast %broadcast_in_dim3A_14 : vector<16xf32> to vector<16xf32>
    tpu.vector_store %arg14[%swap3A_85], %swap3A_88 {strides = array<i32>} : memref<80xf32, #tpu.memory_space<vmem>>, vector<16xf32>,
    %swap3A_89 = arith.constant 64 : index
    %swap3A_90 = tpu.vector_load %arg15[%swap3A_89] {strides = array<i32>} : memref<80xf32, #tpu.memory_space<vmem>>, vector<16xf32>,
    %swap3A_91 = vector.shape_cast %swap3A_90 : vector<16xf32> to vector<16xf32>
    %swap3A_92 = vector.shape_cast %broadcast_in_dim3A_53 : vector<16xf32> to vector<16xf32>
    tpu.vector_store %arg15[%swap3A_89], %swap3A_92 {strides = array<i32>} : memref<80xf32, #tpu.memory_space<vmem>>, vector<16xf32>,
    %mul3A_93 = arith.constant 640 : i32
    %mul3A_94 = arith.muli %arg1, %mul3A_93 : i32
    %add3A_95 = arith.constant 0 : i32
    %add3A_96 = arith.addi %mul3A_94, %add3A_95 : i32
    "tpu.region"() ({
      %run_scoped3A_175 = tpu.sem_alloc : memref<!tpu.dma_semaphore, #tpu.memory_space<semaphore_mem>>
      %dma_start3A_176 = tpu.memref_slice %arg16[%add3A_96] : memref<10240xf32, #tpu.memory_space<vmem_shared>> -> memref<80xf32, #tpu.memory_space<vmem_shared>>
      %dma_start3A_177 = tpu.memref_slice %arg16[%add3A_96] : memref<10240xf32, #tpu.memory_space<vmem_shared>> -> memref<80xf32, #tpu.memory_space<vmem_shared>>
      tpu.enqueue_dma source(%arg14 : memref<80xf32, #tpu.memory_space<vmem>>) target(%dma_start3A_177 : memref<80xf32, #tpu.memory_space<vmem_shared>>) target_semaphore(%run_scoped3A_175 : memref<!tpu.dma_semaphore, #tpu.memory_space<semaphore_mem>>)
      %dma_wait3A_178 = tpu.memref_slice %arg16[%add3A_96] : memref<10240xf32, #tpu.memory_space<vmem_shared>> -> memref<80xf32, #tpu.memory_space<vmem_shared>>
      %dma_wait3A_179 = tpu.memref_slice %arg16[%add3A_96] : memref<10240xf32, #tpu.memory_space<vmem_shared>> -> memref<80xf32, #tpu.memory_space<vmem_shared>>
      tpu.wait_dma2 semaphore(%run_scoped3A_175 : memref<!tpu.dma_semaphore, #tpu.memory_space<semaphore_mem>>) src(%arg14 : memref<80xf32, #tpu.memory_space<vmem>>) dst(%dma_wait3A_179 : memref<80xf32, #tpu.memory_space<vmem_shared>>)
      tpu.yield
    }) : () -> ()
    %mul3A_97 = arith.constant 640 : i32
    %mul3A_98 = arith.muli %arg1, %mul3A_97 : i32
    %add3A_99 = arith.constant 80 : i32
    %add3A_100 = arith.addi %mul3A_98, %add3A_99 : i32
    "tpu.region"() ({
      %run_scoped3A_175 = tpu.sem_alloc : memref<!tpu.dma_semaphore, #tpu.memory_space<semaphore_mem>>
      %dma_start3A_176 = tpu.memref_slice %arg16[%add3A_100] : memref<10240xf32, #tpu.memory_space<vmem_shared>> -> memref<80xf32, #tpu.memory_space<vmem_shared>>
      %dma_start3A_177 = tpu.memref_slice %arg16[%add3A_100] : memref<10240xf32, #tpu.memory_space<vmem_shared>> -> memref<80xf32, #tpu.memory_space<vmem_shared>>
      tpu.enqueue_dma source(%arg14 : memref<80xf32, #tpu.memory_space<vmem>>) target(%dma_start3A_177 : memref<80xf32, #tpu.memory_space<vmem_shared>>) target_semaphore(%run_scoped3A_175 : memref<!tpu.dma_semaphore, #tpu.memory_space<semaphore_mem>>)
      %dma_wait3A_178 = tpu.memref_slice %arg16[%add3A_100] : memref<10240xf32, #tpu.memory_space<vmem_shared>> -> memref<80xf32, #tpu.memory_space<vmem_shared>>
      %dma_wait3A_179 = tpu.memref_slice %arg16[%add3A_100] : memref<10240xf32, #tpu.memory_space<vmem_shared>> -> memref<80xf32, #tpu.memory_space<vmem_shared>>
      tpu.wait_dma2 semaphore(%run_scoped3A_175 : memref<!tpu.dma_semaphore, #tpu.memory_space<semaphore_mem>>) src(%arg14 : memref<80xf32, #tpu.memory_space<vmem>>) dst(%dma_wait3A_179 : memref<80xf32, #tpu.memory_space<vmem_shared>>)
      tpu.yield
    }) : () -> ()
    %mul3A_101 = arith.constant 640 : i32
    %mul3A_102 = arith.muli %arg1, %mul3A_101 : i32
    %add3A_103 = arith.constant 160 : i32
    %add3A_104 = arith.addi %mul3A_102, %add3A_103 : i32
    "tpu.region"() ({
      %run_scoped3A_175 = tpu.sem_alloc : memref<!tpu.dma_semaphore, #tpu.memory_space<semaphore_mem>>
      %dma_start3A_176 = tpu.memref_slice %arg16[%add3A_104] : memref<10240xf32, #tpu.memory_space<vmem_shared>> -> memref<80xf32, #tpu.memory_space<vmem_shared>>
      %dma_start3A_177 = tpu.memref_slice %arg16[%add3A_104] : memref<10240xf32, #tpu.memory_space<vmem_shared>> -> memref<80xf32, #tpu.memory_space<vmem_shared>>
      tpu.enqueue_dma source(%arg14 : memref<80xf32, #tpu.memory_space<vmem>>) target(%dma_start3A_177 : memref<80xf32, #tpu.memory_space<vmem_shared>>) target_semaphore(%run_scoped3A_175 : memref<!tpu.dma_semaphore, #tpu.memory_space<semaphore_mem>>)
      %dma_wait3A_178 = tpu.memref_slice %arg16[%add3A_104] : memref<10240xf32, #tpu.memory_space<vmem_shared>> -> memref<80xf32, #tpu.memory_space<vmem_shared>>
      %dma_wait3A_179 = tpu.memref_slice %arg16[%add3A_104] : memref<10240xf32, #tpu.memory_space<vmem_shared>> -> memref<80xf32, #tpu.memory_space<vmem_shared>>
      tpu.wait_dma2 semaphore(%run_scoped3A_175 : memref<!tpu.dma_semaphore, #tpu.memory_space<semaphore_mem>>) src(%arg14 : memref<80xf32, #tpu.memory_space<vmem>>) dst(%dma_wait3A_179 : memref<80xf32, #tpu.memory_space<vmem_shared>>)
      tpu.yield
    }) : () -> ()
    %mul3A_105 = arith.constant 640 : i32
    %mul3A_106 = arith.muli %arg1, %mul3A_105 : i32
    %add3A_107 = arith.constant 240 : i32
    %add3A_108 = arith.addi %mul3A_106, %add3A_107 : i32
    "tpu.region"() ({
      %run_scoped3A_175 = tpu.sem_alloc : memref<!tpu.dma_semaphore, #tpu.memory_space<semaphore_mem>>
      %dma_start3A_176 = tpu.memref_slice %arg16[%add3A_108] : memref<10240xf32, #tpu.memory_space<vmem_shared>> -> memref<80xf32, #tpu.memory_space<vmem_shared>>
      %dma_start3A_177 = tpu.memref_slice %arg16[%add3A_108] : memref<10240xf32, #tpu.memory_space<vmem_shared>> -> memref<80xf32, #tpu.memory_space<vmem_shared>>
      tpu.enqueue_dma source(%arg14 : memref<80xf32, #tpu.memory_space<vmem>>) target(%dma_start3A_177 : memref<80xf32, #tpu.memory_space<vmem_shared>>) target_semaphore(%run_scoped3A_175 : memref<!tpu.dma_semaphore, #tpu.memory_space<semaphore_mem>>)
      %dma_wait3A_178 = tpu.memref_slice %arg16[%add3A_108] : memref<10240xf32, #tpu.memory_space<vmem_shared>> -> memref<80xf32, #tpu.memory_space<vmem_shared>>
      %dma_wait3A_179 = tpu.memref_slice %arg16[%add3A_108] : memref<10240xf32, #tpu.memory_space<vmem_shared>> -> memref<80xf32, #tpu.memory_space<vmem_shared>>
      tpu.wait_dma2 semaphore(%run_scoped3A_175 : memref<!tpu.dma_semaphore, #tpu.memory_space<semaphore_mem>>) src(%arg14 : memref<80xf32, #tpu.memory_space<vmem>>) dst(%dma_wait3A_179 : memref<80xf32, #tpu.memory_space<vmem_shared>>)
      tpu.yield
    }) : () -> ()
    %mul3A_109 = arith.constant 640 : i32
    %mul3A_110 = arith.muli %arg1, %mul3A_109 : i32
    %add3A_111 = arith.constant 320 : i32
    %add3A_112 = arith.addi %mul3A_110, %add3A_111 : i32
    "tpu.region"() ({
      %run_scoped3A_175 = tpu.sem_alloc : memref<!tpu.dma_semaphore, #tpu.memory_space<semaphore_mem>>
      %dma_start3A_176 = tpu.memref_slice %arg16[%add3A_112] : memref<10240xf32, #tpu.memory_space<vmem_shared>> -> memref<80xf32, #tpu.memory_space<vmem_shared>>
      %dma_start3A_177 = tpu.memref_slice %arg16[%add3A_112] : memref<10240xf32, #tpu.memory_space<vmem_shared>> -> memref<80xf32, #tpu.memory_space<vmem_shared>>
      tpu.enqueue_dma source(%arg14 : memref<80xf32, #tpu.memory_space<vmem>>) target(%dma_start3A_177 : memref<80xf32, #tpu.memory_space<vmem_shared>>) target_semaphore(%run_scoped3A_175 : memref<!tpu.dma_semaphore, #tpu.memory_space<semaphore_mem>>)
      %dma_wait3A_178 = tpu.memref_slice %arg16[%add3A_112] : memref<10240xf32, #tpu.memory_space<vmem_shared>> -> memref<80xf32, #tpu.memory_space<vmem_shared>>
      %dma_wait3A_179 = tpu.memref_slice %arg16[%add3A_112] : memref<10240xf32, #tpu.memory_space<vmem_shared>> -> memref<80xf32, #tpu.memory_space<vmem_shared>>
      tpu.wait_dma2 semaphore(%run_scoped3A_175 : memref<!tpu.dma_semaphore, #tpu.memory_space<semaphore_mem>>) src(%arg14 : memref<80xf32, #tpu.memory_space<vmem>>) dst(%dma_wait3A_179 : memref<80xf32, #tpu.memory_space<vmem_shared>>)
      tpu.yield
    }) : () -> ()
    %mul3A_113 = arith.constant 640 : i32
    %mul3A_114 = arith.muli %arg1, %mul3A_113 : i32
    %add3A_115 = arith.constant 400 : i32
    %add3A_116 = arith.addi %mul3A_114, %add3A_115 : i32
    "tpu.region"() ({
      %run_scoped3A_175 = tpu.sem_alloc : memref<!tpu.dma_semaphore, #tpu.memory_space<semaphore_mem>>
      %dma_start3A_176 = tpu.memref_slice %arg16[%add3A_116] : memref<10240xf32, #tpu.memory_space<vmem_shared>> -> memref<80xf32, #tpu.memory_space<vmem_shared>>
      %dma_start3A_177 = tpu.memref_slice %arg16[%add3A_116] : memref<10240xf32, #tpu.memory_space<vmem_shared>> -> memref<80xf32, #tpu.memory_space<vmem_shared>>
      tpu.enqueue_dma source(%arg14 : memref<80xf32, #tpu.memory_space<vmem>>) target(%dma_start3A_177 : memref<80xf32, #tpu.memory_space<vmem_shared>>) target_semaphore(%run_scoped3A_175 : memref<!tpu.dma_semaphore, #tpu.memory_space<semaphore_mem>>)
      %dma_wait3A_178 = tpu.memref_slice %arg16[%add3A_116] : memref<10240xf32, #tpu.memory_space<vmem_shared>> -> memref<80xf32, #tpu.memory_space<vmem_shared>>
      %dma_wait3A_179 = tpu.memref_slice %arg16[%add3A_116] : memref<10240xf32, #tpu.memory_space<vmem_shared>> -> memref<80xf32, #tpu.memory_space<vmem_shared>>
      tpu.wait_dma2 semaphore(%run_scoped3A_175 : memref<!tpu.dma_semaphore, #tpu.memory_space<semaphore_mem>>) src(%arg14 : memref<80xf32, #tpu.memory_space<vmem>>) dst(%dma_wait3A_179 : memref<80xf32, #tpu.memory_space<vmem_shared>>)
      tpu.yield
    }) : () -> ()
    %mul3A_117 = arith.constant 640 : i32
    %mul3A_118 = arith.muli %arg1, %mul3A_117 : i32
    %add3A_119 = arith.constant 480 : i32
    %add3A_120 = arith.addi %mul3A_118, %add3A_119 : i32
    "tpu.region"() ({
      %run_scoped3A_175 = tpu.sem_alloc : memref<!tpu.dma_semaphore, #tpu.memory_space<semaphore_mem>>
      %dma_start3A_176 = tpu.memref_slice %arg16[%add3A_120] : memref<10240xf32, #tpu.memory_space<vmem_shared>> -> memref<80xf32, #tpu.memory_space<vmem_shared>>
      %dma_start3A_177 = tpu.memref_slice %arg16[%add3A_120] : memref<10240xf32, #tpu.memory_space<vmem_shared>> -> memref<80xf32, #tpu.memory_space<vmem_shared>>
      tpu.enqueue_dma source(%arg14 : memref<80xf32, #tpu.memory_space<vmem>>) target(%dma_start3A_177 : memref<80xf32, #tpu.memory_space<vmem_shared>>) target_semaphore(%run_scoped3A_175 : memref<!tpu.dma_semaphore, #tpu.memory_space<semaphore_mem>>)
      %dma_wait3A_178 = tpu.memref_slice %arg16[%add3A_120] : memref<10240xf32, #tpu.memory_space<vmem_shared>> -> memref<80xf32, #tpu.memory_space<vmem_shared>>
      %dma_wait3A_179 = tpu.memref_slice %arg16[%add3A_120] : memref<10240xf32, #tpu.memory_space<vmem_shared>> -> memref<80xf32, #tpu.memory_space<vmem_shared>>
      tpu.wait_dma2 semaphore(%run_scoped3A_175 : memref<!tpu.dma_semaphore, #tpu.memory_space<semaphore_mem>>) src(%arg14 : memref<80xf32, #tpu.memory_space<vmem>>) dst(%dma_wait3A_179 : memref<80xf32, #tpu.memory_space<vmem_shared>>)
      tpu.yield
    }) : () -> ()
    %mul3A_121 = arith.constant 640 : i32
    %mul3A_122 = arith.muli %arg1, %mul3A_121 : i32
    %add3A_123 = arith.constant 560 : i32
    %add3A_124 = arith.addi %mul3A_122, %add3A_123 : i32
    "tpu.region"() ({
      %run_scoped3A_175 = tpu.sem_alloc : memref<!tpu.dma_semaphore, #tpu.memory_space<semaphore_mem>>
      %dma_start3A_176 = tpu.memref_slice %arg16[%add3A_124] : memref<10240xf32, #tpu.memory_space<vmem_shared>> -> memref<80xf32, #tpu.memory_space<vmem_shared>>
      %dma_start3A_177 = tpu.memref_slice %arg16[%add3A_124] : memref<10240xf32, #tpu.memory_space<vmem_shared>> -> memref<80xf32, #tpu.memory_space<vmem_shared>>
      tpu.enqueue_dma source(%arg14 : memref<80xf32, #tpu.memory_space<vmem>>) target(%dma_start3A_177 : memref<80xf32, #tpu.memory_space<vmem_shared>>) target_semaphore(%run_scoped3A_175 : memref<!tpu.dma_semaphore, #tpu.memory_space<semaphore_mem>>)
      %dma_wait3A_178 = tpu.memref_slice %arg16[%add3A_124] : memref<10240xf32, #tpu.memory_space<vmem_shared>> -> memref<80xf32, #tpu.memory_space<vmem_shared>>
      %dma_wait3A_179 = tpu.memref_slice %arg16[%add3A_124] : memref<10240xf32, #tpu.memory_space<vmem_shared>> -> memref<80xf32, #tpu.memory_space<vmem_shared>>
      tpu.wait_dma2 semaphore(%run_scoped3A_175 : memref<!tpu.dma_semaphore, #tpu.memory_space<semaphore_mem>>) src(%arg14 : memref<80xf32, #tpu.memory_space<vmem>>) dst(%dma_wait3A_179 : memref<80xf32, #tpu.memory_space<vmem_shared>>)
      tpu.yield
    }) : () -> ()
    %dma_wait3A = arith.constant 0 : i32
    %dma_wait3A_125 = tpu.memref_slice %arg3[%add3A, %dma_wait3A] : memref<32x10000xi32, #tpu.memory_space<hbm>> -> memref<1x10000xi32, #tpu.memory_space<hbm>>
    %dma_wait3A_126 = tpu.memref_squeeze %dma_wait3A_125 : memref<1x10000xi32, #tpu.memory_space<hbm>> -> memref<10000xi32, #tpu.memory_space<hbm>>
    %dma_wait3A_127 = arith.constant 0 : i32
    %dma_wait3A_128 = tpu.memref_slice %arg3[%add3A, %dma_wait3A_127] : memref<32x10000xi32, #tpu.memory_space<hbm>> -> memref<1x10000xi32, #tpu.memory_space<hbm>>
    %dma_wait3A_129 = tpu.memref_squeeze %dma_wait3A_128 : memref<1x10000xi32, #tpu.memory_space<hbm>> -> memref<10000xi32, #tpu.memory_space<hbm>>
    tpu.wait_dma2 semaphore(%arg12 : memref<!tpu.dma_semaphore, #tpu.memory_space<semaphore_mem>>) src(%dma_wait3A_129 : memref<10000xi32, #tpu.memory_space<hbm>>) dst(%arg7 : memref<10000xi32, #tpu.memory_space<vmem>>)
    %dma_wait3A_130 = arith.constant 0 : i32
    %dma_wait3A_131 = arith.constant 0 : i32
    %dma_wait3A_132 = tpu.memref_slice %arg4[%add3A, %dma_wait3A_130, %dma_wait3A_131] : memref<32x125x80xi32, #tpu.memory_space<hbm>> -> memref<1x125x80xi32, #tpu.memory_space<hbm>>
    %dma_wait3A_133 = tpu.memref_squeeze %dma_wait3A_132 : memref<1x125x80xi32, #tpu.memory_space<hbm>> -> memref<125x80xi32, #tpu.memory_space<hbm>>
    %dma_wait3A_134 = arith.constant 0 : i32
    %dma_wait3A_135 = arith.constant 0 : i32
    %dma_wait3A_136 = tpu.memref_slice %arg4[%add3A, %dma_wait3A_134, %dma_wait3A_135] : memref<32x125x80xi32, #tpu.memory_space<hbm>> -> memref<1x125x80xi32, #tpu.memory_space<hbm>>
    %dma_wait3A_137 = tpu.memref_squeeze %dma_wait3A_136 : memref<1x125x80xi32, #tpu.memory_space<hbm>> -> memref<125x80xi32, #tpu.memory_space<hbm>>
    tpu.wait_dma2 semaphore(%arg13 : memref<!tpu.dma_semaphore, #tpu.memory_space<semaphore_mem>>) src(%dma_wait3A_137 : memref<125x80xi32, #tpu.memory_space<hbm>>) dst(%arg8 : memref<125x80xi32, #tpu.memory_space<vmem>>)
    %barrier3A = arith.constant 0 : index
    tpu.barrier barrier_id(%barrier3A)
    %dma_start3A_138 = arith.constant 0 : i32
    %dma_start3A_139 = tpu.memref_slice %arg7[%dma_start3A_138] : memref<10000xi32, #tpu.memory_space<vmem>> -> memref<80xi32, #tpu.memory_space<vmem>>
    %dma_start3A_140 = arith.constant 0 : i32
    %dma_start3A_141 = arith.constant 0 : i32
    %dma_start3A_142 = tpu.memref_slice %arg2[%dma_start3A_140, %dma_start3A_141] : memref<10000x128xf32, #tpu.memory_space<hbm>> -> memref<10000x128xf32, #tpu.memory_space<hbm>>
    tpu.enqueue_indirect_dma source(%dma_start3A_142 : memref<10000x128xf32, #tpu.memory_space<hbm>>) target(%arg9 : memref<80x128xf32, #tpu.memory_space<vmem>>) offsets(%dma_start3A_139 : memref<80xi32, #tpu.memory_space<vmem>>) semaphore(%arg12 : memref<!tpu.dma_semaphore, #tpu.memory_space<semaphore_mem>>)
    %dma_start3A_143 = arith.constant 80 : i32
    %dma_start3A_144 = tpu.memref_slice %arg7[%dma_start3A_143] : memref<10000xi32, #tpu.memory_space<vmem>> -> memref<80xi32, #tpu.memory_space<vmem>>
    %dma_start3A_145 = arith.constant 0 : i32
    %dma_start3A_146 = arith.constant 0 : i32
    %dma_start3A_147 = tpu.memref_slice %arg2[%dma_start3A_145, %dma_start3A_146] : memref<10000x128xf32, #tpu.memory_space<hbm>> -> memref<10000x128xf32, #tpu.memory_space<hbm>>
    tpu.enqueue_indirect_dma source(%dma_start3A_147 : memref<10000x128xf32, #tpu.memory_space<hbm>>) target(%arg10 : memref<80x128xf32, #tpu.memory_space<vmem>>) offsets(%dma_start3A_144 : memref<80xi32, #tpu.memory_space<vmem>>) semaphore(%arg13 : memref<!tpu.dma_semaphore, #tpu.memory_space<semaphore_mem>>)
    %scan3A_148 = arith.constant 0 : i32
    %scan3A_149 = arith.constant 0 : i32
    %scan3A_150 = arith.constant 62 : i32
    %scan3A_151 = arith.addi %scan3A_149, %scan3A_150 : i32
    %scan3A_152 = arith.constant 1 : i32
    scf.for %scan3A_175 = %scan3A_149 to %scan3A_151 step %scan3A_152  : i32 {
      %mul3A_176 = arith.constant 2 : i32
      %mul3A_177 = arith.muli %mul3A_176, %scan3A_175 : i32
      %mul3A_178 = arith.constant 2 : i32
      %mul3A_179 = arith.muli %mul3A_178, %scan3A_175 : i32
      %add3A_180 = arith.constant 1 : i32
      %add3A_181 = arith.addi %mul3A_179, %add3A_180 : i32
      %mul3A_182 = arith.constant 80 : i32
      %mul3A_183 = arith.muli %mul3A_177, %mul3A_182 : i32
      %dma_wait3A_184 = tpu.memref_slice %arg7[%mul3A_183] : memref<10000xi32, #tpu.memory_space<vmem>> -> memref<80xi32, #tpu.memory_space<vmem>>
      %dma_wait3A_185 = arith.constant 0 : i32
      %dma_wait3A_186 = arith.constant 0 : i32
      %dma_wait3A_187 = tpu.memref_slice %arg2[%dma_wait3A_185, %dma_wait3A_186] : memref<10000x128xf32, #tpu.memory_space<hbm>> -> memref<10000x128xf32, #tpu.memory_space<hbm>>
      tpu.wait_indirect_dma semaphore(%arg12 : memref<!tpu.dma_semaphore, #tpu.memory_space<semaphore_mem>>) src(%dma_wait3A_187 : memref<10000x128xf32, #tpu.memory_space<hbm>>) dst(%arg9 : memref<80x128xf32, #tpu.memory_space<vmem>>)
      "tpu.region"() ({
        %run_scoped3A_204 = tpu.sem_alloc : memref<!tpu.dma_semaphore, #tpu.memory_space<semaphore_mem>>
        %dma_start3A_205 = arith.constant 0 : i32
        %dma_start3A_206 = tpu.memref_slice %arg8[%mul3A_177, %dma_start3A_205] : memref<125x80xi32, #tpu.memory_space<vmem>> -> memref<1x80xi32, #tpu.memory_space<vmem>>
        %dma_start3A_207 = tpu.memref_squeeze %dma_start3A_206 : memref<1x80xi32, #tpu.memory_space<vmem>> -> memref<80xi32, #tpu.memory_space<vmem>>
        %dma_start3A_208 = arith.constant 0 : i32
        %dma_start3A_209 = arith.constant 0 : i32
        %dma_start3A_210 = tpu.memref_slice %arg11[%dma_start3A_208, %dma_start3A_209] : memref<10240x128xf32, #tpu.memory_space<vmem_shared>> -> memref<10240x128xf32, #tpu.memory_space<vmem_shared>>
        tpu.enqueue_indirect_dma source(%arg9 : memref<80x128xf32, #tpu.memory_space<vmem>>) target(%dma_start3A_210 : memref<10240x128xf32, #tpu.memory_space<vmem_shared>>) offsets(%dma_start3A_207 : memref<80xi32, #tpu.memory_space<vmem>>) semaphore(%run_scoped3A_204 : memref<!tpu.dma_semaphore, #tpu.memory_space<semaphore_mem>>) {add = true}
        %dma_wait3A_211 = arith.constant 0 : i32
        %dma_wait3A_212 = tpu.memref_slice %arg8[%mul3A_177, %dma_wait3A_211] : memref<125x80xi32, #tpu.memory_space<vmem>> -> memref<1x80xi32, #tpu.memory_space<vmem>>
        %dma_wait3A_213 = tpu.memref_squeeze %dma_wait3A_212 : memref<1x80xi32, #tpu.memory_space<vmem>> -> memref<80xi32, #tpu.memory_space<vmem>>
        %dma_wait3A_214 = arith.constant 0 : i32
        %dma_wait3A_215 = arith.constant 0 : i32
        %dma_wait3A_216 = tpu.memref_slice %arg11[%dma_wait3A_214, %dma_wait3A_215] : memref<10240x128xf32, #tpu.memory_space<vmem_shared>> -> memref<10240x128xf32, #tpu.memory_space<vmem_shared>>
        tpu.wait_indirect_dma semaphore(%run_scoped3A_204 : memref<!tpu.dma_semaphore, #tpu.memory_space<semaphore_mem>>) src(%arg9 : memref<80x128xf32, #tpu.memory_space<vmem>>) dst(%dma_wait3A_216 : memref<10240x128xf32, #tpu.memory_space<vmem_shared>>)
        tpu.yield
      }) : () -> ()
      "tpu.region"() ({
        %run_scoped3A_204 = tpu.sem_alloc : memref<!tpu.dma_semaphore, #tpu.memory_space<semaphore_mem>>
        %dma_start3A_205 = arith.constant 0 : i32
        %dma_start3A_206 = tpu.memref_slice %arg8[%mul3A_177, %dma_start3A_205] : memref<125x80xi32, #tpu.memory_space<vmem>> -> memref<1x80xi32, #tpu.memory_space<vmem>>
        %dma_start3A_207 = tpu.memref_squeeze %dma_start3A_206 : memref<1x80xi32, #tpu.memory_space<vmem>> -> memref<80xi32, #tpu.memory_space<vmem>>
        %dma_start3A_208 = arith.constant 0 : i32
        %dma_start3A_209 = tpu.memref_slice %arg16[%dma_start3A_208] : memref<10240xf32, #tpu.memory_space<vmem_shared>> -> memref<10240xf32, #tpu.memory_space<vmem_shared>>
        tpu.enqueue_indirect_dma source(%arg15 : memref<80xf32, #tpu.memory_space<vmem>>) target(%dma_start3A_209 : memref<10240xf32, #tpu.memory_space<vmem_shared>>) offsets(%dma_start3A_207 : memref<80xi32, #tpu.memory_space<vmem>>) semaphore(%run_scoped3A_204 : memref<!tpu.dma_semaphore, #tpu.memory_space<semaphore_mem>>) {add = true}
        %dma_wait3A_210 = arith.constant 0 : i32
        %dma_wait3A_211 = tpu.memref_slice %arg8[%mul3A_177, %dma_wait3A_210] : memref<125x80xi32, #tpu.memory_space<vmem>> -> memref<1x80xi32, #tpu.memory_space<vmem>>
        %dma_wait3A_212 = tpu.memref_squeeze %dma_wait3A_211 : memref<1x80xi32, #tpu.memory_space<vmem>> -> memref<80xi32, #tpu.memory_space<vmem>>
        %dma_wait3A_213 = arith.constant 0 : i32
        %dma_wait3A_214 = tpu.memref_slice %arg16[%dma_wait3A_213] : memref<10240xf32, #tpu.memory_space<vmem_shared>> -> memref<10240xf32, #tpu.memory_space<vmem_shared>>
        tpu.wait_indirect_dma semaphore(%run_scoped3A_204 : memref<!tpu.dma_semaphore, #tpu.memory_space<semaphore_mem>>) src(%arg15 : memref<80xf32, #tpu.memory_space<vmem>>) dst(%dma_wait3A_214 : memref<10240xf32, #tpu.memory_space<vmem_shared>>)
        tpu.yield
      }) : () -> ()
      %add3A_188 = arith.constant 2 : i32
      %add3A_189 = arith.addi %mul3A_177, %add3A_188 : i32
      %mul3A_190 = arith.constant 80 : i32
      %mul3A_191 = arith.muli %add3A_189, %mul3A_190 : i32
      %dma_start3A_192 = tpu.memref_slice %arg7[%mul3A_191] : memref<10000xi32, #tpu.memory_space<vmem>> -> memref<80xi32, #tpu.memory_space<vmem>>
      %dma_start3A_193 = arith.constant 0 : i32
      %dma_start3A_194 = arith.constant 0 : i32
      %dma_start3A_195 = tpu.memref_slice %arg2[%dma_start3A_193, %dma_start3A_194] : memref<10000x128xf32, #tpu.memory_space<hbm>> -> memref<10000x128xf32, #tpu.memory_space<hbm>>
      tpu.enqueue_indirect_dma source(%dma_start3A_195 : memref<10000x128xf32, #tpu.memory_space<hbm>>) target(%arg9 : memref<80x128xf32, #tpu.memory_space<vmem>>) offsets(%dma_start3A_192 : memref<80xi32, #tpu.memory_space<vmem>>) semaphore(%arg12 : memref<!tpu.dma_semaphore, #tpu.memory_space<semaphore_mem>>)
      %mul3A_196 = arith.constant 80 : i32
      %mul3A_197 = arith.muli %add3A_181, %mul3A_196 : i32
      %dma_wait3A_198 = tpu.memref_slice %arg7[%mul3A_197] : memref<10000xi32, #tpu.memory_space<vmem>> -> memref<80xi32, #tpu.memory_space<vmem>>
      %dma_wait3A_199 = arith.constant 0 : i32
      %dma_wait3A_200 = arith.constant 0 : i32
      %dma_wait3A_201 = tpu.memref_slice %arg2[%dma_wait3A_199, %dma_wait3A_200] : memref<10000x128xf32, #tpu.memory_space<hbm>> -> memref<10000x128xf32, #tpu.memory_space<hbm>>
      tpu.wait_indirect_dma semaphore(%arg13 : memref<!tpu.dma_semaphore, #tpu.memory_space<semaphore_mem>>) src(%dma_wait3A_201 : memref<10000x128xf32, #tpu.memory_space<hbm>>) dst(%arg10 : memref<80x128xf32, #tpu.memory_space<vmem>>)
      "tpu.region"() ({
        %run_scoped3A_204 = tpu.sem_alloc : memref<!tpu.dma_semaphore, #tpu.memory_space<semaphore_mem>>
        %dma_start3A_205 = arith.constant 0 : i32
        %dma_start3A_206 = tpu.memref_slice %arg8[%add3A_181, %dma_start3A_205] : memref<125x80xi32, #tpu.memory_space<vmem>> -> memref<1x80xi32, #tpu.memory_space<vmem>>
        %dma_start3A_207 = tpu.memref_squeeze %dma_start3A_206 : memref<1x80xi32, #tpu.memory_space<vmem>> -> memref<80xi32, #tpu.memory_space<vmem>>
        %dma_start3A_208 = arith.constant 0 : i32
        %dma_start3A_209 = arith.constant 0 : i32
        %dma_start3A_210 = tpu.memref_slice %arg11[%dma_start3A_208, %dma_start3A_209] : memref<10240x128xf32, #tpu.memory_space<vmem_shared>> -> memref<10240x128xf32, #tpu.memory_space<vmem_shared>>
        tpu.enqueue_indirect_dma source(%arg10 : memref<80x128xf32, #tpu.memory_space<vmem>>) target(%dma_start3A_210 : memref<10240x128xf32, #tpu.memory_space<vmem_shared>>) offsets(%dma_start3A_207 : memref<80xi32, #tpu.memory_space<vmem>>) semaphore(%run_scoped3A_204 : memref<!tpu.dma_semaphore, #tpu.memory_space<semaphore_mem>>) {add = true}
        %dma_wait3A_211 = arith.constant 0 : i32
        %dma_wait3A_212 = tpu.memref_slice %arg8[%add3A_181, %dma_wait3A_211] : memref<125x80xi32, #tpu.memory_space<vmem>> -> memref<1x80xi32, #tpu.memory_space<vmem>>
        %dma_wait3A_213 = tpu.memref_squeeze %dma_wait3A_212 : memref<1x80xi32, #tpu.memory_space<vmem>> -> memref<80xi32, #tpu.memory_space<vmem>>
        %dma_wait3A_214 = arith.constant 0 : i32
        %dma_wait3A_215 = arith.constant 0 : i32
        %dma_wait3A_216 = tpu.memref_slice %arg11[%dma_wait3A_214, %dma_wait3A_215] : memref<10240x128xf32, #tpu.memory_space<vmem_shared>> -> memref<10240x128xf32, #tpu.memory_space<vmem_shared>>
        tpu.wait_indirect_dma semaphore(%run_scoped3A_204 : memref<!tpu.dma_semaphore, #tpu.memory_space<semaphore_mem>>) src(%arg10 : memref<80x128xf32, #tpu.memory_space<vmem>>) dst(%dma_wait3A_216 : memref<10240x128xf32, #tpu.memory_space<vmem_shared>>)
        tpu.yield
      }) : () -> ()
      "tpu.region"() ({
        %run_scoped3A_204 = tpu.sem_alloc : memref<!tpu.dma_semaphore, #tpu.memory_space<semaphore_mem>>
        %dma_start3A_205 = arith.constant 0 : i32
        %dma_start3A_206 = tpu.memref_slice %arg8[%add3A_181, %dma_start3A_205] : memref<125x80xi32, #tpu.memory_space<vmem>> -> memref<1x80xi32, #tpu.memory_space<vmem>>
        %dma_start3A_207 = tpu.memref_squeeze %dma_start3A_206 : memref<1x80xi32, #tpu.memory_space<vmem>> -> memref<80xi32, #tpu.memory_space<vmem>>
        %dma_start3A_208 = arith.constant 0 : i32
        %dma_start3A_209 = tpu.memref_slice %arg16[%dma_start3A_208] : memref<10240xf32, #tpu.memory_space<vmem_shared>> -> memref<10240xf32, #tpu.memory_space<vmem_shared>>
        tpu.enqueue_indirect_dma source(%arg15 : memref<80xf32, #tpu.memory_space<vmem>>) target(%dma_start3A_209 : memref<10240xf32, #tpu.memory_space<vmem_shared>>) offsets(%dma_start3A_207 : memref<80xi32, #tpu.memory_space<vmem>>) semaphore(%run_scoped3A_204 : memref<!tpu.dma_semaphore, #tpu.memory_space<semaphore_mem>>) {add = true}
        %dma_wait3A_210 = arith.constant 0 : i32
        %dma_wait3A_211 = tpu.memref_slice %arg8[%add3A_181, %dma_wait3A_210] : memref<125x80xi32, #tpu.memory_space<vmem>> -> memref<1x80xi32, #tpu.memory_space<vmem>>
        %dma_wait3A_212 = tpu.memref_squeeze %dma_wait3A_211 : memref<1x80xi32, #tpu.memory_space<vmem>> -> memref<80xi32, #tpu.memory_space<vmem>>
        %dma_wait3A_213 = arith.constant 0 : i32
        %dma_wait3A_214 = tpu.memref_slice %arg16[%dma_wait3A_213] : memref<10240xf32, #tpu.memory_space<vmem_shared>> -> memref<10240xf32, #tpu.memory_space<vmem_shared>>
        tpu.wait_indirect_dma semaphore(%run_scoped3A_204 : memref<!tpu.dma_semaphore, #tpu.memory_space<semaphore_mem>>) src(%arg15 : memref<80xf32, #tpu.memory_space<vmem>>) dst(%dma_wait3A_214 : memref<10240xf32, #tpu.memory_space<vmem_shared>>)
        tpu.yield
      }) : () -> ()
      %lt3A = arith.constant 61 : i32
      %lt3A_202 = arith.cmpi slt, %scan3A_175, %lt3A : i32
      %convert_element_type3A = arith.extui %lt3A_202 : i1 to i32
      %cond3A = arith.constant 0 : i32
      %cond3A_203 = arith.cmpi ne, %convert_element_type3A, %cond3A : i32
      scf.if %cond3A_203 {
        %add3A_204 = arith.constant 2 : i32
        %add3A_205 = arith.addi %add3A_181, %add3A_204 : i32
        %mul3A_206 = arith.constant 80 : i32
        %mul3A_207 = arith.muli %add3A_205, %mul3A_206 : i32
        %dma_start3A_208 = tpu.memref_slice %arg7[%mul3A_207] : memref<10000xi32, #tpu.memory_space<vmem>> -> memref<80xi32, #tpu.memory_space<vmem>>
        %dma_start3A_209 = arith.constant 0 : i32
        %dma_start3A_210 = arith.constant 0 : i32
        %dma_start3A_211 = tpu.memref_slice %arg2[%dma_start3A_209, %dma_start3A_210] : memref<10000x128xf32, #tpu.memory_space<hbm>> -> memref<10000x128xf32, #tpu.memory_space<hbm>>
        tpu.enqueue_indirect_dma source(%dma_start3A_211 : memref<10000x128xf32, #tpu.memory_space<hbm>>) target(%arg10 : memref<80x128xf32, #tpu.memory_space<vmem>>) offsets(%dma_start3A_208 : memref<80xi32, #tpu.memory_space<vmem>>) semaphore(%arg13 : memref<!tpu.dma_semaphore, #tpu.memory_space<semaphore_mem>>)
      } else {
      }
    }
    %scan3A_153 = arith.constant 62 : i32
    %dma_wait3A_154 = arith.constant 9920 : i32
    %dma_wait3A_155 = tpu.memref_slice %arg7[%dma_wait3A_154] : memref<10000xi32, #tpu.memory_space<vmem>> -> memref<80xi32, #tpu.memory_space<vmem>>
    %dma_wait3A_156 = arith.constant 0 : i32
    %dma_wait3A_157 = arith.constant 0 : i32
    %dma_wait3A_158 = tpu.memref_slice %arg2[%dma_wait3A_156, %dma_wait3A_157] : memref<10000x128xf32, #tpu.memory_space<hbm>> -> memref<10000x128xf32, #tpu.memory_space<hbm>>
    tpu.wait_indirect_dma semaphore(%arg12 : memref<!tpu.dma_semaphore, #tpu.memory_space<semaphore_mem>>) src(%dma_wait3A_158 : memref<10000x128xf32, #tpu.memory_space<hbm>>) dst(%arg9 : memref<80x128xf32, #tpu.memory_space<vmem>>)
    %run_scoped3A = arith.constant 124 : i32
    "tpu.region"() ({
      %run_scoped3A_175 = tpu.sem_alloc : memref<!tpu.dma_semaphore, #tpu.memory_space<semaphore_mem>>
      %dma_start3A_176 = arith.constant 0 : i32
      %dma_start3A_177 = tpu.memref_slice %arg8[%run_scoped3A, %dma_start3A_176] : memref<125x80xi32, #tpu.memory_space<vmem>> -> memref<1x80xi32, #tpu.memory_space<vmem>>
      %dma_start3A_178 = tpu.memref_squeeze %dma_start3A_177 : memref<1x80xi32, #tpu.memory_space<vmem>> -> memref<80xi32, #tpu.memory_space<vmem>>
      %dma_start3A_179 = arith.constant 0 : i32
      %dma_start3A_180 = arith.constant 0 : i32
      %dma_start3A_181 = tpu.memref_slice %arg11[%dma_start3A_179, %dma_start3A_180] : memref<10240x128xf32, #tpu.memory_space<vmem_shared>> -> memref<10240x128xf32, #tpu.memory_space<vmem_shared>>
      tpu.enqueue_indirect_dma source(%arg9 : memref<80x128xf32, #tpu.memory_space<vmem>>) target(%dma_start3A_181 : memref<10240x128xf32, #tpu.memory_space<vmem_shared>>) offsets(%dma_start3A_178 : memref<80xi32, #tpu.memory_space<vmem>>) semaphore(%run_scoped3A_175 : memref<!tpu.dma_semaphore, #tpu.memory_space<semaphore_mem>>) {add = true}
      %dma_wait3A_182 = arith.constant 0 : i32
      %dma_wait3A_183 = tpu.memref_slice %arg8[%run_scoped3A, %dma_wait3A_182] : memref<125x80xi32, #tpu.memory_space<vmem>> -> memref<1x80xi32, #tpu.memory_space<vmem>>
      %dma_wait3A_184 = tpu.memref_squeeze %dma_wait3A_183 : memref<1x80xi32, #tpu.memory_space<vmem>> -> memref<80xi32, #tpu.memory_space<vmem>>
      %dma_wait3A_185 = arith.constant 0 : i32
      %dma_wait3A_186 = arith.constant 0 : i32
      %dma_wait3A_187 = tpu.memref_slice %arg11[%dma_wait3A_185, %dma_wait3A_186] : memref<10240x128xf32, #tpu.memory_space<vmem_shared>> -> memref<10240x128xf32, #tpu.memory_space<vmem_shared>>
      tpu.wait_indirect_dma semaphore(%run_scoped3A_175 : memref<!tpu.dma_semaphore, #tpu.memory_space<semaphore_mem>>) src(%arg9 : memref<80x128xf32, #tpu.memory_space<vmem>>) dst(%dma_wait3A_187 : memref<10240x128xf32, #tpu.memory_space<vmem_shared>>)
      tpu.yield
    }) : () -> ()
    %run_scoped3A_159 = arith.constant 124 : i32
    "tpu.region"() ({
      %run_scoped3A_175 = tpu.sem_alloc : memref<!tpu.dma_semaphore, #tpu.memory_space<semaphore_mem>>
      %dma_start3A_176 = arith.constant 0 : i32
      %dma_start3A_177 = tpu.memref_slice %arg8[%run_scoped3A_159, %dma_start3A_176] : memref<125x80xi32, #tpu.memory_space<vmem>> -> memref<1x80xi32, #tpu.memory_space<vmem>>
      %dma_start3A_178 = tpu.memref_squeeze %dma_start3A_177 : memref<1x80xi32, #tpu.memory_space<vmem>> -> memref<80xi32, #tpu.memory_space<vmem>>
      %dma_start3A_179 = arith.constant 0 : i32
      %dma_start3A_180 = tpu.memref_slice %arg16[%dma_start3A_179] : memref<10240xf32, #tpu.memory_space<vmem_shared>> -> memref<10240xf32, #tpu.memory_space<vmem_shared>>
      tpu.enqueue_indirect_dma source(%arg15 : memref<80xf32, #tpu.memory_space<vmem>>) target(%dma_start3A_180 : memref<10240xf32, #tpu.memory_space<vmem_shared>>) offsets(%dma_start3A_178 : memref<80xi32, #tpu.memory_space<vmem>>) semaphore(%run_scoped3A_175 : memref<!tpu.dma_semaphore, #tpu.memory_space<semaphore_mem>>) {add = true}
      %dma_wait3A_181 = arith.constant 0 : i32
      %dma_wait3A_182 = tpu.memref_slice %arg8[%run_scoped3A_159, %dma_wait3A_181] : memref<125x80xi32, #tpu.memory_space<vmem>> -> memref<1x80xi32, #tpu.memory_space<vmem>>
      %dma_wait3A_183 = tpu.memref_squeeze %dma_wait3A_182 : memref<1x80xi32, #tpu.memory_space<vmem>> -> memref<80xi32, #tpu.memory_space<vmem>>
      %dma_wait3A_184 = arith.constant 0 : i32
      %dma_wait3A_185 = tpu.memref_slice %arg16[%dma_wait3A_184] : memref<10240xf32, #tpu.memory_space<vmem_shared>> -> memref<10240xf32, #tpu.memory_space<vmem_shared>>
      tpu.wait_indirect_dma semaphore(%run_scoped3A_175 : memref<!tpu.dma_semaphore, #tpu.memory_space<semaphore_mem>>) src(%arg15 : memref<80xf32, #tpu.memory_space<vmem>>) dst(%dma_wait3A_185 : memref<10240xf32, #tpu.memory_space<vmem_shared>>)
      tpu.yield
    }) : () -> ()
    %barrier3A_160 = arith.constant 0 : index
    tpu.barrier barrier_id(%barrier3A_160)
    %mul3A_161 = arith.constant 640 : i32
    %mul3A_162 = arith.muli %arg1, %mul3A_161 : i32
    %mul3A_163 = arith.constant 10240 : i32
    %mul3A_164 = arith.muli %arg0, %mul3A_163 : i32
    %mul3A_165 = arith.constant 640 : i32
    %mul3A_166 = arith.muli %arg1, %mul3A_165 : i32
    %add3A_167 = arith.addi %mul3A_164, %mul3A_166 : i32
    "tpu.region"() ({
      %run_scoped3A_175 = tpu.sem_alloc : memref<!tpu.dma_semaphore, #tpu.memory_space<semaphore_mem>>
      %dma_start3A_176 = arith.constant 0 : i32
      %dma_start3A_177 = tpu.memref_slice %arg5[%add3A_167, %dma_start3A_176] : memref<20480x128xf32, #tpu.memory_space<hbm>> -> memref<640x128xf32, #tpu.memory_space<hbm>>
      %dma_start3A_178 = arith.constant 0 : i32
      %dma_start3A_179 = tpu.memref_slice %arg11[%mul3A_162, %dma_start3A_178] : memref<10240x128xf32, #tpu.memory_space<vmem_shared>> -> memref<640x128xf32, #tpu.memory_space<vmem_shared>>
      tpu.enqueue_dma source(%dma_start3A_179 : memref<640x128xf32, #tpu.memory_space<vmem_shared>>) target(%dma_start3A_177 : memref<640x128xf32, #tpu.memory_space<hbm>>) target_semaphore(%run_scoped3A_175 : memref<!tpu.dma_semaphore, #tpu.memory_space<semaphore_mem>>)
      %dma_wait3A_180 = arith.constant 0 : i32
      %dma_wait3A_181 = tpu.memref_slice %arg5[%add3A_167, %dma_wait3A_180] : memref<20480x128xf32, #tpu.memory_space<hbm>> -> memref<640x128xf32, #tpu.memory_space<hbm>>
      %dma_wait3A_182 = arith.constant 0 : i32
      %dma_wait3A_183 = tpu.memref_slice %arg11[%mul3A_162, %dma_wait3A_182] : memref<10240x128xf32, #tpu.memory_space<vmem_shared>> -> memref<640x128xf32, #tpu.memory_space<vmem_shared>>
      tpu.wait_dma2 semaphore(%run_scoped3A_175 : memref<!tpu.dma_semaphore, #tpu.memory_space<semaphore_mem>>) src(%dma_wait3A_183 : memref<640x128xf32, #tpu.memory_space<vmem_shared>>) dst(%dma_wait3A_181 : memref<640x128xf32, #tpu.memory_space<hbm>>)
      tpu.yield
    }) : () -> ()
    %mul3A_168 = arith.constant 640 : i32
    %mul3A_169 = arith.muli %arg1, %mul3A_168 : i32
    %mul3A_170 = arith.constant 10240 : i32
    %mul3A_171 = arith.muli %arg0, %mul3A_170 : i32
    %mul3A_172 = arith.constant 640 : i32
    %mul3A_173 = arith.muli %arg1, %mul3A_172 : i32
    %add3A_174 = arith.addi %mul3A_171, %mul3A_173 : i32
    "tpu.region"() ({
      %run_scoped3A_175 = tpu.sem_alloc : memref<!tpu.dma_semaphore, #tpu.memory_space<semaphore_mem>>
      %dma_start3A_176 = tpu.memref_slice %arg6[%add3A_174] : memref<20480xf32, #tpu.memory_space<hbm>> -> memref<640xf32, #tpu.memory_space<hbm>>
      %dma_start3A_177 = tpu.memref_slice %arg16[%mul3A_169] : memref<10240xf32, #tpu.memory_space<vmem_shared>> -> memref<640xf32, #tpu.memory_space<vmem_shared>>
      tpu.enqueue_dma source(%dma_start3A_177 : memref<640xf32, #tpu.memory_space<vmem_shared>>) target(%dma_start3A_176 : memref<640xf32, #tpu.memory_space<hbm>>) target_semaphore(%run_scoped3A_175 : memref<!tpu.dma_semaphore, #tpu.memory_space<semaphore_mem>>)
      %dma_wait3A_178 = tpu.memref_slice %arg6[%add3A_174] : memref<20480xf32, #tpu.memory_space<hbm>> -> memref<640xf32, #tpu.memory_space<hbm>>
      %dma_wait3A_179 = tpu.memref_slice %arg16[%mul3A_169] : memref<10240xf32, #tpu.memory_space<vmem_shared>> -> memref<640xf32, #tpu.memory_space<vmem_shared>>
      tpu.wait_dma2 semaphore(%run_scoped3A_175 : memref<!tpu.dma_semaphore, #tpu.memory_space<semaphore_mem>>) src(%dma_wait3A_179 : memref<640xf32, #tpu.memory_space<vmem_shared>>) dst(%dma_wait3A_178 : memref<640xf32, #tpu.memory_space<hbm>>)
      tpu.yield
    }) : () -> ()
    return
  }
}

module attributes {stable_mosaic.version = 14 : i64} {
  func.func @_proj_body(%arg0: i32, %arg1: memref<2000x128xf32, #tpu.memory_space<vmem>>, %arg2: memref<128x128xf32, #tpu.memory_space<vmem>>, %arg3: memref<2000x128xf32, #tpu.memory_space<vmem>>) attributes {dimension_semantics = [#tpu.dimension_semantics<arbitrary>], iteration_bounds = array<i64: 5>, scalar_prefetch = 0 : i64, scratch_operands = 0 : i64, tpu.core_type = #tpu.core_type<tc>, window_params = [{transform_indices = @transform_0, window_bounds = array<i64: 2000, 128>}, {pipeline_mode = #tpu.pipeline_mode<synchronous>, transform_indices = @transform_1, window_bounds = array<i64: 128, 128>}, {transform_indices = @transform_2, window_bounds = array<i64: 2000, 128>}]} {
    %get3A = arith.constant 0 : index
    %get3A_0 = arith.constant 0 : index
    %get3A_1 = vector.load %arg1[%get3A, %get3A_0] : memref<2000x128xf32, #tpu.memory_space<vmem>>, vector<2000x128xf32>
    %get3A_2 = arith.constant 0 : index
    %get3A_3 = arith.constant 0 : index
    %get3A_4 = vector.load %arg2[%get3A_2, %get3A_3] : memref<128x128xf32, #tpu.memory_space<vmem>>, vector<128x128xf32>
    %dot_general3A = arith.constant dense<0.000000e+00> : vector<2000x128xf32>
    %dot_general3A_5 = tpu.matmul %get3A_1, %get3A_4, %dot_general3A {dimension_numbers = #tpu.dot_dimension_numbers<[1], [0], [0], [1], [0, 0, 1, 1], [], []>, transpose_lhs_hint = false} : vector<2000x128xf32>, vector<128x128xf32>, vector<2000x128xf32> -> vector<2000x128xf32>
    %swap3A = arith.constant 0 : index
    %swap3A_6 = arith.constant 0 : index
    %swap3A_7 = vector.load %arg3[%swap3A, %swap3A_6] : memref<2000x128xf32, #tpu.memory_space<vmem>>, vector<2000x128xf32>
    tpu.vector_store %arg3[%swap3A, %swap3A_6], %dot_general3A_5 {strides = array<i32>} : memref<2000x128xf32, #tpu.memory_space<vmem>>, vector<2000x128xf32>,
    return
  }
  func.func @transform_0(%arg0: i32) -> (i32, i32) {
    %c0_i32 = arith.constant 0 : i32
    %c0_i32_0 = arith.constant 0 : i32
    return %arg0, %c0_i32 : i32, i32
  }
  func.func @transform_1(%arg0: i32) -> (i32, i32) {
    %c0_i32 = arith.constant 0 : i32
    %c0_i32_0 = arith.constant 0 : i32
    %c0_i32_1 = arith.constant 0 : i32
    return %c0_i32, %c0_i32_0 : i32, i32
  }
  func.func @transform_2(%arg0: i32) -> (i32, i32) {
    %c0_i32 = arith.constant 0 : i32
    %c0_i32_0 = arith.constant 0 : i32
    return %arg0, %c0_i32 : i32, i32
  }
}

module attributes {stable_mosaic.version = 14 : i64} {
  func.func @_combine_body(%arg0: i32, %arg1: memref<2000x128xf32, #tpu.memory_space<vmem>>, %arg2: memref<2000x128xf32, #tpu.memory_space<vmem>>, %arg3: memref<2000x128xf32, #tpu.memory_space<vmem>>, %arg4: memref<2000x2xf32, #tpu.memory_space<vmem>>, %arg5: memref<128x128xf32, #tpu.memory_space<vmem>>, %arg6: memref<1x128xf32, #tpu.memory_space<vmem>>, %arg7: memref<128x128xf32, #tpu.memory_space<vmem>>, %arg8: memref<2000x128xf32, #tpu.memory_space<vmem>>, %arg9: memref<2000x128xf32, #tpu.memory_space<vmem>>) attributes {dimension_semantics = [#tpu.dimension_semantics<arbitrary>], iteration_bounds = array<i64: 5>, scalar_prefetch = 0 : i64, scratch_operands = 0 : i64, tpu.core_type = #tpu.core_type<tc>, window_params = [{transform_indices = @transform_0, window_bounds = array<i64: 2000, 128>}, {transform_indices = @transform_1, window_bounds = array<i64: 2000, 128>}, {transform_indices = @transform_2, window_bounds = array<i64: 2000, 128>}, {transform_indices = @transform_3, window_bounds = array<i64: 2000, 2>}, {pipeline_mode = #tpu.pipeline_mode<synchronous>, transform_indices = @transform_4, window_bounds = array<i64: 128, 128>}, {pipeline_mode = #tpu.pipeline_mode<synchronous>, transform_indices = @transform_5, window_bounds = array<i64: 1, 128>}, {pipeline_mode = #tpu.pipeline_mode<synchronous>, transform_indices = @transform_6, window_bounds = array<i64: 128, 128>}, {transform_indices = @transform_7, window_bounds = array<i64: 2000, 128>}, {transform_indices = @transform_8, window_bounds = array<i64: 2000, 128>}]} {
    %get3A = arith.constant 0 : index
    %get3A_0 = arith.constant 0 : index
    %get3A_1 = vector.load %arg4[%get3A, %get3A_0] : memref<2000x2xf32, #tpu.memory_space<vmem>>, vector<2000x2xf32>
    %slice3A = vector.extract_strided_slice %get3A_1 {offsets = [0, 0], sizes = [2000, 1], strides = [1, 1]} : vector<2000x2xf32> to vector<2000x1xf32>
    %slice3A_2 = vector.extract_strided_slice %get3A_1 {offsets = [0, 1], sizes = [2000, 1], strides = [1, 1]} : vector<2000x2xf32> to vector<2000x1xf32>
    %add3A = arith.addf %slice3A, %slice3A_2 : vector<2000x1xf32>
    %max3A = arith.constant 1.000000e+00 : f32
    %max3A_3 = vector.broadcast %max3A : f32 to vector<2000x1xf32>
    %max3A_4 = arith.maximumf %add3A, %max3A_3 : vector<2000x1xf32>
    %div3A = arith.constant 1.000000e+00 : f32
    %div3A_5 = vector.broadcast %div3A : f32 to vector<2000x1xf32>
    %div3A_6 = arith.divf %div3A_5, %max3A_4 : vector<2000x1xf32>
    %get3A_7 = arith.constant 0 : index
    %get3A_8 = arith.constant 0 : index
    %get3A_9 = vector.load %arg2[%get3A_7, %get3A_8] : memref<2000x128xf32, #tpu.memory_space<vmem>>, vector<2000x128xf32>
    %get3A_10 = arith.constant 0 : index
    %get3A_11 = arith.constant 0 : index
    %get3A_12 = vector.load %arg3[%get3A_10, %get3A_11] : memref<2000x128xf32, #tpu.memory_space<vmem>>, vector<2000x128xf32>
    %add3A_13 = arith.addf %get3A_9, %get3A_12 : vector<2000x128xf32>
    %mul3A = vector.broadcast %div3A_6 : vector<2000x1xf32> to vector<2000x128xf32>
    %mul3A_14 = arith.mulf %add3A_13, %mul3A : vector<2000x128xf32>
    %get3A_15 = arith.constant 0 : index
    %get3A_16 = arith.constant 0 : index
    %get3A_17 = vector.load %arg1[%get3A_15, %get3A_16] : memref<2000x128xf32, #tpu.memory_space<vmem>>, vector<2000x128xf32>
    %get3A_18 = arith.constant 0 : index
    %get3A_19 = arith.constant 0 : index
    %get3A_20 = vector.load %arg5[%get3A_18, %get3A_19] : memref<128x128xf32, #tpu.memory_space<vmem>>, vector<128x128xf32>
    %dot_general3A = arith.constant dense<0.000000e+00> : vector<2000x128xf32>
    %dot_general3A_21 = tpu.matmul %get3A_17, %get3A_20, %dot_general3A {dimension_numbers = #tpu.dot_dimension_numbers<[1], [0], [0], [1], [0, 0, 1, 1], [], []>, transpose_lhs_hint = false} : vector<2000x128xf32>, vector<128x128xf32>, vector<2000x128xf32> -> vector<2000x128xf32>
    %add3A_22 = arith.addf %dot_general3A_21, %mul3A_14 : vector<2000x128xf32>
    %get3A_23 = arith.constant 0 : index
    %get3A_24 = arith.constant 0 : index
    %get3A_25 = vector.load %arg6[%get3A_23, %get3A_24] : memref<1x128xf32, #tpu.memory_space<vmem>>, vector<1x128xf32>
    %add3A_26 = vector.broadcast %get3A_25 : vector<1x128xf32> to vector<2000x128xf32>
    %add3A_27 = arith.addf %add3A_22, %add3A_26 : vector<2000x128xf32>
    %max3A_28 = arith.constant 0.000000e+00 : f32
    %max3A_29 = vector.broadcast %max3A_28 : f32 to vector<2000x128xf32>
    %max3A_30 = arith.maximumf %add3A_27, %max3A_29 : vector<2000x128xf32>
    %swap3A = arith.constant 0 : index
    %swap3A_31 = arith.constant 0 : index
    %swap3A_32 = vector.load %arg8[%swap3A, %swap3A_31] : memref<2000x128xf32, #tpu.memory_space<vmem>>, vector<2000x128xf32>
    tpu.vector_store %arg8[%swap3A, %swap3A_31], %max3A_30 {strides = array<i32>} : memref<2000x128xf32, #tpu.memory_space<vmem>>, vector<2000x128xf32>,
    %get3A_33 = arith.constant 0 : index
    %get3A_34 = arith.constant 0 : index
    %get3A_35 = vector.load %arg7[%get3A_33, %get3A_34] : memref<128x128xf32, #tpu.memory_space<vmem>>, vector<128x128xf32>
    %dot_general3A_36 = arith.constant dense<0.000000e+00> : vector<2000x128xf32>
    %dot_general3A_37 = tpu.matmul %max3A_30, %get3A_35, %dot_general3A_36 {dimension_numbers = #tpu.dot_dimension_numbers<[1], [0], [0], [1], [0, 0, 1, 1], [], []>, transpose_lhs_hint = false} : vector<2000x128xf32>, vector<128x128xf32>, vector<2000x128xf32> -> vector<2000x128xf32>
    %swap3A_38 = arith.constant 0 : index
    %swap3A_39 = arith.constant 0 : index
    %swap3A_40 = vector.load %arg9[%swap3A_38, %swap3A_39] : memref<2000x128xf32, #tpu.memory_space<vmem>>, vector<2000x128xf32>
    tpu.vector_store %arg9[%swap3A_38, %swap3A_39], %dot_general3A_37 {strides = array<i32>} : memref<2000x128xf32, #tpu.memory_space<vmem>>, vector<2000x128xf32>,
    return
  }
  func.func @transform_0(%arg0: i32) -> (i32, i32) {
    %c0_i32 = arith.constant 0 : i32
    %c0_i32_0 = arith.constant 0 : i32
    return %arg0, %c0_i32 : i32, i32
  }
  func.func @transform_1(%arg0: i32) -> (i32, i32) {
    %c0_i32 = arith.constant 0 : i32
    %c0_i32_0 = arith.constant 0 : i32
    return %arg0, %c0_i32 : i32, i32
  }
  func.func @transform_2(%arg0: i32) -> (i32, i32) {
    %c0_i32 = arith.constant 0 : i32
    %c0_i32_0 = arith.constant 0 : i32
    return %arg0, %c0_i32 : i32, i32
  }
  func.func @transform_3(%arg0: i32) -> (i32, i32) {
    %c0_i32 = arith.constant 0 : i32
    %c0_i32_0 = arith.constant 0 : i32
    return %arg0, %c0_i32 : i32, i32
  }
  func.func @transform_4(%arg0: i32) -> (i32, i32) {
    %c0_i32 = arith.constant 0 : i32
    %c0_i32_0 = arith.constant 0 : i32
    %c0_i32_1 = arith.constant 0 : i32
    return %c0_i32, %c0_i32_0 : i32, i32
  }
  func.func @transform_5(%arg0: i32) -> (i32, i32) {
    %c0_i32 = arith.constant 0 : i32
    %c0_i32_0 = arith.constant 0 : i32
    %c0_i32_1 = arith.constant 0 : i32
    return %c0_i32, %c0_i32_0 : i32, i32
  }
  func.func @transform_6(%arg0: i32) -> (i32, i32) {
    %c0_i32 = arith.constant 0 : i32
    %c0_i32_0 = arith.constant 0 : i32
    %c0_i32_1 = arith.constant 0 : i32
    return %c0_i32, %c0_i32_0 : i32, i32
  }
  func.func @transform_7(%arg0: i32) -> (i32, i32) {
    %c0_i32 = arith.constant 0 : i32
    %c0_i32_0 = arith.constant 0 : i32
    return %arg0, %c0_i32 : i32, i32
  }
  func.func @transform_8(%arg0: i32) -> (i32, i32) {
    %c0_i32 = arith.constant 0 : i32
    %c0_i32_0 = arith.constant 0 : i32
    return %arg0, %c0_i32 : i32, i32
  }
}

module attributes {stable_mosaic.version = 14 : i64} {
  func.func @_combine_body(%arg0: i32, %arg1: memref<2000x128xf32, #tpu.memory_space<vmem>>, %arg2: memref<2000x128xf32, #tpu.memory_space<vmem>>, %arg3: memref<2000x128xf32, #tpu.memory_space<vmem>>, %arg4: memref<2000x2xf32, #tpu.memory_space<vmem>>, %arg5: memref<128x128xf32, #tpu.memory_space<vmem>>, %arg6: memref<1x128xf32, #tpu.memory_space<vmem>>, %arg7: memref<128x64xf32, #tpu.memory_space<vmem>>, %arg8: memref<2000x128xf32, #tpu.memory_space<vmem>>, %arg9: memref<2000x64xf32, #tpu.memory_space<vmem>>) attributes {dimension_semantics = [#tpu.dimension_semantics<arbitrary>], iteration_bounds = array<i64: 5>, scalar_prefetch = 0 : i64, scratch_operands = 0 : i64, tpu.core_type = #tpu.core_type<tc>, window_params = [{transform_indices = @transform_0, window_bounds = array<i64: 2000, 128>}, {transform_indices = @transform_1, window_bounds = array<i64: 2000, 128>}, {transform_indices = @transform_2, window_bounds = array<i64: 2000, 128>}, {transform_indices = @transform_3, window_bounds = array<i64: 2000, 2>}, {pipeline_mode = #tpu.pipeline_mode<synchronous>, transform_indices = @transform_4, window_bounds = array<i64: 128, 128>}, {pipeline_mode = #tpu.pipeline_mode<synchronous>, transform_indices = @transform_5, window_bounds = array<i64: 1, 128>}, {pipeline_mode = #tpu.pipeline_mode<synchronous>, transform_indices = @transform_6, window_bounds = array<i64: 128, 64>}, {transform_indices = @transform_7, window_bounds = array<i64: 2000, 128>}, {transform_indices = @transform_8, window_bounds = array<i64: 2000, 64>}]} {
    %get3A = arith.constant 0 : index
    %get3A_0 = arith.constant 0 : index
    %get3A_1 = vector.load %arg4[%get3A, %get3A_0] : memref<2000x2xf32, #tpu.memory_space<vmem>>, vector<2000x2xf32>
    %slice3A = vector.extract_strided_slice %get3A_1 {offsets = [0, 0], sizes = [2000, 1], strides = [1, 1]} : vector<2000x2xf32> to vector<2000x1xf32>
    %slice3A_2 = vector.extract_strided_slice %get3A_1 {offsets = [0, 1], sizes = [2000, 1], strides = [1, 1]} : vector<2000x2xf32> to vector<2000x1xf32>
    %add3A = arith.addf %slice3A, %slice3A_2 : vector<2000x1xf32>
    %max3A = arith.constant 1.000000e+00 : f32
    %max3A_3 = vector.broadcast %max3A : f32 to vector<2000x1xf32>
    %max3A_4 = arith.maximumf %add3A, %max3A_3 : vector<2000x1xf32>
    %div3A = arith.constant 1.000000e+00 : f32
    %div3A_5 = vector.broadcast %div3A : f32 to vector<2000x1xf32>
    %div3A_6 = arith.divf %div3A_5, %max3A_4 : vector<2000x1xf32>
    %get3A_7 = arith.constant 0 : index
    %get3A_8 = arith.constant 0 : index
    %get3A_9 = vector.load %arg2[%get3A_7, %get3A_8] : memref<2000x128xf32, #tpu.memory_space<vmem>>, vector<2000x128xf32>
    %get3A_10 = arith.constant 0 : index
    %get3A_11 = arith.constant 0 : index
    %get3A_12 = vector.load %arg3[%get3A_10, %get3A_11] : memref<2000x128xf32, #tpu.memory_space<vmem>>, vector<2000x128xf32>
    %add3A_13 = arith.addf %get3A_9, %get3A_12 : vector<2000x128xf32>
    %mul3A = vector.broadcast %div3A_6 : vector<2000x1xf32> to vector<2000x128xf32>
    %mul3A_14 = arith.mulf %add3A_13, %mul3A : vector<2000x128xf32>
    %get3A_15 = arith.constant 0 : index
    %get3A_16 = arith.constant 0 : index
    %get3A_17 = vector.load %arg1[%get3A_15, %get3A_16] : memref<2000x128xf32, #tpu.memory_space<vmem>>, vector<2000x128xf32>
    %get3A_18 = arith.constant 0 : index
    %get3A_19 = arith.constant 0 : index
    %get3A_20 = vector.load %arg5[%get3A_18, %get3A_19] : memref<128x128xf32, #tpu.memory_space<vmem>>, vector<128x128xf32>
    %dot_general3A = arith.constant dense<0.000000e+00> : vector<2000x128xf32>
    %dot_general3A_21 = tpu.matmul %get3A_17, %get3A_20, %dot_general3A {dimension_numbers = #tpu.dot_dimension_numbers<[1], [0], [0], [1], [0, 0, 1, 1], [], []>, transpose_lhs_hint = false} : vector<2000x128xf32>, vector<128x128xf32>, vector<2000x128xf32> -> vector<2000x128xf32>
    %add3A_22 = arith.addf %dot_general3A_21, %mul3A_14 : vector<2000x128xf32>
    %get3A_23 = arith.constant 0 : index
    %get3A_24 = arith.constant 0 : index
    %get3A_25 = vector.load %arg6[%get3A_23, %get3A_24] : memref<1x128xf32, #tpu.memory_space<vmem>>, vector<1x128xf32>
    %add3A_26 = vector.broadcast %get3A_25 : vector<1x128xf32> to vector<2000x128xf32>
    %add3A_27 = arith.addf %add3A_22, %add3A_26 : vector<2000x128xf32>
    %max3A_28 = arith.constant 0.000000e+00 : f32
    %max3A_29 = vector.broadcast %max3A_28 : f32 to vector<2000x128xf32>
    %max3A_30 = arith.maximumf %add3A_27, %max3A_29 : vector<2000x128xf32>
    %swap3A = arith.constant 0 : index
    %swap3A_31 = arith.constant 0 : index
    %swap3A_32 = vector.load %arg8[%swap3A, %swap3A_31] : memref<2000x128xf32, #tpu.memory_space<vmem>>, vector<2000x128xf32>
    tpu.vector_store %arg8[%swap3A, %swap3A_31], %max3A_30 {strides = array<i32>} : memref<2000x128xf32, #tpu.memory_space<vmem>>, vector<2000x128xf32>,
    %get3A_33 = arith.constant 0 : index
    %get3A_34 = arith.constant 0 : index
    %get3A_35 = vector.load %arg7[%get3A_33, %get3A_34] : memref<128x64xf32, #tpu.memory_space<vmem>>, vector<128x64xf32>
    %dot_general3A_36 = arith.constant dense<0.000000e+00> : vector<2000x64xf32>
    %dot_general3A_37 = tpu.matmul %max3A_30, %get3A_35, %dot_general3A_36 {dimension_numbers = #tpu.dot_dimension_numbers<[1], [0], [0], [1], [0, 0, 1, 1], [], []>, transpose_lhs_hint = false} : vector<2000x128xf32>, vector<128x64xf32>, vector<2000x64xf32> -> vector<2000x64xf32>
    %swap3A_38 = arith.constant 0 : index
    %swap3A_39 = arith.constant 0 : index
    %swap3A_40 = vector.load %arg9[%swap3A_38, %swap3A_39] : memref<2000x64xf32, #tpu.memory_space<vmem>>, vector<2000x64xf32>
    tpu.vector_store %arg9[%swap3A_38, %swap3A_39], %dot_general3A_37 {strides = array<i32>} : memref<2000x64xf32, #tpu.memory_space<vmem>>, vector<2000x64xf32>,
    return
  }
  func.func @transform_0(%arg0: i32) -> (i32, i32) {
    %c0_i32 = arith.constant 0 : i32
    %c0_i32_0 = arith.constant 0 : i32
    return %arg0, %c0_i32 : i32, i32
  }
  func.func @transform_1(%arg0: i32) -> (i32, i32) {
    %c0_i32 = arith.constant 0 : i32
    %c0_i32_0 = arith.constant 0 : i32
    return %arg0, %c0_i32 : i32, i32
  }
  func.func @transform_2(%arg0: i32) -> (i32, i32) {
    %c0_i32 = arith.constant 0 : i32
    %c0_i32_0 = arith.constant 0 : i32
    return %arg0, %c0_i32 : i32, i32
  }
  func.func @transform_3(%arg0: i32) -> (i32, i32) {
    %c0_i32 = arith.constant 0 : i32
    %c0_i32_0 = arith.constant 0 : i32
    return %arg0, %c0_i32 : i32, i32
  }
  func.func @transform_4(%arg0: i32) -> (i32, i32) {
    %c0_i32 = arith.constant 0 : i32
    %c0_i32_0 = arith.constant 0 : i32
    %c0_i32_1 = arith.constant 0 : i32
    return %c0_i32, %c0_i32_0 : i32, i32
  }
  func.func @transform_5(%arg0: i32) -> (i32, i32) {
    %c0_i32 = arith.constant 0 : i32
    %c0_i32_0 = arith.constant 0 : i32
    %c0_i32_1 = arith.constant 0 : i32
    return %c0_i32, %c0_i32_0 : i32, i32
  }
  func.func @transform_6(%arg0: i32) -> (i32, i32) {
    %c0_i32 = arith.constant 0 : i32
    %c0_i32_0 = arith.constant 0 : i32
    %c0_i32_1 = arith.constant 0 : i32
    return %c0_i32, %c0_i32_0 : i32, i32
  }
  func.func @transform_7(%arg0: i32) -> (i32, i32) {
    %c0_i32 = arith.constant 0 : i32
    %c0_i32_0 = arith.constant 0 : i32
    return %arg0, %c0_i32 : i32, i32
  }
  func.func @transform_8(%arg0: i32) -> (i32, i32) {
    %c0_i32 = arith.constant 0 : i32
    %c0_i32_0 = arith.constant 0 : i32
    return %arg0, %c0_i32 : i32, i32
  }
}

module attributes {stable_mosaic.version = 14 : i64} {
  func.func @_combine_body(%arg0: i32, %arg1: memref<2000x128xf32, #tpu.memory_space<vmem>>, %arg2: memref<2000x64xf32, #tpu.memory_space<vmem>>, %arg3: memref<2000x64xf32, #tpu.memory_space<vmem>>, %arg4: memref<2000x2xf32, #tpu.memory_space<vmem>>, %arg5: memref<128x64xf32, #tpu.memory_space<vmem>>, %arg6: memref<1x64xf32, #tpu.memory_space<vmem>>, %arg7: memref<2000x64xf32, #tpu.memory_space<vmem>>) attributes {dimension_semantics = [#tpu.dimension_semantics<arbitrary>], iteration_bounds = array<i64: 5>, scalar_prefetch = 0 : i64, scratch_operands = 0 : i64, tpu.core_type = #tpu.core_type<tc>, window_params = [{transform_indices = @transform_0, window_bounds = array<i64: 2000, 128>}, {transform_indices = @transform_1, window_bounds = array<i64: 2000, 64>}, {transform_indices = @transform_2, window_bounds = array<i64: 2000, 64>}, {transform_indices = @transform_3, window_bounds = array<i64: 2000, 2>}, {pipeline_mode = #tpu.pipeline_mode<synchronous>, transform_indices = @transform_4, window_bounds = array<i64: 128, 64>}, {pipeline_mode = #tpu.pipeline_mode<synchronous>, transform_indices = @transform_5, window_bounds = array<i64: 1, 64>}, {transform_indices = @transform_6, window_bounds = array<i64: 2000, 64>}]} {
    %get3A = arith.constant 0 : index
    %get3A_0 = arith.constant 0 : index
    %get3A_1 = vector.load %arg4[%get3A, %get3A_0] : memref<2000x2xf32, #tpu.memory_space<vmem>>, vector<2000x2xf32>
    %slice3A = vector.extract_strided_slice %get3A_1 {offsets = [0, 0], sizes = [2000, 1], strides = [1, 1]} : vector<2000x2xf32> to vector<2000x1xf32>
    %slice3A_2 = vector.extract_strided_slice %get3A_1 {offsets = [0, 1], sizes = [2000, 1], strides = [1, 1]} : vector<2000x2xf32> to vector<2000x1xf32>
    %add3A = arith.addf %slice3A, %slice3A_2 : vector<2000x1xf32>
    %max3A = arith.constant 1.000000e+00 : f32
    %max3A_3 = vector.broadcast %max3A : f32 to vector<2000x1xf32>
    %max3A_4 = arith.maximumf %add3A, %max3A_3 : vector<2000x1xf32>
    %div3A = arith.constant 1.000000e+00 : f32
    %div3A_5 = vector.broadcast %div3A : f32 to vector<2000x1xf32>
    %div3A_6 = arith.divf %div3A_5, %max3A_4 : vector<2000x1xf32>
    %get3A_7 = arith.constant 0 : index
    %get3A_8 = arith.constant 0 : index
    %get3A_9 = vector.load %arg2[%get3A_7, %get3A_8] : memref<2000x64xf32, #tpu.memory_space<vmem>>, vector<2000x64xf32>
    %get3A_10 = arith.constant 0 : index
    %get3A_11 = arith.constant 0 : index
    %get3A_12 = vector.load %arg3[%get3A_10, %get3A_11] : memref<2000x64xf32, #tpu.memory_space<vmem>>, vector<2000x64xf32>
    %add3A_13 = arith.addf %get3A_9, %get3A_12 : vector<2000x64xf32>
    %mul3A = vector.broadcast %div3A_6 : vector<2000x1xf32> to vector<2000x64xf32>
    %mul3A_14 = arith.mulf %add3A_13, %mul3A : vector<2000x64xf32>
    %get3A_15 = arith.constant 0 : index
    %get3A_16 = arith.constant 0 : index
    %get3A_17 = vector.load %arg1[%get3A_15, %get3A_16] : memref<2000x128xf32, #tpu.memory_space<vmem>>, vector<2000x128xf32>
    %get3A_18 = arith.constant 0 : index
    %get3A_19 = arith.constant 0 : index
    %get3A_20 = vector.load %arg5[%get3A_18, %get3A_19] : memref<128x64xf32, #tpu.memory_space<vmem>>, vector<128x64xf32>
    %dot_general3A = arith.constant dense<0.000000e+00> : vector<2000x64xf32>
    %dot_general3A_21 = tpu.matmul %get3A_17, %get3A_20, %dot_general3A {dimension_numbers = #tpu.dot_dimension_numbers<[1], [0], [0], [1], [0, 0, 1, 1], [], []>, transpose_lhs_hint = false} : vector<2000x128xf32>, vector<128x64xf32>, vector<2000x64xf32> -> vector<2000x64xf32>
    %add3A_22 = arith.addf %dot_general3A_21, %mul3A_14 : vector<2000x64xf32>
    %get3A_23 = arith.constant 0 : index
    %get3A_24 = arith.constant 0 : index
    %get3A_25 = vector.load %arg6[%get3A_23, %get3A_24] : memref<1x64xf32, #tpu.memory_space<vmem>>, vector<1x64xf32>
    %add3A_26 = vector.broadcast %get3A_25 : vector<1x64xf32> to vector<2000x64xf32>
    %add3A_27 = arith.addf %add3A_22, %add3A_26 : vector<2000x64xf32>
    %swap3A = arith.constant 0 : index
    %swap3A_28 = arith.constant 0 : index
    %swap3A_29 = vector.load %arg7[%swap3A, %swap3A_28] : memref<2000x64xf32, #tpu.memory_space<vmem>>, vector<2000x64xf32>
    tpu.vector_store %arg7[%swap3A, %swap3A_28], %add3A_27 {strides = array<i32>} : memref<2000x64xf32, #tpu.memory_space<vmem>>, vector<2000x64xf32>,
    return
  }
  func.func @transform_0(%arg0: i32) -> (i32, i32) {
    %c0_i32 = arith.constant 0 : i32
    %c0_i32_0 = arith.constant 0 : i32
    return %arg0, %c0_i32 : i32, i32
  }
  func.func @transform_1(%arg0: i32) -> (i32, i32) {
    %c0_i32 = arith.constant 0 : i32
    %c0_i32_0 = arith.constant 0 : i32
    return %arg0, %c0_i32 : i32, i32
  }
  func.func @transform_2(%arg0: i32) -> (i32, i32) {
    %c0_i32 = arith.constant 0 : i32
    %c0_i32_0 = arith.constant 0 : i32
    return %arg0, %c0_i32 : i32, i32
  }
  func.func @transform_3(%arg0: i32) -> (i32, i32) {
    %c0_i32 = arith.constant 0 : i32
    %c0_i32_0 = arith.constant 0 : i32
    return %arg0, %c0_i32 : i32, i32
  }
  func.func @transform_4(%arg0: i32) -> (i32, i32) {
    %c0_i32 = arith.constant 0 : i32
    %c0_i32_0 = arith.constant 0 : i32
    %c0_i32_1 = arith.constant 0 : i32
    return %c0_i32, %c0_i32_0 : i32, i32
  }
  func.func @transform_5(%arg0: i32) -> (i32, i32) {
    %c0_i32 = arith.constant 0 : i32
    %c0_i32_0 = arith.constant 0 : i32
    %c0_i32_1 = arith.constant 0 : i32
    return %c0_i32, %c0_i32_0 : i32, i32
  }
  func.func @transform_6(%arg0: i32) -> (i32, i32) {
    %c0_i32 = arith.constant 0 : i32
    %c0_i32_0 = arith.constant 0 : i32
    return %arg0, %c0_i32 : i32, i32
  }
}

</mosaic_0001>

<sc_bundles>
// kernel: kernel.12.cloned.1.call-start
scs
__scs_entry_jumppad:
0x0: {  	(pc) =	sbr.rel $0x88, $3  }
0x1: {  	(tag) =	ssettag $0x0;
	lr =	simm.s32 $0x1  }
0x2: {  	[smem:$0x3F96] =	sst lr;
	_ =	strace $0xD0000000  }
0x3: {  	_ = 	snop  }
0x4: {  	_ = 	snop  }
0x5: {  	_ = 	snop  }
0x6: {  	_ = 	snop  }
0x7: {  	_ = 	snop  }
__scs_overlays_trampoline_lowered:
0x8: {  	[smem:$0x3FA5] =	sst s0  }
0x9: {  	[smem:$0x3FA6] =	sst s1  }
0xa: {  	[smem:$0x3FA7] =	sst s2  }
0xb: {  	[smem:$0x3FA8] =	sst s3  }
0xc: {  	[smem:$0x3FA9] =	sst s4  }
0xd: {  	[smem:$0x3FAA] =	sst s5  }
0xe: {  	[smem:$0x3FAB] =	sst s6  }
0xf: {  	[smem:$0x3FAC] =	sst s7  }
0x10: {  	[smem:$0x3FAD] =	sst s8  }
0x11: {  	[smem:$0x3FAE] =	sst s9;
	s0 =	simm.s32 @!p0 $0x0  }
0x12: {  	s1 =	sld [smem:$0x3F94];
	s0 =	simm.s32 @p0 $0x1  }
0x13: {  	[smem:$0x3FAF] =	sst s0;
	s0 =	simm.s32 @!p1 $0x0  }
0x14: {  	s2 =	sld [smem:$0x3F93];
	s0 =	simm.s32 @p1 $0x1  }
0x15: {  	[smem:$0x3FB0] =	sst s0;
	s0 =	simm.s32 @!p2 $0x0  }
0x16: {  	s3 =	sld [smem:$0x3FDB];
	s0 =	simm.s32 @p2 $0x1  }
0x17: {  	s4 =	simm.s32 $0x1BF5;
	[smem:$0x3FB2] =	sst s0  }
0x18: {  	s0 =	sld [smem:$0x3F95];
	_ =	swait.ge [sflag:s4], $0x0  }
0x19: {  	s7 =	sld [smem:$0x3F96]  }
0x1a: {  	s8 =	sadd.s32 $0xFFFFE003, lr  }
0x1b: {  	s9 =	sadd.s32 $0xFFFFFEF7, lr;
	s5 =	simm.s32 $0xFFFFFFFF;
	p2 =	slt.u32 s8, $0xFFFFF086  }
0x1c: {  	p1 =	slt.u32 s9, $0xF7A;
	s5 =	simm.s32 @!p2 $0x0  }
0x1d: {  	s5 =	simm.s32 @p1 $0x1;
	p0 =	seq.s32 s7, s2  }
0x1e: {  	s7 =	smul.u32 @!p0 $0xF7A, s2;
	p2 =	seq.s32 @!p0 s5, $0x0  }
0x1f: {  	s9 =	smul.u32 $0xF7A, s1;
	s8 =	simm.s32 @!p0 $0x1BF5;
	p2 =	por !p2, p0  }
0x20: {  	[sflag:s8] =	ssyncset.s32 @!p0 $0xFFFFF086;
	s6 =	sadd.s32 @!p0 s3, s7;
	s7 =	simm.s32 @!p0 $0x108  }
0x21: {  	s3 =	sadd.s32 s3, s9;
	s6 =	sadd.s32 @!p0 $0x88, s6;
	s7 =	simm.s32 @p2 $0x1082  }
0x22: {  	[simem:s7], [sflag:s8] =	dma.local @!p0 [hbm:s6], $0xF7A  }
0x23: {  	s9 =	sor.u32 $0xD0000000, s2;
	s6 =	simm.s32 $0x108;
	_ =	swait.ge @!p0 [sflag:s8], $0x0  }
0x24: {  	s3 =	sadd.s32 $0x88, s3;
	s6 =	simm.s32 @!p1 $0x1082;
	[sflag:s4] =	ssyncset.s32 $0xFFFFF086  }
0x25: {  	[simem:s6], [sflag:s4] =	dma.local [hbm:s3], $0xF7A  }
0x26: {  	[smem:$0x3F96] =	sst s1;
	(tag) =	ssettag s2;
	_ =	strace s9  }
0x27: {  	s1 =	sld [smem:$0x3FA6]  }
0x28: {  	s2 =	sld [smem:$0x3FA7]  }
0x29: {  	s4 =	sld [smem:$0x3FA9]  }
0x2a: {  	p0 =	seq.s32 s5, $0x0;
	s5 =	sld [smem:$0x3FAA]  }
0x2b: {  	s6 =	sld [smem:$0x3FAB]  }
0x2c: {  	s7 =	sld [smem:$0x3FAC]  }
0x2d: {  	s3 =	simm.s32 $0x108;
	s8 =	sld [smem:$0x3FAD]  }
0x2e: {  	s3 =	simm.s32 @!p0 $0x1082;
	s9 =	sld [smem:$0x3FAE]  }
0x2f: {  	lr =	sadd.s32 s0, s3;
	s0 =	sld [smem:$0x3FA5]  }
0x30: {  	s3 =	sld [smem:$0x3FA8]  }
0x31: {  	[smem:$0x3FB1] =	sst s10  }
0x32: {  	s10 =	sld [smem:$0x3FAF];
	_ =	sdelay $0x3  }
0x33: {  	p0 =	seq.s32 s10, $0x1;
	s10 =	sld [smem:$0x3FB1];
	_ =	sdelay $0x3  }
0x34: {  	[smem:$0x3FB1] =	sst s10  }
0x35: {  	s10 =	sld [smem:$0x3FB0];
	_ =	sdelay $0x3  }
0x36: {  	p1 =	seq.s32 s10, $0x1;
	s10 =	sld [smem:$0x3FB1];
	_ =	sdelay $0x3  }
0x37: {  	[smem:$0x3FB1] =	sst s10  }
0x38: {  	s10 =	sld [smem:$0x3FB2]  }
0x39: {  	_ = 	snop;
	(pc) =	sbr.ind lr, $3  }
0x3a: {  	_ = 	snop  }
0x3b: {  	_ = 	snop  }
0x3c: {  	p2 =	seq.s32 s10, $0x1;
	s10 =	sld [smem:$0x3FB1]  }
0x3d: {  	_ =	shalt  }
0x3e: {  	_ =	shalt  }
0x3f: {  	_ =	shalt  }
0x40: {  	_ =	shalt  }
0x41: {  	_ =	shalt  }
0x42: {  	_ =	shalt  }
0x43: {  	_ =	shalt  }
0x44: {  	_ =	shalt  }
0x45: {  	_ =	shalt  }
0x46: {  	_ =	shalt  }
0x47: {  	_ =	shalt  }
0x48: {  	_ =	shalt  }
0x49: {  	_ =	shalt  }
0x4a: {  	_ =	shalt  }
0x4b: {  	_ =	shalt  }
0x4c: {  	_ =	shalt  }
0x4d: {  	_ =	shalt  }
0x4e: {  	_ =	shalt  }
0x4f: {  	_ =	shalt  }
0x50: {  	_ =	shalt  }
0x51: {  	_ =	shalt  }
0x52: {  	_ =	shalt  }
0x53: {  	_ =	shalt  }
0x54: {  	_ =	shalt  }
0x55: {  	_ =	shalt  }
0x56: {  	_ =	shalt  }
0x57: {  	_ =	shalt  }
0x58: {  	_ =	shalt  }
0x59: {  	_ =	shalt  }
0x5a: {  	_ =	shalt  }
0x5b: {  	_ =	shalt  }
0x5c: {  	_ =	shalt  }
0x5d: {  	_ =	shalt  }
0x5e: {  	_ =	shalt  }
0x5f: {  	_ =	shalt  }
0x60: {  	_ =	shalt  }
0x61: {  	_ =	shalt  }
0x62: {  	_ =	shalt  }
0x63: {  	_ =	shalt  }
0x64: {  	_ =	shalt  }
0x65: {  	_ =	shalt  }
0x66: {  	_ =	shalt  }
0x67: {  	_ =	shalt  }
0x68: {  	_ =	shalt  }
0x69: {  	_ =	shalt  }
0x6a: {  	_ =	shalt  }
0x6b: {  	_ =	shalt  }
0x6c: {  	_ =	shalt  }
0x6d: {  	_ =	shalt  }
0x6e: {  	_ =	shalt  }
0x6f: {  	_ =	shalt  }
0x70: {  	_ =	shalt  }
0x71: {  	_ =	shalt  }
0x72: {  	_ =	shalt  }
0x73: {  	_ =	shalt  }
0x74: {  	_ =	shalt  }
0x75: {  	_ =	shalt  }
0x76: {  	_ =	shalt  }
0x77: {  	_ =	shalt  }
0x78: {  	_ =	shalt  }
0x79: {  	_ =	shalt  }
0x7a: {  	_ =	shalt  }
0x7b: {  	_ =	shalt  }
0x7c: {  	_ =	shalt  }
0x7d: {  	_ =	shalt  }
0x7e: {  	_ =	shalt  }
0x7f: {  	_ =	shalt  }
0x80: {  	_ =	shalt  }
0x81: {  	_ =	shalt  }
0x82: {  	_ =	shalt  }
0x83: {  	_ =	shalt  }
0x84: {  	_ =	shalt  }
0x85: {  	_ =	shalt  }
0x86: {  	_ =	shalt  }
0x87: {  	_ =	shalt  }
.Lfunc_end0:
.L_simem_size_0:
called_computation.1_lowered:
.L_overlay_start_0:
0x88: {  	s2 =	sld [smem:$0x3FD9]  }
0x89: {  	s3 =	sld [smem:$0x3FFE];
	_ =	sdelay $0x1  }
0x8a: {  	s1 =	srdreg.scid  }
0x8b: {  	s0 =	sand.u32 $0x1, s1  }
0x8c: {  	s17 =	sshll.u32 s0, $0xA;
	s2 =	sadd.s32 s3, s2  }
0x8d: {  	s2 =	sadd.s32 s2, s17  }
0x8e: {  	[smem:$0x3FBD] =	sst s2  }
0x8f: {  	_ = 	snop  }
0x90: {  	s2 =	sld [smem:$0x3FD0];
	(tm) =	ssettm $0x1  }
0x91: {  	s18 =	sld [smem:$0x3FFB];
	_ =	sdelay $0x3  }
0x92: {  	_ =	strace s18  }
0x93: {  	s3 =	sld [smem:$0x3FFC];
	_ =	sdelay $0x3  }
0x94: {  	_ =	strace s3  }
0x95: {  	s3 =	sld [smem:$0x3FFD];
	_ =	sdelay $0x3  }
0x96: {  	_ =	strace s3  }
0x97: {  	_ =	strace $0x8FFFFFFF  }
0x98: {  	s19 =	sld [smem:$0x3FDB];
	_ =	sdelay $0x1  }
0x99: {  	s4 =	simm.s32 $_scs_section_size  }
0x9a: {  	s5 =	simm.s32 $_size__tile_overlayer_lowered;
	s6 =	simm.s32 $_tile_overlayer_lowered  }
0x9b: {  	s22 =	simm.s32 $0x1BFF;
	s21 =	sshll.u32 s6, $0x1;
	s3 =	sadd.s32 s4, s19  }
0x9c: {  	s7 =	simm.s32 $0x0;
	s20 =	sshll.u32 s5, $0x1;
	s5 =	sadd.s32 s21, s3  }
0x9d: {  	[timem:s7], [sflag:s22] =	dma.local [hbm:s5], s20  }
0x9e: {  	_ =	swait.ge [sflag:s22], s20  }
0x9f: {  	s4 =	ssub.s32 $0x0, s20;
	[sflag:s22] =	ssyncset.done $0x0  }
0xa0: {  	[sflag:s22] =	ssyncadd.s32 s4;
	_ =	sdelay $0x1  }
0xa1: {  	s23 =	simm.s32 $0x1B8B  }
0xa2: {  	_ =	swait.ge [sflag:s23], $0x1  }
0xa3: {  	[sflag:s23] =	ssyncset.done $0x0  }
0xa4: {  	s25 =	simm.s32 $0x1B8E;
	s24 =	sld [smem:$0x3FFE];
	[sflag:s23] =	ssyncadd.s32 $0xFFFFFFFF  }
0xa5: {  	s26 =	simm.s32 $execute0_lowered;
	[smem:$0x3FD2] =	sst s25  }
0xa6: {  	s5 =	sshll.u32 s26, $0x1;
	_ =	strace $0x80000049;
	[dreg:$0x1] =	wrdreg $0xFFFFFFFF  }
0xa7: {  	s28 =	simm.s32 $_size_execute0_lowered;
	s3 =	sadd.s32 s3, s5;
	[dreg:$0x0] =	wrdreg $0x0  }
0xa8: {  	s5 =	sshll.u32 s28, $0x1;
	[dreg:$0x2] =	wrdreg s3  }
0xa9: {  	[dreg:$0x3] =	wrdreg s5  }
0xaa: {  	[dreg:$0x4] =	wrdreg $0xC0  }
0xab: {  	_ =	task [dreg:s7], $0x5FFFF  }
0xac: {  	[dreg:$0x1] =	wrdreg $0xFFFFFFFF  }
0xad: {  	[dreg:$0x0] =	wrdreg $0x60  }
0xae: {  	[dreg:$0x2] =	wrdreg s24  }
0xaf: {  	[dreg:$0x3] =	wrdreg s2  }
0xb0: {  	[dreg:$0x4] =	wrdreg $0xB7800  }
0xb1: {  	[dreg:$0x5] =	wrdreg $0x9  }
0xb2: {  	_ =	task.clear_ibuf [dreg:s7], $0x6FFFF;
	_ =	strace $0x90000049  }
0xb3: {  	s29 =	simm.s32 $0x9;
	_ =	strace $0x8000004B  }
0xb4: {  	_ =	swait.ge [sflag:s29], $0x1  }
0xb5: {  	[sflag:s29] =	ssyncadd.s32 $0xFFFFFFFF  }
0xb6: {  	_ =	strace $0x9000004B  }
0xb7: {  	_ =	sfence  }
0xb8: {  	s30 =	sld [smem:$0x0];
	_ =	sdelay $0x2  }
0xb9: {  	s31 =	sshll.u32 s1, $0xD;
	s1 =	sshrl.u32 s1, $0x2  }
0xba: {  	s3 =	sand.u32 $0x4000, s31;
	s1 =	sadd.s32 s1, s30  }
0xbb: {  	s0 =	sor.u32 s3, s0;
	s1 =	sshll.u32 s1, $0x11  }
0xbc: {  	s0 =	sor.u32 s1, s0  }
0xbd: {  	s0 =	sadd.s32 $0x8F2B, s0  }
0xbe: {  	[sflag:s0] =	ssyncadd.remote.s32 $0x1  }
0xbf: {  	_ =	sfence.sel $0xFFFF  }
0xc0: {  	[dreg:$0x0] =	wrdreg $0xFFFFFFFF;
	(pc) =	sbr.abs _section_cstart, $3  }
0xc1: {  	[dreg:$0x1] =	wrdreg $0xFFFFFFFF  }
0xc2: {  	_ =	task.clear_ibuf [dreg:s7], $0x2FFFF;
	_ =	strace $0x9FFFFFFF  }
0xc3: {  	(tm) =	ssettm $0x7FFFFFFF  }
tec
execute0_lowered:
.L_overlay_start_1:
0x0: {  	(tag) =	ssettag $0x1  }
0x1: {  	s0 =	srdreg.scid;
	s1 =	rddreg [dreg:$0x0]  }
0x2: {  	s7 =	rddreg [dreg:$0x1];
	s10 =	stileid.u32  }
0x3: {  	s2 =	rddreg [dreg:$0x2];
	s20 =	simm.s32 $0x6780;
	s21 =	simm.s32 $0x3  }
0x4: {  	s28 =	simm.s32 $0x26C0;
	s29 =	simm.s32 $0x6500;
	s30 =	simm.s32 $0x6580  }
0x5: {  	s31 =	simm.s32 $0x0;
	s0 =	sand.u32 $0x1, s0;
	s22 =	sshll.u32 s10, $0x7  }
0x6: {  	s9 =	smul.u32 $0x2800, s10;
	s3 =	sshll.u32 s0, $0x4;
	s8 =	sand.u32 $0x380, s22  }
0x7: {  	s23 =	smul.u32 $0x28000, s0;
	s0 =	ssub.s32 $0x2, s0;
	s22 =	simm.s32 $0x1  }
0x8: {  	s6 =	sor.u32 s10, s3;
	s3 =	simm.s32 $0x0;
	s10 =	smul.u32 $0x50000, s10  }
0x9: {  	s24 =	sshrl.u32 s0, $0x1;
	s4 =	sshrl.u32 s6, $0x3;
	[smem:$0x7FF] =	sst s3  }
0xa: {  	s0 =	ssub.s32 s0, s24;
	s26 =	sshll.u32 s6, $0xB;
	s24 =	simm.s32 $0x50  }
0xb: {  	s5 =	smul.u32 $0x13C00, s4;
	_ =	strace $0x8000004A;
	s4 =	sadd.s32 $0x20A00, s1  }
0xc: {  	s25 =	sshrl.u32 s10, $0x2;
	s7 =	sadd.s32 s7, s26;
	s16 =	smax.u32 s0, $0x1  }
0xd: {  	s26 =	simm.s32 $0x6480;
	s6 =	sadd.s32 s25, s2;
	s25 =	simm.s32 $0x8F80  }
0xe: {  	s5 =	sor.u32 s8, s5;
	s8 =	sadd.s32 s9, s23;
	s9 =	sadd.s32 $0x5000, s6  }
0xf: {  	s10 =	sadd.s32 $0x7800, s6;
	s11 =	sadd.s32 $0xA000, s6;
	s12 =	sadd.s32 $0xC800, s6  }
0x10: {  	s13 =	sadd.s32 $0xF000, s6;
	s14 =	sadd.s32 $0x11800, s6;
	s5 =	sshrl.u32 s5, $0x3  }
0x11: {  	s23 =	simm.s32 $0x2;
	s5 =	sadd.s32 s5, s1;
	s1 =	sadd.s32 s8, s1  }
0x12: {  	v0 =	vimm.f32 $0.0e+00;
	s8 =	sadd.s32 $0x2800, s6;
	s5 =	sadd.s32 $0x16C00, s5;
	s15 =	sadd.s32 $0x6EE00, s1  }
.LBB2_1:
0x13: {  	s0 =	simm.s32 $0x80;
	s1 =	simm.s32 $0x400  }
0x14: {  	[tilespmem:s3], [sflag:$0x1] =	stream.strided.gather [hbm4b:s5+s0], $0x2780, s1, s0, $0x38;
	[tilespmem:$0x1F780] =	vst v63  }
0x15: {  	s19 =	simm.s32 $0x2780;
	s0 =	simm.s32 $0x0;
	s1 =	simm.s32 $0x200  }
0x16: {  	[tilespmem:s19], [sflag:$0x2] =	stream.linear.gather [hbm4b:s7+s3], $0x3E80, $0x38;
	[tilespmem:$0x1F780] =	vst v63  }
.LBB2_2:
0x17: {  	p0 =	sne.s32 s1, $0x9E00;
	[tilespmem:s0+$0x67F0] =	vst v0  }
0x18: {  	[tilespmem:s0+$0x6780] =	vst v0  }
0x19: {  	[tilespmem:s0+$0x6790] =	vst v0  }
.Ltmp0:
0x1a: {  	[tilespmem:s0+$0x67A0] =	vst v0;
	(pc) =	sbr.rel @p0 .LBB2_2-.Ltmp0, $4  }
0x1b: {  	[tilespmem:s0+$0x67B0] =	vst v0  }
0x1c: {  	[tilespmem:s0+$0x67C0] =	vst v0  }
0x1d: {  	[tilespmem:s0+$0x67D0] =	vst v0  }
0x1e: {  	[tilespmem:s0+$0x67E0] =	vst v0;
	s0 =	sshra.s32 s1, $0x2;
	s1 =	sadd.s32 $0x200, s1  }
0x1f: {  	[tilespmem:s0+$0x67F0] =	vst v0  }
0x20: {  	[tilespmem:s0+$0x6780] =	vst v0  }
0x21: {  	[tilespmem:s0+$0x6790] =	vst v0  }
0x22: {  	[tilespmem:s0+$0x67A0] =	vst v0  }
0x23: {  	[tilespmem:s0+$0x67B0] =	vst v0  }
0x24: {  	[tilespmem:s0+$0x67C0] =	vst v0  }
0x25: {  	[tilespmem:s0+$0x67D0] =	vst v0  }
0x26: {  	[tilespmem:s0+$0x67E0] =	vst v0  }
0x27: {  	[spmem:s6] =	stream.linear.scatter [tilespmem:s20], [sflag:$0x3], $0x2800, $0x38;
	[tilespmem:$0x1F780] =	vst v63  }
0x28: {  	_ =	swait.ge [sflag:s21], $0x2800  }
0x29: {  	[sflag:s21] =	ssyncset.done $0x0  }
0x2a: {  	[sflag:s21] =	ssyncadd.s32 $0xFFFFD800  }
0x2b: {  	[spmem:s8] =	stream.linear.scatter [tilespmem:s20], [sflag:$0x3], $0x2800, $0x38;
	[tilespmem:$0x1F780] =	vst v63  }
0x2c: {  	_ =	swait.ge [sflag:s21], $0x2800  }
0x2d: {  	[sflag:s21] =	ssyncset.done $0x0  }
0x2e: {  	[sflag:s21] =	ssyncadd.s32 $0xFFFFD800  }
0x2f: {  	[spmem:s9] =	stream.linear.scatter [tilespmem:s20], [sflag:$0x3], $0x2800, $0x38;
	[tilespmem:$0x1F780] =	vst v63  }
0x30: {  	_ =	swait.ge [sflag:s21], $0x2800  }
0x31: {  	[sflag:s21] =	ssyncset.done $0x0  }
0x32: {  	[sflag:s21] =	ssyncadd.s32 $0xFFFFD800  }
0x33: {  	[spmem:s10] =	stream.linear.scatter [tilespmem:s20], [sflag:$0x3], $0x2800, $0x38;
	[tilespmem:$0x1F780] =	vst v63  }
0x34: {  	_ =	swait.ge [sflag:s21], $0x2800  }
0x35: {  	[sflag:s21] =	ssyncset.done $0x0  }
0x36: {  	[sflag:s21] =	ssyncadd.s32 $0xFFFFD800  }
0x37: {  	[spmem:s11] =	stream.linear.scatter [tilespmem:s20], [sflag:$0x3], $0x2800, $0x38;
	[tilespmem:$0x1F780] =	vst v63  }
0x38: {  	_ =	swait.ge [sflag:s21], $0x2800  }
0x39: {  	[sflag:s21] =	ssyncset.done $0x0  }
0x3a: {  	[sflag:s21] =	ssyncadd.s32 $0xFFFFD800  }
0x3b: {  	[spmem:s12] =	stream.linear.scatter [tilespmem:s20], [sflag:$0x3], $0x2800, $0x38;
	[tilespmem:$0x1F780] =	vst v63  }
0x3c: {  	_ =	swait.ge [sflag:s21], $0x2800  }
0x3d: {  	[sflag:s21] =	ssyncset.done $0x0  }
0x3e: {  	[sflag:s21] =	ssyncadd.s32 $0xFFFFD800  }
0x3f: {  	[spmem:s13] =	stream.linear.scatter [tilespmem:s20], [sflag:$0x3], $0x2800, $0x38;
	[tilespmem:$0x1F780] =	vst v63  }
0x40: {  	_ =	swait.ge [sflag:s21], $0x2800  }
0x41: {  	[sflag:s21] =	ssyncset.done $0x0  }
0x42: {  	[sflag:s21] =	ssyncadd.s32 $0xFFFFD800  }
0x43: {  	[spmem:s14] =	stream.linear.scatter [tilespmem:s20], [sflag:$0x3], $0x2800, $0x38;
	[tilespmem:$0x1F780] =	vst v63  }
0x44: {  	_ =	swait.ge [sflag:s21], $0x2800  }
0x45: {  	[sflag:s21] =	ssyncset.done $0x0  }
0x46: {  	[sflag:s21] =	ssyncadd.s32 $0xFFFFD800  }
0x47: {  	_ =	swait.ge [sflag:s22], $0x2780  }
0x48: {  	[sflag:s22] =	ssyncset.done $0x0  }
0x49: {  	[sflag:s22] =	ssyncadd.s32 $0xFFFFD880  }
0x4a: {  	_ =	swait.ge [sflag:s23], $0x3E80  }
0x4b: {  	[sflag:s23] =	ssyncset.done $0x0  }
0x4c: {  	[sflag:s23] =	ssyncadd.s32 $0xFFFFC180  }
0x4d: {  	s1 =	simm.s32 $0x0;
	[bflag:$0x0] =	sbarrier.arrive $0xFFFF  }
0x4e: {  	[tilespmem:s20], [sflag:$0x1] =	stream.indirect.gather [hbm4b:s4+s24], $0x80, s1, s24, $0xb8;
	[tilespmem:$0x1F780] =	vst v63  }
0x4f: {  	_ = 	snop  }
0x50: {  	[tilespmem:s25], [sflag:$0x2] =	stream.indirect.gather [hbm4b:s4+s24], $0x80, s24, s24, $0xb8;
	[tilespmem:$0x1F780] =	vst v63  }
0x51: {  	_ =	swait.ge [sflag:s22], $0x2800  }
0x52: {  	[sflag:s22] =	ssyncset.done $0x0  }
0x53: {  	s17 =	simm.s32 $0x2780;
	[sflag:s22] =	ssyncadd.s32 $0xFFFFD800  }
0x54: {  	[spmem:s2] =	stream.indirect.scatter.add.f32 [tilespmem:s20], [sflag:$0x3], $0x80, s17, s24, $0xb8;
	[tilespmem:$0x1F780] =	vst v63  }
0x55: {  	_ =	swait.ge [sflag:s21], $0x2800  }
0x56: {  	[sflag:s21] =	ssyncset.done $0x0  }
0x57: {  	s18 =	simm.s32 $0xA0;
	[sflag:s21] =	ssyncadd.s32 $0xFFFFD800  }
0x58: {  	[tilespmem:s20], [sflag:$0x1] =	stream.indirect.gather [hbm4b:s4+s24], $0x80, s18, s24, $0xb8;
	[tilespmem:$0x1F780] =	vst v63  }
0x59: {  	_ =	swait.ge [sflag:s23], $0x2800  }
0x5a: {  	[sflag:s23] =	ssyncset.done $0x0  }
0x5b: {  	s19 =	simm.s32 $0x2800;
	[sflag:s23] =	ssyncadd.s32 $0xFFFFD800  }
0x5c: {  	[spmem:s2] =	stream.indirect.scatter.add.f32 [tilespmem:s25], [sflag:$0x3], $0x80, s19, s24, $0xb8;
	[tilespmem:$0x1F780] =	vst v63  }
0x5d: {  	_ =	swait.ge [sflag:s21], $0x2800  }
0x5e: {  	s0 =	simm.s32 $0x400;
	[sflag:s21] =	ssyncset.done $0x0  }
0x5f: {  	s1 =	simm.s32 $0xF0;
	s17 =	simm.s32 $0x190;
	[sflag:s21] =	ssyncadd.s32 $0xFFFFD800  }
.LBB2_4:
0x60: {  	[tilespmem:s25], [sflag:$0x2] =	stream.indirect.gather [hbm4b:s4+s24], $0x80, s1, s24, $0xb8;
	[tilespmem:$0x1F780] =	vst v63  }
0x61: {  	s18 =	smov.u32 s0;
	s1 =	smov.u32 s17  }
0x62: {  	p0 =	sne.s32 s0, $0xF000;
	s0 =	sadd.s32 $0x400, s0;
	_ =	swait.ge [sflag:s22], $0x2800  }
0x63: {  	s18 =	sshra.s32 s18, $0x2;
	[sflag:s22] =	ssyncset.done $0x0  }
0x64: {  	s19 =	sadd.s32 $0x2780, s18;
	[sflag:s22] =	ssyncadd.s32 $0xFFFFD800  }
0x65: {  	[spmem:s2] =	stream.indirect.scatter.add.f32 [tilespmem:s20], [sflag:$0x3], $0x80, s19, s24, $0xb8;
	[tilespmem:$0x1F780] =	vst v63  }
0x66: {  	_ =	swait.ge [sflag:s21], $0x2800  }
0x67: {  	[sflag:s21] =	ssyncset.done $0x0  }
0x68: {  	s19 =	sadd.s32 $0xFFFFFFB0, s17;
	[sflag:s21] =	ssyncadd.s32 $0xFFFFD800  }
0x69: {  	[tilespmem:s20], [sflag:$0x1] =	stream.indirect.gather [hbm4b:s4+s24], $0x80, s19, s24, $0xb8;
	[tilespmem:$0x1F780] =	vst v63  }
0x6a: {  	_ =	swait.ge [sflag:s23], $0x2800  }
0x6b: {  	[sflag:s23] =	ssyncset.done $0x0  }
.Ltmp1:
0x6c: {  	s18 =	sadd.s32 $0x2800, s18;
	[sflag:s23] =	ssyncadd.s32 $0xFFFFD800;
	(pc) =	sbr.rel @p0 .LBB2_4-.Ltmp1, $4  }
0x6d: {  	[spmem:s2] =	stream.indirect.scatter.add.f32 [tilespmem:s25], [sflag:$0x3], $0x80, s18, s24, $0xb8;
	[tilespmem:$0x1F780] =	vst v63  }
0x6e: {  	_ =	swait.ge [sflag:s21], $0x2800  }
0x6f: {  	[sflag:s21] =	ssyncset.done $0x0  }
0x70: {  	s17 =	sadd.s32 $0xA0, s17;
	[sflag:s21] =	ssyncadd.s32 $0xFFFFD800  }
0x71: {  	[tilespmem:s25], [sflag:$0x2] =	stream.indirect.gather [hbm4b:s4+s24], $0x80, s1, s24, $0xb8;
	[tilespmem:$0x1F780] =	vst v63  }
0x72: {  	_ =	swait.ge [sflag:s22], $0x2800  }
0x73: {  	[sflag:s22] =	ssyncset.done $0x0  }
0x74: {  	[sflag:s22] =	ssyncadd.s32 $0xFFFFD800  }
0x75: {  	[spmem:s2] =	stream.indirect.scatter.add.f32 [tilespmem:s20], [sflag:$0x3], $0x80, s26, s24, $0xb8;
	[tilespmem:$0x1F780] =	vst v63  }
0x76: {  	_ =	swait.ge [sflag:s21], $0x2800  }
0x77: {  	[sflag:s21] =	ssyncset.done $0x0  }
0x78: {  	[sflag:s21] =	ssyncadd.s32 $0xFFFFD800  }
0x79: {  	[tilespmem:s20], [sflag:$0x1] =	stream.indirect.gather [hbm4b:s4+s24], $0x80, s28, s24, $0xb8;
	[tilespmem:$0x1F780] =	vst v63  }
0x7a: {  	_ =	swait.ge [sflag:s23], $0x2800  }
0x7b: {  	[sflag:s23] =	ssyncset.done $0x0  }
0x7c: {  	[sflag:s23] =	ssyncadd.s32 $0xFFFFD800  }
0x7d: {  	[spmem:s2] =	stream.indirect.scatter.add.f32 [tilespmem:s25], [sflag:$0x3], $0x80, s29, s24, $0xb8;
	[tilespmem:$0x1F780] =	vst v63  }
0x7e: {  	_ =	swait.ge [sflag:s21], $0x2800  }
0x7f: {  	[sflag:s21] =	ssyncset.done $0x0  }
0x80: {  	[sflag:s21] =	ssyncadd.s32 $0xFFFFD800  }
0x81: {  	_ =	swait.ge [sflag:s22], $0x2800  }
0x82: {  	[sflag:s22] =	ssyncset.done $0x0  }
0x83: {  	[sflag:s22] =	ssyncadd.s32 $0xFFFFD800  }
0x84: {  	[spmem:s2] =	stream.indirect.scatter.add.f32 [tilespmem:s20], [sflag:$0x3], $0x80, s30, s24, $0xb8;
	[tilespmem:$0x1F780] =	vst v63  }
0x85: {  	s0 =	stileid.u32;
	_ =	swait.ge [sflag:s21], $0x2800  }
0x86: {  	s19 =	sshrl.u32 s6, $0x3;
	s31 =	sadd.s32 $0x1, s31;
	[sflag:s21] =	ssyncset.done $0x0  }
0x87: {  	s0 =	sshll.u32 s0, $0x6;
	p0 =	sne.s32 s31, s16;
	[sflag:s21] =	ssyncadd.s32 $0xFFFFD800  }
.Ltmp2:
0x88: {  	s0 =	sor.u32 $0x1C03, s0;
	[bflag:$0x0] =	sbarrier.arrive $0xFFFF;
	(pc) =	sbr.rel @p0 .LBB2_1-.Ltmp2, $4  }
0x89: {  	[hbm:s15], [sflag:s0] =	dma.local [spmem:s19], $0x2800  }
0x8a: {  	_ =	swait.ge [sflag:s21], $0x2800  }
0x8b: {  	[sflag:s21] =	ssyncset.done $0x0  }
0x8c: {  	[sflag:s21] =	ssyncadd.s32 $0xFFFFD800  }
0x8d: {  	_ =	sfence.sel $0x180000  }
0x8e: {  	[bflag:$0x0] =	sbarrier.arrive $0xFFFF  }
0x8f: {  	_ =	strace $0x9000004A  }
0x90: {  	s0 =	stileid.u32;
	[bflag:$0x2] =	sbarrier.arrive $0xFFFF  }
0x91: {  	p0 =	sne.s32 s0, $0x0;
	s0 =	rddreg [dreg:$0x3]  }
0x92: {  	s0 =	sadd.s32 @!p0 $0x100000, s0  }
0x93: {  	[sflag:s0] =	ssyncadd.tile.s32 @!p0 $0x1;
	_ =	shalt  }
.Lfunc_end2:
_tile_overlayer_lowered:
.L_overlay_start_2:
0x94: {  	(tag) =	ssettag $0x2  }
0x95: {  	s0 =	rddreg [dreg:$0x0];
	s2 =	stileid.u32  }
0x96: {  	s1 =	rddreg [dreg:$0x1];
	p0 =	sne.s32 s2, $0x0  }
0x97: {  	s3 =	rddreg [dreg:$0x2];
	[bflag:$0x3] =	sbarrier.arrive $0xFFFF;
	s2 =	simm.s32 @!p0 $0x1C03  }
0x98: {  	[timem:s3], [sflag:s2] =	dma.local @!p0 [hbm:s0], s1  }
0x99: {  	s0 =	simm.s32 @!p0 $0x3  }
0x9a: {  	_ =	swait.ge @!p0 [sflag:s0], s1  }
0x9b: {  	s1 =	ssub.s32 @!p0 $0x0, s1;
	[sflag:s0] =	ssyncset.done @!p0 $0x0  }
0x9c: {  	[sflag:s0] =	ssyncadd.s32 @!p0 s1  }
0x9d: {  	[bflag:$0x3] =	sbarrier.arrive $0xFFFF  }
0x9e: {  	_ =	shalt  }

// kernel: kernel.15.cloned.1.call-start
scs
__scs_entry_jumppad:
0x0: {  	(pc) =	sbr.rel $0x88, $3  }
0x1: {  	(tag) =	ssettag $0x0;
	lr =	simm.s32 $0x1  }
0x2: {  	[smem:$0x3F96] =	sst lr;
	_ =	strace $0xD0000000  }
0x3: {  	_ = 	snop  }
0x4: {  	_ = 	snop  }
0x5: {  	_ = 	snop  }
0x6: {  	_ = 	snop  }
0x7: {  	_ = 	snop  }
__scs_overlays_trampoline_lowered:
0x8: {  	[smem:$0x3FA5] =	sst s0  }
0x9: {  	[smem:$0x3FA6] =	sst s1  }
0xa: {  	[smem:$0x3FA7] =	sst s2  }
0xb: {  	[smem:$0x3FA8] =	sst s3  }
0xc: {  	[smem:$0x3FA9] =	sst s4  }
0xd: {  	[smem:$0x3FAA] =	sst s5  }
0xe: {  	[smem:$0x3FAB] =	sst s6  }
0xf: {  	[smem:$0x3FAC] =	sst s7  }
0x10: {  	[smem:$0x3FAD] =	sst s8  }
0x11: {  	[smem:$0x3FAE] =	sst s9;
	s0 =	simm.s32 @!p0 $0x0  }
0x12: {  	s1 =	sld [smem:$0x3F94];
	s0 =	simm.s32 @p0 $0x1  }
0x13: {  	[smem:$0x3FAF] =	sst s0;
	s0 =	simm.s32 @!p1 $0x0  }
0x14: {  	s2 =	sld [smem:$0x3F93];
	s0 =	simm.s32 @p1 $0x1  }
0x15: {  	[smem:$0x3FB0] =	sst s0;
	s0 =	simm.s32 @!p2 $0x0  }
0x16: {  	s3 =	sld [smem:$0x3FDB];
	s0 =	simm.s32 @p2 $0x1  }
0x17: {  	s4 =	simm.s32 $0x1BF5;
	[smem:$0x3FB2] =	sst s0  }
0x18: {  	s0 =	sld [smem:$0x3F95];
	_ =	swait.ge [sflag:s4], $0x0  }
0x19: {  	s7 =	sld [smem:$0x3F96]  }
0x1a: {  	s8 =	sadd.s32 $0xFFFFE003, lr  }
0x1b: {  	s9 =	sadd.s32 $0xFFFFFEF7, lr;
	s5 =	simm.s32 $0xFFFFFFFF;
	p2 =	slt.u32 s8, $0xFFFFF086  }
0x1c: {  	p1 =	slt.u32 s9, $0xF7A;
	s5 =	simm.s32 @!p2 $0x0  }
0x1d: {  	s5 =	simm.s32 @p1 $0x1;
	p0 =	seq.s32 s7, s2  }
0x1e: {  	s7 =	smul.u32 @!p0 $0xF7A, s2;
	p2 =	seq.s32 @!p0 s5, $0x0  }
0x1f: {  	s9 =	smul.u32 $0xF7A, s1;
	s8 =	simm.s32 @!p0 $0x1BF5;
	p2 =	por !p2, p0  }
0x20: {  	[sflag:s8] =	ssyncset.s32 @!p0 $0xFFFFF086;
	s6 =	sadd.s32 @!p0 s3, s7;
	s7 =	simm.s32 @!p0 $0x108  }
0x21: {  	s3 =	sadd.s32 s3, s9;
	s6 =	sadd.s32 @!p0 $0x88, s6;
	s7 =	simm.s32 @p2 $0x1082  }
0x22: {  	[simem:s7], [sflag:s8] =	dma.local @!p0 [hbm:s6], $0xF7A  }
0x23: {  	s9 =	sor.u32 $0xD0000000, s2;
	s6 =	simm.s32 $0x108;
	_ =	swait.ge @!p0 [sflag:s8], $0x0  }
0x24: {  	s3 =	sadd.s32 $0x88, s3;
	s6 =	simm.s32 @!p1 $0x1082;
	[sflag:s4] =	ssyncset.s32 $0xFFFFF086  }
0x25: {  	[simem:s6], [sflag:s4] =	dma.local [hbm:s3], $0xF7A  }
0x26: {  	[smem:$0x3F96] =	sst s1;
	(tag) =	ssettag s2;
	_ =	strace s9  }
0x27: {  	s1 =	sld [smem:$0x3FA6]  }
0x28: {  	s2 =	sld [smem:$0x3FA7]  }
0x29: {  	s4 =	sld [smem:$0x3FA9]  }
0x2a: {  	p0 =	seq.s32 s5, $0x0;
	s5 =	sld [smem:$0x3FAA]  }
0x2b: {  	s6 =	sld [smem:$0x3FAB]  }
0x2c: {  	s7 =	sld [smem:$0x3FAC]  }
0x2d: {  	s3 =	simm.s32 $0x108;
	s8 =	sld [smem:$0x3FAD]  }
0x2e: {  	s3 =	simm.s32 @!p0 $0x1082;
	s9 =	sld [smem:$0x3FAE]  }
0x2f: {  	lr =	sadd.s32 s0, s3;
	s0 =	sld [smem:$0x3FA5]  }
0x30: {  	s3 =	sld [smem:$0x3FA8]  }
0x31: {  	[smem:$0x3FB1] =	sst s10  }
0x32: {  	s10 =	sld [smem:$0x3FAF];
	_ =	sdelay $0x3  }
0x33: {  	p0 =	seq.s32 s10, $0x1;
	s10 =	sld [smem:$0x3FB1];
	_ =	sdelay $0x3  }
0x34: {  	[smem:$0x3FB1] =	sst s10  }
0x35: {  	s10 =	sld [smem:$0x3FB0];
	_ =	sdelay $0x3  }
0x36: {  	p1 =	seq.s32 s10, $0x1;
	s10 =	sld [smem:$0x3FB1];
	_ =	sdelay $0x3  }
0x37: {  	[smem:$0x3FB1] =	sst s10  }
0x38: {  	s10 =	sld [smem:$0x3FB2]  }
0x39: {  	_ = 	snop;
	(pc) =	sbr.ind lr, $3  }
0x3a: {  	_ = 	snop  }
0x3b: {  	_ = 	snop  }
0x3c: {  	p2 =	seq.s32 s10, $0x1;
	s10 =	sld [smem:$0x3FB1]  }
0x3d: {  	_ =	shalt  }
0x3e: {  	_ =	shalt  }
0x3f: {  	_ =	shalt  }
0x40: {  	_ =	shalt  }
0x41: {  	_ =	shalt  }
0x42: {  	_ =	shalt  }
0x43: {  	_ =	shalt  }
0x44: {  	_ =	shalt  }
0x45: {  	_ =	shalt  }
0x46: {  	_ =	shalt  }
0x47: {  	_ =	shalt  }
0x48: {  	_ =	shalt  }
0x49: {  	_ =	shalt  }
0x4a: {  	_ =	shalt  }
0x4b: {  	_ =	shalt  }
0x4c: {  	_ =	shalt  }
0x4d: {  	_ =	shalt  }
0x4e: {  	_ =	shalt  }
0x4f: {  	_ =	shalt  }
0x50: {  	_ =	shalt  }
0x51: {  	_ =	shalt  }
0x52: {  	_ =	shalt  }
0x53: {  	_ =	shalt  }
0x54: {  	_ =	shalt  }
0x55: {  	_ =	shalt  }
0x56: {  	_ =	shalt  }
0x57: {  	_ =	shalt  }
0x58: {  	_ =	shalt  }
0x59: {  	_ =	shalt  }
0x5a: {  	_ =	shalt  }
0x5b: {  	_ =	shalt  }
0x5c: {  	_ =	shalt  }
0x5d: {  	_ =	shalt  }
0x5e: {  	_ =	shalt  }
0x5f: {  	_ =	shalt  }
0x60: {  	_ =	shalt  }
0x61: {  	_ =	shalt  }
0x62: {  	_ =	shalt  }
0x63: {  	_ =	shalt  }
0x64: {  	_ =	shalt  }
0x65: {  	_ =	shalt  }
0x66: {  	_ =	shalt  }
0x67: {  	_ =	shalt  }
0x68: {  	_ =	shalt  }
0x69: {  	_ =	shalt  }
0x6a: {  	_ =	shalt  }
0x6b: {  	_ =	shalt  }
0x6c: {  	_ =	shalt  }
0x6d: {  	_ =	shalt  }
0x6e: {  	_ =	shalt  }
0x6f: {  	_ =	shalt  }
0x70: {  	_ =	shalt  }
0x71: {  	_ =	shalt  }
0x72: {  	_ =	shalt  }
0x73: {  	_ =	shalt  }
0x74: {  	_ =	shalt  }
0x75: {  	_ =	shalt  }
0x76: {  	_ =	shalt  }
0x77: {  	_ =	shalt  }
0x78: {  	_ =	shalt  }
0x79: {  	_ =	shalt  }
0x7a: {  	_ =	shalt  }
0x7b: {  	_ =	shalt  }
0x7c: {  	_ =	shalt  }
0x7d: {  	_ =	shalt  }
0x7e: {  	_ =	shalt  }
0x7f: {  	_ =	shalt  }
0x80: {  	_ =	shalt  }
0x81: {  	_ =	shalt  }
0x82: {  	_ =	shalt  }
0x83: {  	_ =	shalt  }
0x84: {  	_ =	shalt  }
0x85: {  	_ =	shalt  }
0x86: {  	_ =	shalt  }
0x87: {  	_ =	shalt  }
.Lfunc_end0:
.L_simem_size_0:
called_computation.2_lowered:
.L_overlay_start_0:
0x88: {  	s2 =	sld [smem:$0x3FD9]  }
0x89: {  	s3 =	sld [smem:$0x3FFE];
	_ =	sdelay $0x1  }
0x8a: {  	s1 =	srdreg.scid  }
0x8b: {  	s0 =	sand.u32 $0x1, s1  }
0x8c: {  	s17 =	sshll.u32 s0, $0xA;
	s2 =	sadd.s32 s3, s2  }
0x8d: {  	s2 =	sadd.s32 s2, s17  }
0x8e: {  	[smem:$0x3FBD] =	sst s2  }
0x8f: {  	_ = 	snop  }
0x90: {  	s2 =	sld [smem:$0x3FD0];
	(tm) =	ssettm $0x1  }
0x91: {  	s18 =	sld [smem:$0x3FFB];
	_ =	sdelay $0x3  }
0x92: {  	_ =	strace s18  }
0x93: {  	s3 =	sld [smem:$0x3FFC];
	_ =	sdelay $0x3  }
0x94: {  	_ =	strace s3  }
0x95: {  	s3 =	sld [smem:$0x3FFD];
	_ =	sdelay $0x3  }
0x96: {  	_ =	strace s3  }
0x97: {  	_ =	strace $0x8FFFFFFF  }
0x98: {  	s19 =	sld [smem:$0x3FDB];
	_ =	sdelay $0x1  }
0x99: {  	s4 =	simm.s32 $_scs_section_size  }
0x9a: {  	s5 =	simm.s32 $_size__tile_overlayer_lowered;
	s6 =	simm.s32 $_tile_overlayer_lowered  }
0x9b: {  	s22 =	simm.s32 $0x1BFF;
	s21 =	sshll.u32 s6, $0x1;
	s3 =	sadd.s32 s4, s19  }
0x9c: {  	s7 =	simm.s32 $0x0;
	s20 =	sshll.u32 s5, $0x1;
	s5 =	sadd.s32 s21, s3  }
0x9d: {  	[timem:s7], [sflag:s22] =	dma.local [hbm:s5], s20  }
0x9e: {  	_ =	swait.ge [sflag:s22], s20  }
0x9f: {  	s4 =	ssub.s32 $0x0, s20;
	[sflag:s22] =	ssyncset.done $0x0  }
0xa0: {  	[sflag:s22] =	ssyncadd.s32 s4;
	_ =	sdelay $0x1  }
0xa1: {  	s23 =	simm.s32 $0x1B8B  }
0xa2: {  	_ =	swait.ge [sflag:s23], $0x1  }
0xa3: {  	[sflag:s23] =	ssyncset.done $0x0  }
0xa4: {  	s25 =	simm.s32 $0x1B8E;
	s24 =	sld [smem:$0x3FFE];
	[sflag:s23] =	ssyncadd.s32 $0xFFFFFFFF  }
0xa5: {  	s26 =	simm.s32 $execute0_lowered;
	[smem:$0x3FD2] =	sst s25  }
0xa6: {  	s5 =	sshll.u32 s26, $0x1;
	_ =	strace $0x8000004C;
	[dreg:$0x1] =	wrdreg $0xFFFFFFFF  }
0xa7: {  	s28 =	simm.s32 $_size_execute0_lowered;
	s3 =	sadd.s32 s3, s5;
	[dreg:$0x0] =	wrdreg $0x0  }
0xa8: {  	s5 =	sshll.u32 s28, $0x1;
	[dreg:$0x2] =	wrdreg s3  }
0xa9: {  	[dreg:$0x3] =	wrdreg s5  }
0xaa: {  	[dreg:$0x4] =	wrdreg $0xC0  }
0xab: {  	_ =	task [dreg:s7], $0x5FFFF  }
0xac: {  	[dreg:$0x1] =	wrdreg $0xFFFFFFFF  }
0xad: {  	[dreg:$0x0] =	wrdreg $0x60  }
0xae: {  	[dreg:$0x2] =	wrdreg s2  }
0xaf: {  	[dreg:$0x3] =	wrdreg s24  }
0xb0: {  	[dreg:$0x4] =	wrdreg $0x76200  }
0xb1: {  	[dreg:$0x5] =	wrdreg $0x9  }
0xb2: {  	_ =	task.clear_ibuf [dreg:s7], $0x6FFFF;
	_ =	strace $0x9000004C  }
0xb3: {  	s29 =	simm.s32 $0x9;
	_ =	strace $0x8000004E  }
0xb4: {  	_ =	swait.ge [sflag:s29], $0x1  }
0xb5: {  	[sflag:s29] =	ssyncadd.s32 $0xFFFFFFFF  }
0xb6: {  	_ =	strace $0x9000004E  }
0xb7: {  	_ =	sfence  }
0xb8: {  	s30 =	sld [smem:$0x0];
	_ =	sdelay $0x2  }
0xb9: {  	s31 =	sshll.u32 s1, $0xD;
	s1 =	sshrl.u32 s1, $0x2  }
0xba: {  	s3 =	sand.u32 $0x4000, s31;
	s1 =	sadd.s32 s1, s30  }
0xbb: {  	s0 =	sor.u32 s3, s0;
	s1 =	sshll.u32 s1, $0x11  }
0xbc: {  	s0 =	sor.u32 s1, s0  }
0xbd: {  	s0 =	sadd.s32 $0x8F2B, s0  }
0xbe: {  	[sflag:s0] =	ssyncadd.remote.s32 $0x1  }
0xbf: {  	_ =	sfence.sel $0xFFFF  }
0xc0: {  	[dreg:$0x0] =	wrdreg $0xFFFFFFFF;
	(pc) =	sbr.abs _section_cstart, $3  }
0xc1: {  	[dreg:$0x1] =	wrdreg $0xFFFFFFFF  }
0xc2: {  	_ =	task.clear_ibuf [dreg:s7], $0x2FFFF;
	_ =	strace $0x9FFFFFFF  }
0xc3: {  	(tm) =	ssettm $0x7FFFFFFF  }
tec
execute0_lowered:
.L_overlay_start_1:
0x0: {  	(tag) =	ssettag $0x1  }
0x1: {  	s1 =	rddreg [dreg:$0x0]  }
0x2: {  	s6 =	rddreg [dreg:$0x1]  }
0x3: {  	s0 =	srdreg.scid;
	s3 =	rddreg [dreg:$0x2]  }
0x4: {  	s4 =	simm.s32 $0x0;
	s17 =	simm.s32 $0x2710;
	s18 =	simm.s32 $0x4E20  }
0x5: {  	s19 =	simm.s32 $0x3;
	s20 =	simm.s32 $0x1;
	s21 =	simm.s32 $0x2  }
0x6: {  	s22 =	simm.s32 $0x50;
	s23 =	simm.s32 $0x6220;
	s24 =	simm.s32 $0x4D30  }
0x7: {  	s25 =	simm.s32 $0x26C0;
	s5 =	sand.u32 $0x1, s0;
	s0 =	stileid.u32  }
0x8: {  	s26 =	simm.s32 $0x4D80;
	s28 =	simm.s32 $0x4DD0;
	s8 =	smul.u32 $0x1400, s0  }
0x9: {  	s29 =	simm.s32 $0x0;
	s2 =	sshll.u32 s5, $0x4;
	s9 =	smul.u32 $0x14000, s5  }
0xa: {  	s5 =	ssub.s32 $0x2, s5;
	s10 =	smul.u32 $0x28000, s0;
	s2 =	sor.u32 s0, s2  }
0xb: {  	[smem:$0x7FF] =	sst s4;
	s30 =	sshrl.u32 s5, $0x1;
	s7 =	smul.u32 $0x4E2, s2  }
0xc: {  	_ =	strace $0x8000004D;
	s8 =	sadd.s32 s8, s9;
	s16 =	ssub.s32 s5, s30  }
0xd: {  	s31 =	sshrl.u32 s10, $0x2;
	s15 =	sadd.s32 s8, s6;
	s7 =	sadd.s32 s7, s6  }
0xe: {  	s5 =	sadd.s32 $0xCE00, s7;
	s6 =	sadd.s32 $0x3000, s7;
	s7 =	sadd.s32 s31, s3  }
0xf: {  	s16 =	smax.u32 s16, $0x1;
	s15 =	sadd.s32 $0x16C00, s15;
	s8 =	sadd.s32 $0x1400, s7  }
0x10: {  	s9 =	sadd.s32 $0x2800, s7;
	s10 =	sadd.s32 $0x3C00, s7;
	s11 =	sadd.s32 $0x5000, s7  }
0x11: {  	v0 =	vimm.f32 $0.0e+00;
	s12 =	sadd.s32 $0x6400, s7;
	s13 =	sadd.s32 $0x7800, s7;
	s14 =	sadd.s32 $0x8C00, s7  }
.LBB2_1:
0x12: {  	[tilespmem:s4], [sflag:$0x1] =	stream.linear.gather [hbm4b:s5+s4], $0x2710, $0x38;
	[tilespmem:$0x11620] =	vst v63  }
0x13: {  	s31 =	simm.s32 $0x100;
	s30 =	simm.s32 $0x0  }
0x14: {  	[tilespmem:s17], [sflag:$0x2] =	stream.linear.gather [hbm4b:s6+s4], $0x2710, $0x38;
	[tilespmem:$0x11620] =	vst v63  }
.LBB2_2:
0x15: {  	p0 =	sne.s32 s31, $0x4F00;
	[tilespmem:s30+$0x4E50] =	vst v0;
	s2 =	smov.u32 s31;
	s31 =	sadd.s32 $0x100, s31  }
.Ltmp0:
0x16: {  	[tilespmem:s30+$0x4E40] =	vst v0;
	(pc) =	sbr.rel @p0 .LBB2_2-.Ltmp0, $3  }
0x17: {  	[tilespmem:s30+$0x4E20] =	vst v0  }
0x18: {  	[tilespmem:s30+$0x4E30] =	vst v0;
	_ =	sdelay $0x1  }
0x19: {  	s30 =	sshra.s32 s2, $0x2  }
0x1a: {  	[tilespmem:s30+$0x4E50] =	vst v0  }
0x1b: {  	[tilespmem:s30+$0x4E40] =	vst v0  }
0x1c: {  	[tilespmem:s30+$0x4E20] =	vst v0  }
0x1d: {  	[tilespmem:s30+$0x4E30] =	vst v0  }
0x1e: {  	[spmem:s7] =	stream.linear.scatter [tilespmem:s18], [sflag:$0x3], $0x1400, $0x38;
	[tilespmem:$0x11620] =	vst v63  }
0x1f: {  	_ =	swait.ge [sflag:s19], $0x1400  }
0x20: {  	[sflag:s19] =	ssyncset.done $0x0  }
0x21: {  	[sflag:s19] =	ssyncadd.s32 $0xFFFFEC00  }
0x22: {  	[spmem:s8] =	stream.linear.scatter [tilespmem:s18], [sflag:$0x3], $0x1400, $0x38;
	[tilespmem:$0x11620] =	vst v63  }
0x23: {  	_ =	swait.ge [sflag:s19], $0x1400  }
0x24: {  	[sflag:s19] =	ssyncset.done $0x0  }
0x25: {  	[sflag:s19] =	ssyncadd.s32 $0xFFFFEC00  }
0x26: {  	[spmem:s9] =	stream.linear.scatter [tilespmem:s18], [sflag:$0x3], $0x1400, $0x38;
	[tilespmem:$0x11620] =	vst v63  }
0x27: {  	_ =	swait.ge [sflag:s19], $0x1400  }
0x28: {  	[sflag:s19] =	ssyncset.done $0x0  }
0x29: {  	[sflag:s19] =	ssyncadd.s32 $0xFFFFEC00  }
0x2a: {  	[spmem:s10] =	stream.linear.scatter [tilespmem:s18], [sflag:$0x3], $0x1400, $0x38;
	[tilespmem:$0x11620] =	vst v63  }
0x2b: {  	_ =	swait.ge [sflag:s19], $0x1400  }
0x2c: {  	[sflag:s19] =	ssyncset.done $0x0  }
0x2d: {  	[sflag:s19] =	ssyncadd.s32 $0xFFFFEC00  }
0x2e: {  	[spmem:s11] =	stream.linear.scatter [tilespmem:s18], [sflag:$0x3], $0x1400, $0x38;
	[tilespmem:$0x11620] =	vst v63  }
0x2f: {  	_ =	swait.ge [sflag:s19], $0x1400  }
0x30: {  	[sflag:s19] =	ssyncset.done $0x0  }
0x31: {  	[sflag:s19] =	ssyncadd.s32 $0xFFFFEC00  }
0x32: {  	[spmem:s12] =	stream.linear.scatter [tilespmem:s18], [sflag:$0x3], $0x1400, $0x38;
	[tilespmem:$0x11620] =	vst v63  }
0x33: {  	_ =	swait.ge [sflag:s19], $0x1400  }
0x34: {  	[sflag:s19] =	ssyncset.done $0x0  }
0x35: {  	[sflag:s19] =	ssyncadd.s32 $0xFFFFEC00  }
0x36: {  	[spmem:s13] =	stream.linear.scatter [tilespmem:s18], [sflag:$0x3], $0x1400, $0x38;
	[tilespmem:$0x11620] =	vst v63  }
0x37: {  	_ =	swait.ge [sflag:s19], $0x1400  }
0x38: {  	[sflag:s19] =	ssyncset.done $0x0  }
0x39: {  	[sflag:s19] =	ssyncadd.s32 $0xFFFFEC00  }
0x3a: {  	[spmem:s14] =	stream.linear.scatter [tilespmem:s18], [sflag:$0x3], $0x1400, $0x38;
	[tilespmem:$0x11620] =	vst v63  }
0x3b: {  	_ =	swait.ge [sflag:s19], $0x1400  }
0x3c: {  	[sflag:s19] =	ssyncset.done $0x0  }
0x3d: {  	[sflag:s19] =	ssyncadd.s32 $0xFFFFEC00  }
0x3e: {  	_ =	swait.ge [sflag:s20], $0x2710  }
0x3f: {  	[sflag:s20] =	ssyncset.done $0x0  }
0x40: {  	[sflag:s20] =	ssyncadd.s32 $0xFFFFD8F0  }
0x41: {  	_ =	swait.ge [sflag:s21], $0x2710  }
0x42: {  	[sflag:s21] =	ssyncset.done $0x0  }
0x43: {  	[sflag:s21] =	ssyncadd.s32 $0xFFFFD8F0  }
0x44: {  	s2 =	simm.s32 $0x0;
	[bflag:$0x0] =	sbarrier.arrive $0xFFFF  }
0x45: {  	[tilespmem:s18], [sflag:$0x1] =	stream.indirect.gather [hbm4b:s1+s22], $0x40, s2, s22, $0xb8;
	[tilespmem:$0x11620] =	vst v63  }
0x46: {  	_ = 	snop  }
0x47: {  	[tilespmem:s23], [sflag:$0x2] =	stream.indirect.gather [hbm4b:s1+s22], $0x40, s22, s22, $0xb8;
	[tilespmem:$0x11620] =	vst v63  }
0x48: {  	_ =	swait.ge [sflag:s20], $0x1400  }
0x49: {  	[sflag:s20] =	ssyncset.done $0x0  }
0x4a: {  	s2 =	simm.s32 $0x2710;
	[sflag:s20] =	ssyncadd.s32 $0xFFFFEC00  }
0x4b: {  	[spmem:s3] =	stream.indirect.scatter.add.f32 [tilespmem:s18], [sflag:$0x3], $0x40, s2, s22, $0xb8;
	[tilespmem:$0x11620] =	vst v63  }
0x4c: {  	_ =	swait.ge [sflag:s19], $0x1400  }
0x4d: {  	[sflag:s19] =	ssyncset.done $0x0  }
0x4e: {  	s2 =	simm.s32 $0xA0;
	[sflag:s19] =	ssyncadd.s32 $0xFFFFEC00  }
0x4f: {  	[tilespmem:s18], [sflag:$0x1] =	stream.indirect.gather [hbm4b:s1+s22], $0x40, s2, s22, $0xb8;
	[tilespmem:$0x11620] =	vst v63  }
0x50: {  	_ =	swait.ge [sflag:s21], $0x1400  }
0x51: {  	[sflag:s21] =	ssyncset.done $0x0  }
0x52: {  	s2 =	simm.s32 $0x2760;
	[sflag:s21] =	ssyncadd.s32 $0xFFFFEC00  }
0x53: {  	[spmem:s3] =	stream.indirect.scatter.add.f32 [tilespmem:s23], [sflag:$0x3], $0x40, s2, s22, $0xb8;
	[tilespmem:$0x11620] =	vst v63  }
0x54: {  	_ =	swait.ge [sflag:s19], $0x1400  }
0x55: {  	[sflag:s19] =	ssyncset.done $0x0  }
0x56: {  	s30 =	simm.s32 $0x280;
	s31 =	simm.s32 $0xF0;
	[sflag:s19] =	ssyncadd.s32 $0xFFFFEC00  }
.LBB2_4:
0x57: {  	[tilespmem:s23], [sflag:$0x2] =	stream.indirect.gather [hbm4b:s1+s22], $0x40, s31, s22, $0xb8;
	[tilespmem:$0x11620] =	vst v63  }
0x58: {  	s2 =	smov.u32 s30  }
0x59: {  	p0 =	sne.s32 s30, $0x9600;
	s30 =	sadd.s32 $0x280, s30;
	_ =	swait.ge [sflag:s20], $0x1400  }
0x5a: {  	s2 =	sshra.s32 s2, $0x2;
	[sflag:s20] =	ssyncset.done $0x0  }
0x5b: {  	s31 =	sadd.s32 $0x2710, s2;
	[sflag:s20] =	ssyncadd.s32 $0xFFFFEC00  }
0x5c: {  	[spmem:s3] =	stream.indirect.scatter.add.f32 [tilespmem:s18], [sflag:$0x3], $0x40, s31, s22, $0xb8;
	[tilespmem:$0x11620] =	vst v63  }
0x5d: {  	_ =	swait.ge [sflag:s19], $0x1400  }
0x5e: {  	[sflag:s19] =	ssyncset.done $0x0  }
0x5f: {  	s31 =	sadd.s32 $0xA0, s2;
	[sflag:s19] =	ssyncadd.s32 $0xFFFFEC00  }
0x60: {  	[tilespmem:s18], [sflag:$0x1] =	stream.indirect.gather [hbm4b:s1+s22], $0x40, s31, s22, $0xb8;
	[tilespmem:$0x11620] =	vst v63  }
0x61: {  	_ =	swait.ge [sflag:s21], $0x1400  }
0x62: {  	[sflag:s21] =	ssyncset.done $0x0  }
.Ltmp1:
0x63: {  	s31 =	sadd.s32 $0x2760, s2;
	[sflag:s21] =	ssyncadd.s32 $0xFFFFEC00;
	(pc) =	sbr.rel @p0 .LBB2_4-.Ltmp1, $4  }
0x64: {  	[spmem:s3] =	stream.indirect.scatter.add.f32 [tilespmem:s23], [sflag:$0x3], $0x40, s31, s22, $0xb8;
	[tilespmem:$0x11620] =	vst v63  }
0x65: {  	_ =	swait.ge [sflag:s19], $0x1400  }
0x66: {  	[sflag:s19] =	ssyncset.done $0x0  }
0x67: {  	s31 =	sadd.s32 $0xF0, s2;
	[sflag:s19] =	ssyncadd.s32 $0xFFFFEC00  }
0x68: {  	[tilespmem:s23], [sflag:$0x2] =	stream.indirect.gather [hbm4b:s1+s22], $0x40, s31, s22, $0xb8;
	[tilespmem:$0x11620] =	vst v63  }
0x69: {  	_ =	swait.ge [sflag:s20], $0x1400  }
0x6a: {  	[sflag:s20] =	ssyncset.done $0x0  }
0x6b: {  	[sflag:s20] =	ssyncadd.s32 $0xFFFFEC00  }
0x6c: {  	[spmem:s3] =	stream.indirect.scatter.add.f32 [tilespmem:s18], [sflag:$0x3], $0x40, s24, s22, $0xb8;
	[tilespmem:$0x11620] =	vst v63  }
0x6d: {  	_ =	swait.ge [sflag:s19], $0x1400  }
0x6e: {  	[sflag:s19] =	ssyncset.done $0x0  }
0x6f: {  	[sflag:s19] =	ssyncadd.s32 $0xFFFFEC00  }
0x70: {  	[tilespmem:s18], [sflag:$0x1] =	stream.indirect.gather [hbm4b:s1+s22], $0x40, s25, s22, $0xb8;
	[tilespmem:$0x11620] =	vst v63  }
0x71: {  	_ =	swait.ge [sflag:s21], $0x1400  }
0x72: {  	[sflag:s21] =	ssyncset.done $0x0  }
0x73: {  	[sflag:s21] =	ssyncadd.s32 $0xFFFFEC00  }
0x74: {  	[spmem:s3] =	stream.indirect.scatter.add.f32 [tilespmem:s23], [sflag:$0x3], $0x40, s26, s22, $0xb8;
	[tilespmem:$0x11620] =	vst v63  }
0x75: {  	_ =	swait.ge [sflag:s19], $0x1400  }
0x76: {  	[sflag:s19] =	ssyncset.done $0x0  }
0x77: {  	[sflag:s19] =	ssyncadd.s32 $0xFFFFEC00  }
0x78: {  	_ =	swait.ge [sflag:s20], $0x1400  }
0x79: {  	[sflag:s20] =	ssyncset.done $0x0  }
0x7a: {  	[sflag:s20] =	ssyncadd.s32 $0xFFFFEC00  }
0x7b: {  	[spmem:s3] =	stream.indirect.scatter.add.f32 [tilespmem:s18], [sflag:$0x3], $0x40, s28, s22, $0xb8;
	[tilespmem:$0x11620] =	vst v63  }
0x7c: {  	_ =	swait.ge [sflag:s19], $0x1400  }
0x7d: {  	s2 =	sshll.u32 s0, $0x6;
	s29 =	sadd.s32 $0x1, s29;
	[sflag:s19] =	ssyncset.done $0x0  }
0x7e: {  	s30 =	sshrl.u32 s7, $0x3;
	p0 =	sne.s32 s29, s16;
	[sflag:s19] =	ssyncadd.s32 $0xFFFFEC00  }
.Ltmp2:
0x7f: {  	s2 =	sor.u32 $0x1C03, s2;
	[bflag:$0x0] =	sbarrier.arrive $0xFFFF;
	(pc) =	sbr.rel @p0 .LBB2_1-.Ltmp2, $4  }
0x80: {  	[hbm:s15], [sflag:s2] =	dma.local [spmem:s30], $0x1400  }
0x81: {  	_ =	swait.ge [sflag:s19], $0x1400  }
0x82: {  	[sflag:s19] =	ssyncset.done $0x0  }
0x83: {  	[sflag:s19] =	ssyncadd.s32 $0xFFFFEC00  }
0x84: {  	_ =	sfence.sel $0x180000  }
0x85: {  	[bflag:$0x0] =	sbarrier.arrive $0xFFFF  }
0x86: {  	_ =	strace $0x9000004D  }
0x87: {  	[bflag:$0x2] =	sbarrier.arrive $0xFFFF  }
0x88: {  	p0 =	sne.s32 s0, $0x0;
	s0 =	rddreg [dreg:$0x3]  }
0x89: {  	s0 =	sadd.s32 @!p0 $0x100000, s0  }
0x8a: {  	[sflag:s0] =	ssyncadd.tile.s32 @!p0 $0x1;
	_ =	shalt  }
.Lfunc_end2:
_tile_overlayer_lowered:
.L_overlay_start_2:
0x8b: {  	(tag) =	ssettag $0x2  }
0x8c: {  	s0 =	rddreg [dreg:$0x0];
	s2 =	stileid.u32  }
0x8d: {  	s1 =	rddreg [dreg:$0x1];
	p0 =	sne.s32 s2, $0x0  }
0x8e: {  	s3 =	rddreg [dreg:$0x2];
	[bflag:$0x3] =	sbarrier.arrive $0xFFFF;
	s2 =	simm.s32 @!p0 $0x1C03  }
0x8f: {  	[timem:s3], [sflag:s2] =	dma.local @!p0 [hbm:s0], s1  }
0x90: {  	s0 =	simm.s32 @!p0 $0x3  }
0x91: {  	_ =	swait.ge @!p0 [sflag:s0], s1  }
0x92: {  	s1 =	ssub.s32 @!p0 $0x0, s1;
	[sflag:s0] =	ssyncset.done @!p0 $0x0  }
0x93: {  	[sflag:s0] =	ssyncadd.s32 @!p0 s1  }
0x94: {  	[bflag:$0x3] =	sbarrier.arrive $0xFFFF  }
0x95: {  	_ =	shalt  }

// kernel: kernel.9.cloned.1.call-start
scs
__scs_entry_jumppad:
0x0: {  	(pc) =	sbr.rel $0x88, $3  }
0x1: {  	(tag) =	ssettag $0x0;
	lr =	simm.s32 $0x1  }
0x2: {  	[smem:$0x3F96] =	sst lr;
	_ =	strace $0xD0000000  }
0x3: {  	_ = 	snop  }
0x4: {  	_ = 	snop  }
0x5: {  	_ = 	snop  }
0x6: {  	_ = 	snop  }
0x7: {  	_ = 	snop  }
__scs_overlays_trampoline_lowered:
0x8: {  	[smem:$0x3FA5] =	sst s0  }
0x9: {  	[smem:$0x3FA6] =	sst s1  }
0xa: {  	[smem:$0x3FA7] =	sst s2  }
0xb: {  	[smem:$0x3FA8] =	sst s3  }
0xc: {  	[smem:$0x3FA9] =	sst s4  }
0xd: {  	[smem:$0x3FAA] =	sst s5  }
0xe: {  	[smem:$0x3FAB] =	sst s6  }
0xf: {  	[smem:$0x3FAC] =	sst s7  }
0x10: {  	[smem:$0x3FAD] =	sst s8  }
0x11: {  	[smem:$0x3FAE] =	sst s9;
	s0 =	simm.s32 @!p0 $0x0  }
0x12: {  	s1 =	sld [smem:$0x3F94];
	s0 =	simm.s32 @p0 $0x1  }
0x13: {  	[smem:$0x3FAF] =	sst s0;
	s0 =	simm.s32 @!p1 $0x0  }
0x14: {  	s2 =	sld [smem:$0x3F93];
	s0 =	simm.s32 @p1 $0x1  }
0x15: {  	[smem:$0x3FB0] =	sst s0;
	s0 =	simm.s32 @!p2 $0x0  }
0x16: {  	s3 =	sld [smem:$0x3FDB];
	s0 =	simm.s32 @p2 $0x1  }
0x17: {  	s4 =	simm.s32 $0x1BF5;
	[smem:$0x3FB2] =	sst s0  }
0x18: {  	s0 =	sld [smem:$0x3F95];
	_ =	swait.ge [sflag:s4], $0x0  }
0x19: {  	s7 =	sld [smem:$0x3F96]  }
0x1a: {  	s8 =	sadd.s32 $0xFFFFE003, lr  }
0x1b: {  	s9 =	sadd.s32 $0xFFFFFEF7, lr;
	s5 =	simm.s32 $0xFFFFFFFF;
	p2 =	slt.u32 s8, $0xFFFFF086  }
0x1c: {  	p1 =	slt.u32 s9, $0xF7A;
	s5 =	simm.s32 @!p2 $0x0  }
0x1d: {  	s5 =	simm.s32 @p1 $0x1;
	p0 =	seq.s32 s7, s2  }
0x1e: {  	s7 =	smul.u32 @!p0 $0xF7A, s2;
	p2 =	seq.s32 @!p0 s5, $0x0  }
0x1f: {  	s9 =	smul.u32 $0xF7A, s1;
	s8 =	simm.s32 @!p0 $0x1BF5;
	p2 =	por !p2, p0  }
0x20: {  	[sflag:s8] =	ssyncset.s32 @!p0 $0xFFFFF086;
	s6 =	sadd.s32 @!p0 s3, s7;
	s7 =	simm.s32 @!p0 $0x108  }
0x21: {  	s3 =	sadd.s32 s3, s9;
	s6 =	sadd.s32 @!p0 $0x88, s6;
	s7 =	simm.s32 @p2 $0x1082  }
0x22: {  	[simem:s7], [sflag:s8] =	dma.local @!p0 [hbm:s6], $0xF7A  }
0x23: {  	s9 =	sor.u32 $0xD0000000, s2;
	s6 =	simm.s32 $0x108;
	_ =	swait.ge @!p0 [sflag:s8], $0x0  }
0x24: {  	s3 =	sadd.s32 $0x88, s3;
	s6 =	simm.s32 @!p1 $0x1082;
	[sflag:s4] =	ssyncset.s32 $0xFFFFF086  }
0x25: {  	[simem:s6], [sflag:s4] =	dma.local [hbm:s3], $0xF7A  }
0x26: {  	[smem:$0x3F96] =	sst s1;
	(tag) =	ssettag s2;
	_ =	strace s9  }
0x27: {  	s1 =	sld [smem:$0x3FA6]  }
0x28: {  	s2 =	sld [smem:$0x3FA7]  }
0x29: {  	s4 =	sld [smem:$0x3FA9]  }
0x2a: {  	p0 =	seq.s32 s5, $0x0;
	s5 =	sld [smem:$0x3FAA]  }
0x2b: {  	s6 =	sld [smem:$0x3FAB]  }
0x2c: {  	s7 =	sld [smem:$0x3FAC]  }
0x2d: {  	s3 =	simm.s32 $0x108;
	s8 =	sld [smem:$0x3FAD]  }
0x2e: {  	s3 =	simm.s32 @!p0 $0x1082;
	s9 =	sld [smem:$0x3FAE]  }
0x2f: {  	lr =	sadd.s32 s0, s3;
	s0 =	sld [smem:$0x3FA5]  }
0x30: {  	s3 =	sld [smem:$0x3FA8]  }
0x31: {  	[smem:$0x3FB1] =	sst s10  }
0x32: {  	s10 =	sld [smem:$0x3FAF];
	_ =	sdelay $0x3  }
0x33: {  	p0 =	seq.s32 s10, $0x1;
	s10 =	sld [smem:$0x3FB1];
	_ =	sdelay $0x3  }
0x34: {  	[smem:$0x3FB1] =	sst s10  }
0x35: {  	s10 =	sld [smem:$0x3FB0];
	_ =	sdelay $0x3  }
0x36: {  	p1 =	seq.s32 s10, $0x1;
	s10 =	sld [smem:$0x3FB1];
	_ =	sdelay $0x3  }
0x37: {  	[smem:$0x3FB1] =	sst s10  }
0x38: {  	s10 =	sld [smem:$0x3FB2]  }
0x39: {  	_ = 	snop;
	(pc) =	sbr.ind lr, $3  }
0x3a: {  	_ = 	snop  }
0x3b: {  	_ = 	snop  }
0x3c: {  	p2 =	seq.s32 s10, $0x1;
	s10 =	sld [smem:$0x3FB1]  }
0x3d: {  	_ =	shalt  }
0x3e: {  	_ =	shalt  }
0x3f: {  	_ =	shalt  }
0x40: {  	_ =	shalt  }
0x41: {  	_ =	shalt  }
0x42: {  	_ =	shalt  }
0x43: {  	_ =	shalt  }
0x44: {  	_ =	shalt  }
0x45: {  	_ =	shalt  }
0x46: {  	_ =	shalt  }
0x47: {  	_ =	shalt  }
0x48: {  	_ =	shalt  }
0x49: {  	_ =	shalt  }
0x4a: {  	_ =	shalt  }
0x4b: {  	_ =	shalt  }
0x4c: {  	_ =	shalt  }
0x4d: {  	_ =	shalt  }
0x4e: {  	_ =	shalt  }
0x4f: {  	_ =	shalt  }
0x50: {  	_ =	shalt  }
0x51: {  	_ =	shalt  }
0x52: {  	_ =	shalt  }
0x53: {  	_ =	shalt  }
0x54: {  	_ =	shalt  }
0x55: {  	_ =	shalt  }
0x56: {  	_ =	shalt  }
0x57: {  	_ =	shalt  }
0x58: {  	_ =	shalt  }
0x59: {  	_ =	shalt  }
0x5a: {  	_ =	shalt  }
0x5b: {  	_ =	shalt  }
0x5c: {  	_ =	shalt  }
0x5d: {  	_ =	shalt  }
0x5e: {  	_ =	shalt  }
0x5f: {  	_ =	shalt  }
0x60: {  	_ =	shalt  }
0x61: {  	_ =	shalt  }
0x62: {  	_ =	shalt  }
0x63: {  	_ =	shalt  }
0x64: {  	_ =	shalt  }
0x65: {  	_ =	shalt  }
0x66: {  	_ =	shalt  }
0x67: {  	_ =	shalt  }
0x68: {  	_ =	shalt  }
0x69: {  	_ =	shalt  }
0x6a: {  	_ =	shalt  }
0x6b: {  	_ =	shalt  }
0x6c: {  	_ =	shalt  }
0x6d: {  	_ =	shalt  }
0x6e: {  	_ =	shalt  }
0x6f: {  	_ =	shalt  }
0x70: {  	_ =	shalt  }
0x71: {  	_ =	shalt  }
0x72: {  	_ =	shalt  }
0x73: {  	_ =	shalt  }
0x74: {  	_ =	shalt  }
0x75: {  	_ =	shalt  }
0x76: {  	_ =	shalt  }
0x77: {  	_ =	shalt  }
0x78: {  	_ =	shalt  }
0x79: {  	_ =	shalt  }
0x7a: {  	_ =	shalt  }
0x7b: {  	_ =	shalt  }
0x7c: {  	_ =	shalt  }
0x7d: {  	_ =	shalt  }
0x7e: {  	_ =	shalt  }
0x7f: {  	_ =	shalt  }
0x80: {  	_ =	shalt  }
0x81: {  	_ =	shalt  }
0x82: {  	_ =	shalt  }
0x83: {  	_ =	shalt  }
0x84: {  	_ =	shalt  }
0x85: {  	_ =	shalt  }
0x86: {  	_ =	shalt  }
0x87: {  	_ =	shalt  }
.Lfunc_end0:
.L_simem_size_0:
called_computation_lowered:
.L_overlay_start_0:
0x88: {  	s2 =	sld [smem:$0x3FD9]  }
0x89: {  	s3 =	sld [smem:$0x3FFE];
	_ =	sdelay $0x1  }
0x8a: {  	s1 =	srdreg.scid  }
0x8b: {  	s0 =	sand.u32 $0x1, s1  }
0x8c: {  	s17 =	sshll.u32 s0, $0xA;
	s2 =	sadd.s32 s3, s2  }
0x8d: {  	s2 =	sadd.s32 s2, s17  }
0x8e: {  	[smem:$0x3FBD] =	sst s2  }
0x8f: {  	_ = 	snop  }
0x90: {  	s2 =	sld [smem:$0x3FD0];
	(tm) =	ssettm $0x1  }
0x91: {  	s18 =	sld [smem:$0x3FFB];
	_ =	sdelay $0x3  }
0x92: {  	_ =	strace s18  }
0x93: {  	s3 =	sld [smem:$0x3FFC];
	_ =	sdelay $0x3  }
0x94: {  	_ =	strace s3  }
0x95: {  	s3 =	sld [smem:$0x3FFD];
	_ =	sdelay $0x3  }
0x96: {  	_ =	strace s3  }
0x97: {  	_ =	strace $0x8FFFFFFF  }
0x98: {  	s19 =	sld [smem:$0x3FDB];
	_ =	sdelay $0x1  }
0x99: {  	s4 =	simm.s32 $_scs_section_size  }
0x9a: {  	s5 =	simm.s32 $_size__tile_overlayer_lowered;
	s6 =	simm.s32 $_tile_overlayer_lowered  }
0x9b: {  	s22 =	simm.s32 $0x1BFF;
	s21 =	sshll.u32 s6, $0x1;
	s3 =	sadd.s32 s4, s19  }
0x9c: {  	s7 =	simm.s32 $0x0;
	s20 =	sshll.u32 s5, $0x1;
	s5 =	sadd.s32 s21, s3  }
0x9d: {  	[timem:s7], [sflag:s22] =	dma.local [hbm:s5], s20  }
0x9e: {  	_ =	swait.ge [sflag:s22], s20  }
0x9f: {  	s4 =	ssub.s32 $0x0, s20;
	[sflag:s22] =	ssyncset.done $0x0  }
0xa0: {  	[sflag:s22] =	ssyncadd.s32 s4;
	_ =	sdelay $0x1  }
0xa1: {  	s23 =	simm.s32 $0x1B8B  }
0xa2: {  	_ =	swait.ge [sflag:s23], $0x1  }
0xa3: {  	[sflag:s23] =	ssyncset.done $0x0  }
0xa4: {  	s25 =	simm.s32 $0x1B8E;
	s24 =	sld [smem:$0x3FFE];
	[sflag:s23] =	ssyncadd.s32 $0xFFFFFFFF  }
0xa5: {  	s26 =	simm.s32 $execute0_lowered;
	[smem:$0x3FD2] =	sst s25  }
0xa6: {  	s5 =	sshll.u32 s26, $0x1;
	_ =	strace $0x80000046;
	[dreg:$0x1] =	wrdreg $0xFFFFFFFF  }
0xa7: {  	s28 =	simm.s32 $_size_execute0_lowered;
	s3 =	sadd.s32 s3, s5;
	[dreg:$0x0] =	wrdreg $0x0  }
0xa8: {  	s5 =	sshll.u32 s28, $0x1;
	[dreg:$0x2] =	wrdreg s3  }
0xa9: {  	[dreg:$0x3] =	wrdreg s5  }
0xaa: {  	[dreg:$0x4] =	wrdreg $0xC0  }
0xab: {  	_ =	task [dreg:s7], $0x5FFFF  }
0xac: {  	[dreg:$0x1] =	wrdreg $0xFFFFFFFF  }
0xad: {  	[dreg:$0x0] =	wrdreg $0x60  }
0xae: {  	[dreg:$0x2] =	wrdreg s24  }
0xaf: {  	[dreg:$0x3] =	wrdreg s2  }
0xb0: {  	[dreg:$0x4] =	wrdreg $0xB7800  }
0xb1: {  	[dreg:$0x5] =	wrdreg $0x1F8800  }
0xb2: {  	[dreg:$0x6] =	wrdreg $0x9  }
0xb3: {  	_ =	task.clear_ibuf [dreg:s7], $0x7FFFF;
	_ =	strace $0x90000046  }
0xb4: {  	s29 =	simm.s32 $0x9;
	_ =	strace $0x80000048  }
0xb5: {  	_ =	swait.ge [sflag:s29], $0x1  }
0xb6: {  	[sflag:s29] =	ssyncadd.s32 $0xFFFFFFFF  }
0xb7: {  	_ =	strace $0x90000048  }
0xb8: {  	_ =	sfence  }
0xb9: {  	s30 =	sld [smem:$0x0];
	_ =	sdelay $0x2  }
0xba: {  	s31 =	sshll.u32 s1, $0xD;
	s1 =	sshrl.u32 s1, $0x2  }
0xbb: {  	s3 =	sand.u32 $0x4000, s31;
	s1 =	sadd.s32 s1, s30  }
0xbc: {  	s0 =	sor.u32 s3, s0;
	s1 =	sshll.u32 s1, $0x11  }
0xbd: {  	s0 =	sor.u32 s1, s0  }
0xbe: {  	s0 =	sadd.s32 $0x8F2B, s0  }
0xbf: {  	[sflag:s0] =	ssyncadd.remote.s32 $0x1  }
0xc0: {  	_ =	sfence.sel $0xFFFF  }
0xc1: {  	[dreg:$0x0] =	wrdreg $0xFFFFFFFF;
	(pc) =	sbr.abs _section_cstart, $3  }
0xc2: {  	[dreg:$0x1] =	wrdreg $0xFFFFFFFF  }
0xc3: {  	_ =	task.clear_ibuf [dreg:s7], $0x2FFFF;
	_ =	strace $0x9FFFFFFF  }
0xc4: {  	(tm) =	ssettm $0x7FFFFFFF  }
0xc5: {  	_ =	shalt  }
tec
execute0_lowered:
.L_overlay_start_1:
0x0: {  	(tag) =	ssettag $0x1  }
0x1: {  	s1 =	rddreg [dreg:$0x0]  }
0x2: {  	s0 =	srdreg.scid;
	s4 =	rddreg [dreg:$0x1]  }
0x3: {  	s11 =	stileid.u32;
	s3 =	rddreg [dreg:$0x3];
	s10 =	simm.s32 $0x0  }
0x4: {  	s31 =	simm.s32 $0x6780;
	s28 =	simm.s32 $0x1;
	s29 =	simm.s32 $0x2  }
0x5: {  	s30 =	simm.s32 $0x50;
	s0 =	sand.u32 $0x1, s0;
	s7 =	sshll.u32 s11, $0x7  }
0x6: {  	s9 =	smul.u32 $0x280, s11;
	[smem:$0x7FF] =	sst s10;
	s2 =	sshll.u32 s0, $0x4  }
0x7: {  	s7 =	sand.u32 $0x380, s7;
	s8 =	smul.u32 $0x2800, s0;
	s0 =	ssub.s32 $0x2, s0  }
0x8: {  	s6 =	sor.u32 s11, s2;
	s2 =	rddreg [dreg:$0x2];
	_ =	strace $0x80000047  }
0x9: {  	s14 =	sshrl.u32 s0, $0x1;
	s11 =	smul.u32 $0x50000, s11;
	s18 =	sadd.s32 $0xA0, s9  }
0xa: {  	s19 =	sadd.s32 $0xF0, s9;
	s22 =	sadd.s32 $0x190, s9;
	s23 =	sadd.s32 $0x1E0, s9  }
0xb: {  	s24 =	sadd.s32 $0x230, s9;
	s5 =	sshrl.u32 s6, $0x3;
	s8 =	sadd.s32 s9, s8  }
0xc: {  	s0 =	ssub.s32 s0, s14;
	s6 =	sshll.u32 s6, $0xB;
	s12 =	sshll.u32 s18, $0x7  }
0xd: {  	s18 =	sadd.s32 s18, s3;
	s5 =	smul.u32 $0x13C00, s5;
	s13 =	sshll.u32 s8, $0x4  }
0xe: {  	s8 =	sshrl.u32 s8, $0x3;
	s15 =	sshrl.u32 s11, $0x2;
	s4 =	sadd.s32 s4, s6  }
0xf: {  	s11 =	sadd.s32 $0x140, s9;
	s12 =	sadd.s32 s12, s2;
	s6 =	simm.s32 $0x1F800  }
0x10: {  	s10 =	sadd.s32 s13, s1;
	[dreg:$0x6] =	wrdreg s4;
	s13 =	sshll.u32 s19, $0x7  }
0x11: {  	s14 =	sshll.u32 s11, $0x7;
	[dreg:$0x8] =	wrdreg s12;
	s19 =	sadd.s32 s19, s3  }
0x12: {  	s4 =	simm.s32 $0x8F80;
	s5 =	sor.u32 s7, s5;
	s20 =	sadd.s32 s13, s2  }
0x13: {  	s21 =	sadd.s32 s14, s2;
	s7 =	sshrl.u32 s5, $0x3;
	[dreg:$0x9] =	wrdreg s20  }
0x14: {  	s5 =	sadd.s32 $0x20A00, s1;
	[dreg:$0xa] =	wrdreg s21;
	s20 =	sadd.s32 s11, s3  }
0x15: {  	s21 =	sadd.s32 s22, s3;
	s11 =	simm.s32 $0x0;
	s7 =	sadd.s32 s7, s1  }
0x16: {  	s1 =	sadd.s32 s8, s1;
	s8 =	sadd.s32 s15, s2;
	s7 =	sadd.s32 $0x16C00, s7  }
0x17: {  	s15 =	sshll.u32 s22, $0x7;
	[dreg:$0x5] =	wrdreg s7;
	s7 =	sor.u32 $0x50, s9  }
0x18: {  	s22 =	sadd.s32 s23, s3;
	s15 =	sadd.s32 s15, s2;
	s16 =	sshll.u32 s7, $0x7  }
0x19: {  	[dreg:$0xb] =	wrdreg s15;
	s7 =	sadd.s32 s7, s3;
	s17 =	sadd.s32 s16, s2  }
0x1a: {  	s16 =	sshll.u32 s23, $0x7;
	[dreg:$0xe] =	wrdreg s7;
	s23 =	sadd.s32 s24, s3  }
0x1b: {  	s7 =	simm.s32 $0x6480;
	[dreg:$0x7] =	wrdreg s17;
	s17 =	sshll.u32 s24, $0x7  }
0x1c: {  	s25 =	sadd.s32 s16, s2;
	s16 =	sadd.s32 s9, s3;
	s24 =	sadd.s32 $0x47C00, s10  }
0x1d: {  	s9 =	simm.s32 $0x6500;
	s10 =	simm.s32 $0x6580;
	[dreg:$0xc] =	wrdreg s25  }
0x1e: {  	s26 =	sadd.s32 s17, s2;
	s25 =	sadd.s32 $0x97C00, s1;
	s1 =	simm.s32 $0x3  }
0x1f: {  	v0 =	vimm.f32 $0.0e+00;
	v1 =	vimm.f32 $1.000000000e+00;
	[dreg:$0xd] =	wrdreg s26;
	s26 =	smax.u32 s0, $0x1;
	s0 =	simm.s32 $0x1F780  }
.LBB2_1:
0x20: {  	s12 =	simm.s32 $0x0  }
0x21: {  	s13 =	rddreg [dreg:$0x5];
	s14 =	simm.s32 $0x80;
	s15 =	simm.s32 $0x400  }
0x22: {  	[tilespmem:s12], [sflag:$0x1] =	stream.strided.gather [hbm4b:s13+s14], $0x2780, s15, s14, $0x38;
	[tilespmem:$0x1FB00] =	vst v63  }
0x23: {  	s17 =	simm.s32 $0x2780;
	s15 =	rddreg [dreg:$0x6]  }
0x24: {  	[tilespmem:s17], [sflag:$0x2] =	stream.linear.gather [hbm4b:s15+s12], $0x3E80, $0x38;
	[tilespmem:$0x1FB00] =	vst v63  }
0x25: {  	s13 =	simm.s32 $0x200;
	s12 =	simm.s32 $0x0  }
.LBB2_2:
0x26: {  	p0 =	sne.s32 s13, $0x9E00;
	[tilespmem:s12+$0x67F0] =	vst v0  }
0x27: {  	[tilespmem:s12+$0x6780] =	vst v0  }
0x28: {  	[tilespmem:s12+$0x6790] =	vst v0  }
.Ltmp0:
0x29: {  	[tilespmem:s12+$0x67A0] =	vst v0;
	(pc) =	sbr.rel @p0 .LBB2_2-.Ltmp0, $4  }
0x2a: {  	[tilespmem:s12+$0x67B0] =	vst v0  }
0x2b: {  	[tilespmem:s12+$0x67C0] =	vst v0  }
0x2c: {  	[tilespmem:s12+$0x67D0] =	vst v0  }
0x2d: {  	[tilespmem:s12+$0x67E0] =	vst v0;
	s12 =	sshra.s32 s13, $0x2;
	s13 =	sadd.s32 $0x200, s13  }
0x2e: {  	[tilespmem:s12+$0x67F0] =	vst v0  }
0x2f: {  	[tilespmem:s12+$0x6780] =	vst v0  }
0x30: {  	[tilespmem:s12+$0x6790] =	vst v0  }
0x31: {  	[tilespmem:s12+$0x67A0] =	vst v0  }
0x32: {  	[tilespmem:s12+$0x67B0] =	vst v0  }
0x33: {  	[tilespmem:s12+$0x67C0] =	vst v0  }
0x34: {  	[tilespmem:s12+$0x67D0] =	vst v0  }
0x35: {  	[tilespmem:s12+$0x67E0] =	vst v0  }
0x36: {  	[spmem:s8] =	stream.linear.scatter [tilespmem:s31], [sflag:$0x3], $0x2800, $0x38;
	[tilespmem:$0x1FB00] =	vst v63  }
0x37: {  	_ =	swait.ge [sflag:s1], $0x2800  }
0x38: {  	[sflag:s1] =	ssyncset.done $0x0  }
0x39: {  	s13 =	rddreg [dreg:$0x7];
	[sflag:s1] =	ssyncadd.s32 $0xFFFFD800  }
0x3a: {  	[spmem:s13] =	stream.linear.scatter [tilespmem:s31], [sflag:$0x3], $0x2800, $0x38;
	[tilespmem:$0x1FB00] =	vst v63  }
0x3b: {  	_ =	swait.ge [sflag:s1], $0x2800  }
0x3c: {  	[sflag:s1] =	ssyncset.done $0x0  }
0x3d: {  	s14 =	rddreg [dreg:$0x8];
	[sflag:s1] =	ssyncadd.s32 $0xFFFFD800  }
0x3e: {  	[spmem:s14] =	stream.linear.scatter [tilespmem:s31], [sflag:$0x3], $0x2800, $0x38;
	[tilespmem:$0x1FB00] =	vst v63  }
0x3f: {  	_ =	swait.ge [sflag:s1], $0x2800  }
0x40: {  	[sflag:s1] =	ssyncset.done $0x0  }
0x41: {  	s15 =	rddreg [dreg:$0x9];
	[sflag:s1] =	ssyncadd.s32 $0xFFFFD800  }
0x42: {  	[spmem:s15] =	stream.linear.scatter [tilespmem:s31], [sflag:$0x3], $0x2800, $0x38;
	[tilespmem:$0x1FB00] =	vst v63  }
0x43: {  	_ =	swait.ge [sflag:s1], $0x2800  }
0x44: {  	[sflag:s1] =	ssyncset.done $0x0  }
0x45: {  	s17 =	rddreg [dreg:$0xa];
	[sflag:s1] =	ssyncadd.s32 $0xFFFFD800  }
0x46: {  	[spmem:s17] =	stream.linear.scatter [tilespmem:s31], [sflag:$0x3], $0x2800, $0x38;
	[tilespmem:$0x1FB00] =	vst v63  }
0x47: {  	_ =	swait.ge [sflag:s1], $0x2800  }
0x48: {  	[sflag:s1] =	ssyncset.done $0x0  }
0x49: {  	s13 =	rddreg [dreg:$0xb];
	[sflag:s1] =	ssyncadd.s32 $0xFFFFD800  }
0x4a: {  	[spmem:s13] =	stream.linear.scatter [tilespmem:s31], [sflag:$0x3], $0x2800, $0x38;
	[tilespmem:$0x1FB00] =	vst v63  }
0x4b: {  	_ =	swait.ge [sflag:s1], $0x2800  }
0x4c: {  	[sflag:s1] =	ssyncset.done $0x0  }
0x4d: {  	s14 =	rddreg [dreg:$0xc];
	[sflag:s1] =	ssyncadd.s32 $0xFFFFD800  }
0x4e: {  	[spmem:s14] =	stream.linear.scatter [tilespmem:s31], [sflag:$0x3], $0x2800, $0x38;
	[tilespmem:$0x1FB00] =	vst v63  }
0x4f: {  	_ =	swait.ge [sflag:s1], $0x2800  }
0x50: {  	[sflag:s1] =	ssyncset.done $0x0  }
0x51: {  	s15 =	rddreg [dreg:$0xd];
	[sflag:s1] =	ssyncadd.s32 $0xFFFFD800  }
0x52: {  	[spmem:s15] =	stream.linear.scatter [tilespmem:s31], [sflag:$0x3], $0x2800, $0x38;
	[tilespmem:$0x1FB00] =	vst v63  }
0x53: {  	_ =	swait.ge [sflag:s1], $0x2800  }
0x54: {  	[sflag:s1] =	ssyncset.done $0x0  }
0x55: {  	[sflag:s1] =	ssyncadd.s32 $0xFFFFD800  }
0x56: {  	[tilespmem:$0x1F780] =	vst v0  }
0x57: {  	[tilespmem:$0x1F800] =	vst v1  }
0x58: {  	[tilespmem:$0x1F790] =	vst v0  }
0x59: {  	[tilespmem:$0x1F810] =	vst v1  }
0x5a: {  	[tilespmem:$0x1F7A0] =	vst v0  }
0x5b: {  	[tilespmem:$0x1F820] =	vst v1  }
0x5c: {  	[tilespmem:$0x1F7B0] =	vst v0  }
0x5d: {  	[tilespmem:$0x1F830] =	vst v1  }
0x5e: {  	[tilespmem:$0x1F7C0] =	vst v0  }
0x5f: {  	[tilespmem:$0x1F840] =	vst v1  }
0x60: {  	[spmem:s16] =	stream.linear.scatter [tilespmem:s0], [sflag:$0x3], $0x50, $0x38;
	[tilespmem:$0x1FB00] =	vst v63  }
0x61: {  	_ =	swait.ge [sflag:s1], $0x50  }
0x62: {  	[sflag:s1] =	ssyncset.done $0x0  }
0x63: {  	s17 =	rddreg [dreg:$0xe];
	[sflag:s1] =	ssyncadd.s32 $0xFFFFFFB0  }
0x64: {  	[spmem:s17] =	stream.linear.scatter [tilespmem:s0], [sflag:$0x3], $0x50, $0x38;
	[tilespmem:$0x1FB00] =	vst v63  }
0x65: {  	_ =	swait.ge [sflag:s1], $0x50  }
0x66: {  	[sflag:s1] =	ssyncset.done $0x0  }
0x67: {  	[sflag:s1] =	ssyncadd.s32 $0xFFFFFFB0  }
0x68: {  	[spmem:s18] =	stream.linear.scatter [tilespmem:s0], [sflag:$0x3], $0x50, $0x38;
	[tilespmem:$0x1FB00] =	vst v63  }
0x69: {  	_ =	swait.ge [sflag:s1], $0x50  }
0x6a: {  	[sflag:s1] =	ssyncset.done $0x0  }
0x6b: {  	[sflag:s1] =	ssyncadd.s32 $0xFFFFFFB0  }
0x6c: {  	[spmem:s19] =	stream.linear.scatter [tilespmem:s0], [sflag:$0x3], $0x50, $0x38;
	[tilespmem:$0x1FB00] =	vst v63  }
0x6d: {  	_ =	swait.ge [sflag:s1], $0x50  }
0x6e: {  	[sflag:s1] =	ssyncset.done $0x0  }
0x6f: {  	[sflag:s1] =	ssyncadd.s32 $0xFFFFFFB0  }
0x70: {  	[spmem:s20] =	stream.linear.scatter [tilespmem:s0], [sflag:$0x3], $0x50, $0x38;
	[tilespmem:$0x1FB00] =	vst v63  }
0x71: {  	_ =	swait.ge [sflag:s1], $0x50  }
0x72: {  	[sflag:s1] =	ssyncset.done $0x0  }
0x73: {  	[sflag:s1] =	ssyncadd.s32 $0xFFFFFFB0  }
0x74: {  	[spmem:s21] =	stream.linear.scatter [tilespmem:s0], [sflag:$0x3], $0x50, $0x38;
	[tilespmem:$0x1FB00] =	vst v63  }
0x75: {  	_ =	swait.ge [sflag:s1], $0x50  }
0x76: {  	[sflag:s1] =	ssyncset.done $0x0  }
0x77: {  	[sflag:s1] =	ssyncadd.s32 $0xFFFFFFB0  }
0x78: {  	[spmem:s22] =	stream.linear.scatter [tilespmem:s0], [sflag:$0x3], $0x50, $0x38;
	[tilespmem:$0x1FB00] =	vst v63  }
0x79: {  	_ =	swait.ge [sflag:s1], $0x50  }
0x7a: {  	[sflag:s1] =	ssyncset.done $0x0  }
0x7b: {  	[sflag:s1] =	ssyncadd.s32 $0xFFFFFFB0  }
0x7c: {  	[spmem:s23] =	stream.linear.scatter [tilespmem:s0], [sflag:$0x3], $0x50, $0x38;
	[tilespmem:$0x1FB00] =	vst v63  }
0x7d: {  	_ =	swait.ge [sflag:s1], $0x50  }
0x7e: {  	[sflag:s1] =	ssyncset.done $0x0  }
0x7f: {  	[sflag:s1] =	ssyncadd.s32 $0xFFFFFFB0  }
0x80: {  	_ =	swait.ge [sflag:s28], $0x2780  }
0x81: {  	[sflag:s28] =	ssyncset.done $0x0  }
0x82: {  	[sflag:s28] =	ssyncadd.s32 $0xFFFFD880  }
0x83: {  	_ =	swait.ge [sflag:s29], $0x3E80  }
0x84: {  	[sflag:s29] =	ssyncset.done $0x0  }
0x85: {  	[sflag:s29] =	ssyncadd.s32 $0xFFFFC180  }
0x86: {  	s13 =	simm.s32 $0x0;
	[bflag:$0x0] =	sbarrier.arrive $0xFFFF  }
0x87: {  	[tilespmem:s31], [sflag:$0x1] =	stream.indirect.gather [hbm4b:s5+s30], $0x80, s13, s30, $0xb8;
	[tilespmem:$0x1FB00] =	vst v63  }
0x88: {  	_ = 	snop  }
0x89: {  	[tilespmem:s4], [sflag:$0x2] =	stream.indirect.gather [hbm4b:s5+s30], $0x80, s30, s30, $0xb8;
	[tilespmem:$0x1FB00] =	vst v63  }
0x8a: {  	_ =	swait.ge [sflag:s28], $0x2800  }
0x8b: {  	[sflag:s28] =	ssyncset.done $0x0  }
0x8c: {  	s14 =	simm.s32 $0x2780;
	[sflag:s28] =	ssyncadd.s32 $0xFFFFD800  }
0x8d: {  	[spmem:s2] =	stream.indirect.scatter.add.f32 [tilespmem:s31], [sflag:$0x3], $0x80, s14, s30, $0xb8;
	[tilespmem:$0x1FB00] =	vst v63  }
0x8e: {  	_ =	swait.ge [sflag:s1], $0x2800  }
0x8f: {  	[sflag:s1] =	ssyncset.done $0x0  }
0x90: {  	[sflag:s1] =	ssyncadd.s32 $0xFFFFD800  }
0x91: {  	[spmem:s3] =	stream.indirect.scatter.add.f32 [tilespmem:s6], [sflag:$0x3], $0x1, s14, s30, $0xb8;
	[tilespmem:$0x1FB00] =	vst v63  }
0x92: {  	_ =	swait.ge [sflag:s1], $0x50  }
0x93: {  	[sflag:s1] =	ssyncset.done $0x0  }
0x94: {  	s15 =	simm.s32 $0xA0;
	[sflag:s1] =	ssyncadd.s32 $0xFFFFFFB0  }
0x95: {  	[tilespmem:s31], [sflag:$0x1] =	stream.indirect.gather [hbm4b:s5+s30], $0x80, s15, s30, $0xb8;
	[tilespmem:$0x1FB00] =	vst v63  }
0x96: {  	_ =	swait.ge [sflag:s29], $0x2800  }
0x97: {  	[sflag:s29] =	ssyncset.done $0x0  }
0x98: {  	s17 =	simm.s32 $0x2800;
	[sflag:s29] =	ssyncadd.s32 $0xFFFFD800  }
0x99: {  	[spmem:s2] =	stream.indirect.scatter.add.f32 [tilespmem:s4], [sflag:$0x3], $0x80, s17, s30, $0xb8;
	[tilespmem:$0x1FB00] =	vst v63  }
0x9a: {  	_ =	swait.ge [sflag:s1], $0x2800  }
0x9b: {  	[sflag:s1] =	ssyncset.done $0x0  }
0x9c: {  	[sflag:s1] =	ssyncadd.s32 $0xFFFFD800  }
0x9d: {  	[spmem:s3] =	stream.indirect.scatter.add.f32 [tilespmem:s6], [sflag:$0x3], $0x1, s17, s30, $0xb8;
	[tilespmem:$0x1FB00] =	vst v63  }
0x9e: {  	_ =	swait.ge [sflag:s1], $0x50  }
0x9f: {  	s12 =	simm.s32 $0xF0;
	[sflag:s1] =	ssyncset.done $0x0  }
0xa0: {  	s13 =	simm.s32 $0x400;
	s14 =	simm.s32 $0x190;
	[sflag:s1] =	ssyncadd.s32 $0xFFFFFFB0  }
.LBB2_4:
0xa1: {  	[tilespmem:s4], [sflag:$0x2] =	stream.indirect.gather [hbm4b:s5+s30], $0x80, s12, s30, $0xb8;
	[tilespmem:$0x1FB00] =	vst v63  }
0xa2: {  	s15 =	smov.u32 s13;
	s12 =	smov.u32 s14  }
0xa3: {  	p0 =	sne.s32 s13, $0xF000;
	s13 =	sadd.s32 $0x400, s13;
	_ =	swait.ge [sflag:s28], $0x2800  }
0xa4: {  	s15 =	sshra.s32 s15, $0x2;
	[sflag:s28] =	ssyncset.done $0x0  }
0xa5: {  	s17 =	sadd.s32 $0x2780, s15;
	[sflag:s28] =	ssyncadd.s32 $0xFFFFD800  }
0xa6: {  	[spmem:s2] =	stream.indirect.scatter.add.f32 [tilespmem:s31], [sflag:$0x3], $0x80, s17, s30, $0xb8;
	[tilespmem:$0x1FB00] =	vst v63  }
0xa7: {  	_ =	swait.ge [sflag:s1], $0x2800  }
0xa8: {  	[sflag:s1] =	ssyncset.done $0x0  }
0xa9: {  	[sflag:s1] =	ssyncadd.s32 $0xFFFFD800  }
0xaa: {  	[spmem:s3] =	stream.indirect.scatter.add.f32 [tilespmem:s6], [sflag:$0x3], $0x1, s17, s30, $0xb8;
	[tilespmem:$0x1FB00] =	vst v63  }
0xab: {  	_ =	swait.ge [sflag:s1], $0x50  }
0xac: {  	[sflag:s1] =	ssyncset.done $0x0  }
0xad: {  	s17 =	sadd.s32 $0xFFFFFFB0, s14;
	[sflag:s1] =	ssyncadd.s32 $0xFFFFFFB0  }
0xae: {  	[tilespmem:s31], [sflag:$0x1] =	stream.indirect.gather [hbm4b:s5+s30], $0x80, s17, s30, $0xb8;
	[tilespmem:$0x1FB00] =	vst v63  }
0xaf: {  	_ =	swait.ge [sflag:s29], $0x2800  }
0xb0: {  	[sflag:s29] =	ssyncset.done $0x0  }
0xb1: {  	s15 =	sadd.s32 $0x2800, s15;
	[sflag:s29] =	ssyncadd.s32 $0xFFFFD800  }
0xb2: {  	[spmem:s2] =	stream.indirect.scatter.add.f32 [tilespmem:s4], [sflag:$0x3], $0x80, s15, s30, $0xb8;
	[tilespmem:$0x1FB00] =	vst v63  }
0xb3: {  	_ =	swait.ge [sflag:s1], $0x2800  }
0xb4: {  	[sflag:s1] =	ssyncset.done $0x0  }
.Ltmp1:
0xb5: {  	[sflag:s1] =	ssyncadd.s32 $0xFFFFD800;
	(pc) =	sbr.rel @p0 .LBB2_4-.Ltmp1, $4  }
0xb6: {  	[spmem:s3] =	stream.indirect.scatter.add.f32 [tilespmem:s6], [sflag:$0x3], $0x1, s15, s30, $0xb8;
	[tilespmem:$0x1FB00] =	vst v63  }
0xb7: {  	_ =	swait.ge [sflag:s1], $0x50  }
0xb8: {  	[sflag:s1] =	ssyncset.done $0x0  }
0xb9: {  	s14 =	sadd.s32 $0xA0, s14;
	[sflag:s1] =	ssyncadd.s32 $0xFFFFFFB0  }
0xba: {  	[tilespmem:s4], [sflag:$0x2] =	stream.indirect.gather [hbm4b:s5+s30], $0x80, s12, s30, $0xb8;
	[tilespmem:$0x1FB00] =	vst v63  }
0xbb: {  	_ =	swait.ge [sflag:s28], $0x2800  }
0xbc: {  	[sflag:s28] =	ssyncset.done $0x0  }
0xbd: {  	[sflag:s28] =	ssyncadd.s32 $0xFFFFD800  }
0xbe: {  	[spmem:s2] =	stream.indirect.scatter.add.f32 [tilespmem:s31], [sflag:$0x3], $0x80, s7, s30, $0xb8;
	[tilespmem:$0x1FB00] =	vst v63  }
0xbf: {  	_ =	swait.ge [sflag:s1], $0x2800  }
0xc0: {  	[sflag:s1] =	ssyncset.done $0x0  }
0xc1: {  	[sflag:s1] =	ssyncadd.s32 $0xFFFFD800  }
0xc2: {  	[spmem:s3] =	stream.indirect.scatter.add.f32 [tilespmem:s6], [sflag:$0x3], $0x1, s7, s30, $0xb8;
	[tilespmem:$0x1FB00] =	vst v63  }
0xc3: {  	_ =	swait.ge [sflag:s1], $0x50  }
0xc4: {  	[sflag:s1] =	ssyncset.done $0x0  }
0xc5: {  	s14 =	simm.s32 $0x26C0;
	[sflag:s1] =	ssyncadd.s32 $0xFFFFFFB0  }
0xc6: {  	[tilespmem:s31], [sflag:$0x1] =	stream.indirect.gather [hbm4b:s5+s30], $0x80, s14, s30, $0xb8;
	[tilespmem:$0x1FB00] =	vst v63  }
0xc7: {  	_ =	swait.ge [sflag:s29], $0x2800  }
0xc8: {  	[sflag:s29] =	ssyncset.done $0x0  }
0xc9: {  	[sflag:s29] =	ssyncadd.s32 $0xFFFFD800  }
0xca: {  	[spmem:s2] =	stream.indirect.scatter.add.f32 [tilespmem:s4], [sflag:$0x3], $0x80, s9, s30, $0xb8;
	[tilespmem:$0x1FB00] =	vst v63  }
0xcb: {  	_ =	swait.ge [sflag:s1], $0x2800  }
0xcc: {  	[sflag:s1] =	ssyncset.done $0x0  }
0xcd: {  	[sflag:s1] =	ssyncadd.s32 $0xFFFFD800  }
0xce: {  	[spmem:s3] =	stream.indirect.scatter.add.f32 [tilespmem:s6], [sflag:$0x3], $0x1, s9, s30, $0xb8;
	[tilespmem:$0x1FB00] =	vst v63  }
0xcf: {  	_ =	swait.ge [sflag:s1], $0x50  }
0xd0: {  	[sflag:s1] =	ssyncset.done $0x0  }
0xd1: {  	[sflag:s1] =	ssyncadd.s32 $0xFFFFFFB0  }
0xd2: {  	_ =	swait.ge [sflag:s28], $0x2800  }
0xd3: {  	[sflag:s28] =	ssyncset.done $0x0  }
0xd4: {  	[sflag:s28] =	ssyncadd.s32 $0xFFFFD800  }
0xd5: {  	[spmem:s2] =	stream.indirect.scatter.add.f32 [tilespmem:s31], [sflag:$0x3], $0x80, s10, s30, $0xb8;
	[tilespmem:$0x1FB00] =	vst v63  }
0xd6: {  	_ =	swait.ge [sflag:s1], $0x2800  }
0xd7: {  	[sflag:s1] =	ssyncset.done $0x0  }
0xd8: {  	[sflag:s1] =	ssyncadd.s32 $0xFFFFD800  }
0xd9: {  	[spmem:s3] =	stream.indirect.scatter.add.f32 [tilespmem:s6], [sflag:$0x3], $0x1, s10, s30, $0xb8;
	[tilespmem:$0x1FB00] =	vst v63  }
0xda: {  	_ =	swait.ge [sflag:s1], $0x50  }
0xdb: {  	s15 =	stileid.u32;
	[sflag:s1] =	ssyncset.done $0x0  }
0xdc: {  	s12 =	sshll.u32 s15, $0x6;
	[sflag:s1] =	ssyncadd.s32 $0xFFFFFFB0  }
0xdd: {  	s13 =	sshrl.u32 s8, $0x3;
	s12 =	sor.u32 $0x1C03, s12;
	[bflag:$0x0] =	sbarrier.arrive $0xFFFF  }
0xde: {  	[hbm:s24], [sflag:s12] =	dma.local [spmem:s13], $0x2800  }
0xdf: {  	s11 =	sadd.s32 $0x1, s11;
	_ =	swait.ge [sflag:s1], $0x2800  }
0xe0: {  	p0 =	sne.s32 s11, s26;
	[sflag:s1] =	ssyncset.done $0x0  }
.Ltmp2:
0xe1: {  	s17 =	sshrl.u32 s16, $0x3;
	[sflag:s1] =	ssyncadd.s32 $0xFFFFD800;
	(pc) =	sbr.rel @p0 .LBB2_1-.Ltmp2, $4  }
0xe2: {  	[hbm:s25], [sflag:s12] =	dma.local [spmem:s17], $0x50  }
0xe3: {  	_ =	swait.ge [sflag:s1], $0x50  }
0xe4: {  	[sflag:s1] =	ssyncset.done $0x0  }
0xe5: {  	[sflag:s1] =	ssyncadd.s32 $0xFFFFFFB0  }
0xe6: {  	_ =	sfence.sel $0x180000  }
0xe7: {  	[bflag:$0x0] =	sbarrier.arrive $0xFFFF  }
0xe8: {  	_ =	strace $0x90000047  }
0xe9: {  	s0 =	stileid.u32;
	[bflag:$0x2] =	sbarrier.arrive $0xFFFF  }
0xea: {  	p0 =	sne.s32 s0, $0x0;
	s0 =	rddreg [dreg:$0x4]  }
0xeb: {  	s0 =	sadd.s32 @!p0 $0x100000, s0  }
0xec: {  	[sflag:s0] =	ssyncadd.tile.s32 @!p0 $0x1;
	_ =	shalt  }
.Lfunc_end2:
_tile_overlayer_lowered:
.L_overlay_start_2:
0xed: {  	(tag) =	ssettag $0x2  }
0xee: {  	s0 =	rddreg [dreg:$0x0];
	s2 =	stileid.u32  }
0xef: {  	s1 =	rddreg [dreg:$0x1];
	p0 =	sne.s32 s2, $0x0  }
0xf0: {  	s3 =	rddreg [dreg:$0x2];
	[bflag:$0x3] =	sbarrier.arrive $0xFFFF;
	s2 =	simm.s32 @!p0 $0x1C03  }
0xf1: {  	[timem:s3], [sflag:s2] =	dma.local @!p0 [hbm:s0], s1  }
0xf2: {  	s0 =	simm.s32 @!p0 $0x3  }
0xf3: {  	_ =	swait.ge @!p0 [sflag:s0], s1  }
0xf4: {  	s1 =	ssub.s32 @!p0 $0x0, s1;
	[sflag:s0] =	ssyncset.done @!p0 $0x0  }
0xf5: {  	[sflag:s0] =	ssyncadd.s32 @!p0 s1  }
0xf6: {  	[bflag:$0x3] =	sbarrier.arrive $0xFFFF  }
0xf7: {  	_ =	shalt  }

</sc_bundles>
